<compile_context>
chip_gen: v7x
topology: tpu7x:2x2x1
jax: 0.10.2.dev20260603
libtpu: 0.0.44.dev20260713+nightly
codegen_flags: <defaults>
</compile_context>

<pallas_src>
import functools

import jax
import jax.numpy as jnp
from jax import lax
from jax.experimental import pallas as pl
from jax.experimental.pallas import tpu as pltpu
from jax.experimental.pallas import tpu_sc as plsc

N_NODES = 10000
NP = 10112
E_EDGES = 320000
NW = 32
CK = 128
CH = 80
EP = NW * CH * CK
TOT = EP // CK
N0 = TOT // 16
D = 128
NB = 64
ROWS_PER_TILE = NP // 16



def _deg_body(dst_hbm, z_hbm, ones_hbm, out_hbm, didx, onesb, degS):
    cid = lax.axis_index("c")
    sid = lax.axis_index("s")
    wid = sid * 2 + cid
    r0 = sid * ROWS_PER_TILE
    pltpu.sync_copy(z_hbm.at[pl.ds(r0, ROWS_PER_TILE)],
                    degS.at[pl.ds(r0, ROWS_PER_TILE)])
    pltpu.sync_copy(dst_hbm.at[pl.ds(wid * CH, CH)], didx)
    pltpu.sync_copy(ones_hbm, onesb)
    plsc.subcore_barrier()

    def body(c, carry):
        pltpu.sync_copy(onesb, degS.at[didx.at[c]], add=True)
        return carry

    lax.fori_loop(0, CH, body, 0)
    plsc.subcore_barrier()
    pltpu.sync_copy(degS.at[pl.ds(r0, ROWS_PER_TILE)],
                    out_hbm.at[cid, pl.ds(r0, ROWS_PER_TILE)])


@functools.lru_cache(maxsize=None)
def _deg_call():
    return pl.kernel(
        _deg_body,
        out_type=jax.ShapeDtypeStruct((2, NP, 16), jnp.float32),
        mesh=plsc.VectorSubcoreMesh(core_axis_name="c", subcore_axis_name="s"),
        scratch_types=[
            pltpu.VMEM((CH, CK), jnp.int32),
            pltpu.VMEM((CK, 16), jnp.float32),
            pltpu.VMEM_SHARED((NP, 16), jnp.float32),
        ],
        compiler_params=pltpu.CompilerParams(use_tc_tiling_on_sc=False),
    )


def _agg_body(hp_hbm, z_hbm, src_hbm, dst_hbm, out_hbm,
              sring, dring, gbuf, aggS,
              isem0, isem1, gsem0, gsem1, ssem0, ssem1):
    sid = lax.axis_index("s")
    r0 = sid * ROWS_PER_TILE
    isem = (isem0, isem1)
    gsem = (gsem0, gsem1)
    ssem = (ssem0, ssem1)

    pltpu.sync_copy(z_hbm.at[pl.ds(r0, ROWS_PER_TILE)],
                    aggS.at[pl.ds(r0, ROWS_PER_TILE)])
    plsc.subcore_barrier()

    def pipeline(base, n):

        def idx_fire(c, slot):
            pltpu.async_copy(src_hbm.at[base + c], sring.at[slot],
                             isem[slot % 2])
            pltpu.async_copy(dst_hbm.at[base + c], dring.at[slot],
                             isem[slot % 2])

        def idx_wait(c, slot):
            pltpu.make_async_copy(src_hbm.at[base + c], sring.at[slot],
                                  isem[slot % 2]).wait()
            pltpu.make_async_copy(dst_hbm.at[base + c], dring.at[slot],
                                  isem[slot % 2]).wait()

        idx_fire(0, 0)
        idx_fire(1, 1)
        idx_wait(0, 0)
        pltpu.async_copy(hp_hbm.at[sring.at[0]], gbuf.at[0], gsem[0])
        idx_fire(2, 2)

        def body(p, carry):
            for k in range(4):
                c = 4 * p + k
                kp = (k + 1) % 4

                @pl.when(c + 1 < n)
                def _():
                    idx_wait(c + 1, kp)
                    @pl.when(c >= 1)
                    def _():
                        pltpu.make_async_copy(gbuf.at[kp % 2],
                                              aggS.at[pl.ds(0, CK)],
                                              ssem[kp % 2]).wait()
                    pltpu.async_copy(hp_hbm.at[sring.at[kp]], gbuf.at[kp % 2],
                                     gsem[kp % 2])

                @pl.when(c + 3 < n)
                def _():
                    idx_fire(c + 3, (k + 3) % 4)

                pltpu.make_async_copy(hp_hbm.at[sring.at[k]], gbuf.at[k % 2],
                                      gsem[k % 2]).wait()
                pltpu.async_copy(gbuf.at[k % 2], aggS.at[dring.at[k]],
                                 ssem[k % 2], add=True)
            return carry

        lax.fori_loop(0, n // 4, body, 0)
        pltpu.make_async_copy(gbuf.at[0], aggS.at[pl.ds(0, CK)], ssem[0]).wait()
        pltpu.make_async_copy(gbuf.at[1], aggS.at[pl.ds(0, CK)], ssem[1]).wait()

    pipeline(sid * N0, N0)

    plsc.subcore_barrier()
    pltpu.sync_copy(aggS.at[pl.ds(r0, ROWS_PER_TILE)],
                    out_hbm.at[pl.ds(r0, ROWS_PER_TILE)])


@functools.lru_cache(maxsize=None)
def _agg_call():
    return pl.kernel(
        _agg_body,
        out_type=jax.ShapeDtypeStruct((NP, D), jnp.float32),
        mesh=plsc.VectorSubcoreMesh(core_axis_name="c", subcore_axis_name="s",
                                    num_cores=1),
        scratch_types=[
            pltpu.VMEM((4, CK), jnp.int32),
            pltpu.VMEM((4, CK), jnp.int32),
            pltpu.VMEM((2, CK, D), jnp.float32),
            pltpu.VMEM_SHARED((NP, D), jnp.float32),
            pltpu.SemaphoreType.DMA,
            pltpu.SemaphoreType.DMA,
            pltpu.SemaphoreType.DMA,
            pltpu.SemaphoreType.DMA,
            pltpu.SemaphoreType.DMA,
            pltpu.SemaphoreType.DMA,
        ],
    )



def _leaky(a):
    return jnp.where(a >= 0, a, 0.01 * a)


def _prep_body(x_ref, d0_ref, d1_ref, w_ref, hp_ref, dinv_ref):
    deg = d0_ref[...] + d1_ref[...] + 1.0
    dinv = lax.rsqrt(jnp.maximum(deg, 1e-12))
    dinv_ref[...] = jnp.broadcast_to(dinv, (128, D))
    hp_ref[...] = jnp.dot(x_ref[...], w_ref[...],
                          preferred_element_type=jnp.float32) * dinv


def _mid_body(s0_ref, hp_ref, dinv_ref, b_ref, w_ref, out_ref):
    a = (s0_ref[...] + hp_ref[...]) * dinv_ref[...] + b_ref[...]
    h = _leaky(a)
    out_ref[...] = jnp.dot(h, w_ref[...],
                           preferred_element_type=jnp.float32) * dinv_ref[...]


def _final_body(s0_ref, hp_ref, dinv_ref, b2_ref, batch_ref, gf_ref,
                wf1a_ref, wf1b_ref, bf1_ref, wf2_ref, bf2_ref, wf3_ref,
                bf3_ref, out_ref, pool_ref, cnt_ref):
    i = pl.program_id(0)

    @pl.when(i == 0)
    def _():
        pool_ref[...] = jnp.zeros((NB, D), jnp.float32)
        cnt_ref[...] = jnp.zeros((NB, 1), jnp.float32)

    a = (s0_ref[...] + hp_ref[...]) * dinv_ref[...] + b2_ref[...]
    h2 = _leaky(a)
    bid = batch_ref[...]
    ohT = (bid == lax.broadcasted_iota(jnp.int32, (128, NB), 1)
           ).astype(jnp.float32)
    pool_ref[...] += lax.dot_general(
        ohT, h2, (((0,), (0,)), ((), ())),
        preferred_element_type=jnp.float32)
    cnt_ref[...] += lax.dot_general(
        ohT, jnp.ones((128, 1), jnp.float32), (((0,), (0,)), ((), ())),
        preferred_element_type=jnp.float32)

    @pl.when(i == pl.num_programs(0) - 1)
    def _():
        pool = pool_ref[...] / jnp.maximum(cnt_ref[...], 1.0)
        z = jnp.dot(pool, wf1a_ref[...], preferred_element_type=jnp.float32)
        z += jnp.dot(gf_ref[...], wf1b_ref[...],
                     preferred_element_type=jnp.float32)
        z = _leaky(z + bf1_ref[...])
        z = _leaky(jnp.dot(z, wf2_ref[...], preferred_element_type=jnp.float32) + bf2_ref[...])
        z = _leaky(jnp.dot(z, wf3_ref[...], preferred_element_type=jnp.float32) + bf3_ref[...])
        out_ref[...] = z


def _row_spec(i_map=None):
    return pl.BlockSpec((128, D), i_map or (lambda i: (i, 0)))


def _col_spec():
    return pl.BlockSpec((128, 1), lambda i: (i, 0))


def _full_spec(shape):
    return pl.BlockSpec(shape, lambda i: tuple(0 for _ in shape))


_prep_call = pl.pallas_call(
    _prep_body,
    grid=(NP // 128,),
    in_specs=[_row_spec(), _col_spec(), _col_spec(), _full_spec((D, D))],
    out_specs=[_row_spec(), _row_spec()],
    out_shape=[jax.ShapeDtypeStruct((NP, D), jnp.float32)] * 2,
)

_mid_call = pl.pallas_call(
    _mid_body,
    grid=(NP // 128,),
    in_specs=[_row_spec(), _row_spec(), _row_spec(),
              _full_spec((1, D)), _full_spec((D, D))],
    out_specs=_row_spec(),
    out_shape=jax.ShapeDtypeStruct((NP, D), jnp.float32),
)

_final_call = pl.pallas_call(
    _final_body,
    grid=(NP // 128,),
    in_specs=[_row_spec(), _row_spec(), _row_spec(),
              _full_spec((1, D)), _col_spec(), _full_spec((NB, 16)),
              _full_spec((D, D)), _full_spec((16, D)), _full_spec((1, D)),
              _full_spec((D, 64)), _full_spec((1, 64)), _full_spec((64, 1)),
              _full_spec((1, 1))],
    out_specs=_full_spec((NB, 1)),
    out_shape=jax.ShapeDtypeStruct((NB, 1), jnp.float32),
    scratch_shapes=[pltpu.VMEM((NB, D), jnp.float32),
                    pltpu.VMEM((NB, 1), jnp.float32)],
)



def kernel(x, edge_index, batch, global_features, W1, b1, W2, b2,
           Wf1, bf1, Wf2, bf2, Wf3, bf3):
    src = edge_index[0]
    dst = edge_index[1]
    pad_e = EP - E_EDGES
    srcp = jnp.concatenate(
        [src, jnp.zeros((pad_e,), jnp.int32)]).reshape(TOT, CK)
    dstp = jnp.concatenate(
        [dst, jnp.full((pad_e,), N_NODES, jnp.int32)]).reshape(TOT, CK)
    xpad = jnp.pad(x, ((0, NP - N_NODES), (0, 0)))
    zeros_feat = jnp.zeros((NP, D), jnp.float32)
    zeros_deg = jnp.zeros((NP, 16), jnp.float32)

    ones_rows = jnp.zeros((CK, 16), jnp.float32).at[:, 0].set(1.0)
    degp = _deg_call()(dstp, zeros_deg, ones_rows)
    d0 = degp[0, :, 0:1]
    d1 = degp[1, :, 0:1]
    hp1, dinvb = _prep_call(xpad, d0, d1, W1)

    S1 = _agg_call()(hp1, zeros_feat, srcp, dstp)
    hp2 = _mid_call(S1, hp1, dinvb, b1.reshape(1, D), W2)

    S2 = _agg_call()(hp2, zeros_feat, srcp, dstp)

    batchp = jnp.concatenate(
        [batch, jnp.full((NP - N_NODES,), NB, jnp.int32)]).reshape(NP, 1)
    out = _final_call(S2, hp2, dinvb, b2.reshape(1, D), batchp,
                      global_features, Wf1[:D], Wf1[D:], bf1.reshape(1, D),
                      Wf2, bf2.reshape(1, 64), Wf3, bf3.reshape(1, 1))
    return out

# --- scband reference (transcript-rebuilt; emitter-appended) ---
"""Pipeline reference for scband-modified-gcn-26268019982888 (READ-ONLY COPY).

The authoritative reference and input builder live on the scoring server;
editing this copy changes nothing except your own understanding.
"""

import jax, jax.numpy as jnp
import numpy as np


def setup_inputs(seed: int = 0) -> dict:
    key = jax.random.key(seed)
    ks = jax.random.split(key, 16)
    N, E, D, B, G = 10000, 320000, 128, 64, 16
    x = jax.random.normal(ks[0], (N, D), dtype=jnp.float32)
    edge_index = jax.random.randint(ks[1], (2, E), 0, N, dtype=jnp.int32)
    batch = jnp.sort(jax.random.randint(ks[2], (N,), 0, B, dtype=jnp.int32))
    global_features = jax.random.normal(ks[3], (B, G), dtype=jnp.float32)

    def glorot(k, shape):
        return jax.random.normal(k, shape, dtype=jnp.float32) / np.sqrt(shape[0])

    W1 = glorot(ks[4], (D, 128)); b1 = jnp.zeros((128,), dtype=jnp.float32)
    W2 = glorot(ks[5], (128, 128)); b2 = jnp.zeros((128,), dtype=jnp.float32)
    Wf1 = glorot(ks[6], (128 + G, 128)); bf1 = jnp.zeros((128,), dtype=jnp.float32)
    Wf2 = glorot(ks[7], (128, 64)); bf2 = jnp.zeros((64,), dtype=jnp.float32)
    Wf3 = glorot(ks[8], (64, 1)); bf3 = jnp.zeros((1,), dtype=jnp.float32)
    return {"x": x, "edge_index": edge_index, "batch": batch,
            "global_features": global_features,
            "W1": W1, "b1": b1, "W2": W2, "b2": b2,
            "Wf1": Wf1, "bf1": bf1, "Wf2": Wf2, "bf2": bf2,
            "Wf3": Wf3, "bf3": bf3}


def _gcn_conv(x, src, dst, norm, W, b):
    # GCNConv: x' = D^{-1/2} (A + I) D^{-1/2} (x W) + b
    h = x @ W
    msg = jnp.take(h, src, axis=0) * norm[:, None]
    agg = jax.ops.segment_sum(msg, dst, num_segments=x.shape[0])
    return agg + b


def reference(x, edge_index, batch, global_features, W1, b1, W2, b2, Wf1, bf1, Wf2, bf2, Wf3, bf3):
    N = x.shape[0]
    n_graphs = global_features.shape[0]
    loop = jnp.arange(N, dtype=edge_index.dtype)
    src = jnp.concatenate([edge_index[0], loop])
    dst = jnp.concatenate([edge_index[1], loop])
    deg = jax.ops.segment_sum(jnp.ones(src.shape, jnp.float32), dst, num_segments=N)
    dinv = jax.lax.rsqrt(jnp.maximum(deg, 1e-12))
    norm = jnp.take(dinv, src, axis=0) * jnp.take(dinv, dst, axis=0)

    h = jax.nn.leaky_relu(_gcn_conv(x, src, dst, norm, W1, b1), negative_slope=0.01)
    h = jax.nn.leaky_relu(_gcn_conv(h, src, dst, norm, W2, b2), negative_slope=0.01)

    counts = jax.ops.segment_sum(jnp.ones((N,), jnp.float32), batch, num_segments=n_graphs)
    pool = jax.ops.segment_sum(h, batch, num_segments=n_graphs) / jnp.maximum(counts, 1.0)[:, None]

    z = jnp.concatenate([pool, global_features], axis=1)
    z = jax.nn.leaky_relu(z @ Wf1 + bf1, negative_slope=0.01)
    z = jax.nn.leaky_relu(z @ Wf2 + bf2, negative_slope=0.01)
    z = jax.nn.leaky_relu(z @ Wf3 + bf3, negative_slope=0.01)
    return z

if __name__ == "__main__":
    import jax
    _d = setup_inputs()
    print(jax.jit(kernel)(*tuple(_d.values())))

</pallas_src>

<mosaic_0001>
#map = affine_map<(d0, d1) -> (0, 0)>
#map1 = affine_map<(d0, d1) -> (0, 0, 0)>
module attributes {stable_mosaic.version = 14 : i64} {
  func.func @_deg_body(%arg0: i32, %arg1: i32, %arg2: memref<2560x128xi32, #tpu.memory_space<hbm>>, %arg3: memref<10112x16xf32, #tpu.memory_space<hbm>>, %arg4: memref<128x16xf32, #tpu.memory_space<hbm>>, %arg5: memref<2x10112x16xf32, #tpu.memory_space<hbm>>, %arg6: memref<80x128xi32, #tpu.memory_space<vmem>>, %arg7: memref<128x16xf32, #tpu.memory_space<vmem>>, %arg8: memref<10112x16xf32, #tpu.memory_space<vmem_shared>>) attributes {dimension_semantics = [#tpu.dimension_semantics<core_parallel>, #tpu.dimension_semantics<subcore_parallel>], iteration_bounds = array<i64: 2, 16>, scalar_prefetch = 0 : i64, scratch_operands = 3 : i64, tpu.core_type = #tpu.core_type<sc_vector_subcore>, window_params = [{transform_indices = #map}, {transform_indices = #map}, {transform_indices = #map}, {transform_indices = #map1}]} {
    %mul3A = arith.constant 2 : i32
    %mul3A_0 = arith.muli %arg1, %mul3A : i32
    %add3A = arith.addi %mul3A_0, %arg0 : i32
    %mul3A_1 = arith.constant 632 : i32
    %mul3A_2 = arith.muli %arg1, %mul3A_1 : i32
    "tpu.region"() ({
      %run_scoped3A = tpu.sem_alloc : memref<!tpu.dma_semaphore, #tpu.memory_space<semaphore_mem>>
      %dma_start3A = arith.constant 0 : i32
      %dma_start3A_11 = tpu.memref_slice %arg8[%mul3A_2, %dma_start3A] : memref<10112x16xf32, #tpu.memory_space<vmem_shared>> -> memref<632x16xf32, #tpu.memory_space<vmem_shared>>
      %dma_start3A_12 = arith.constant 0 : i32
      %dma_start3A_13 = tpu.memref_slice %arg3[%mul3A_2, %dma_start3A_12] : memref<10112x16xf32, #tpu.memory_space<hbm>> -> memref<632x16xf32, #tpu.memory_space<hbm>>
      tpu.enqueue_dma source(%dma_start3A_13 : memref<632x16xf32, #tpu.memory_space<hbm>>) target(%dma_start3A_11 : memref<632x16xf32, #tpu.memory_space<vmem_shared>>) target_semaphore(%run_scoped3A : memref<!tpu.dma_semaphore, #tpu.memory_space<semaphore_mem>>)
      %dma_wait3A = arith.constant 0 : i32
      %dma_wait3A_14 = tpu.memref_slice %arg8[%mul3A_2, %dma_wait3A] : memref<10112x16xf32, #tpu.memory_space<vmem_shared>> -> memref<632x16xf32, #tpu.memory_space<vmem_shared>>
      %dma_wait3A_15 = arith.constant 0 : i32
      %dma_wait3A_16 = tpu.memref_slice %arg3[%mul3A_2, %dma_wait3A_15] : memref<10112x16xf32, #tpu.memory_space<hbm>> -> memref<632x16xf32, #tpu.memory_space<hbm>>
      tpu.wait_dma2 semaphore(%run_scoped3A : memref<!tpu.dma_semaphore, #tpu.memory_space<semaphore_mem>>) src(%dma_wait3A_16 : memref<632x16xf32, #tpu.memory_space<hbm>>) dst(%dma_wait3A_14 : memref<632x16xf32, #tpu.memory_space<vmem_shared>>)
      tpu.yield
    }) : () -> ()
    %mul3A_3 = arith.constant 80 : i32
    %mul3A_4 = arith.muli %add3A, %mul3A_3 : i32
    "tpu.region"() ({
      %run_scoped3A = tpu.sem_alloc : memref<!tpu.dma_semaphore, #tpu.memory_space<semaphore_mem>>
      %dma_start3A = arith.constant 0 : i32
      %dma_start3A_11 = tpu.memref_slice %arg2[%mul3A_4, %dma_start3A] : memref<2560x128xi32, #tpu.memory_space<hbm>> -> memref<80x128xi32, #tpu.memory_space<hbm>>
      %dma_start3A_12 = arith.constant 0 : i32
      %dma_start3A_13 = tpu.memref_slice %arg2[%mul3A_4, %dma_start3A_12] : memref<2560x128xi32, #tpu.memory_space<hbm>> -> memref<80x128xi32, #tpu.memory_space<hbm>>
      tpu.enqueue_dma source(%dma_start3A_13 : memref<80x128xi32, #tpu.memory_space<hbm>>) target(%arg6 : memref<80x128xi32, #tpu.memory_space<vmem>>) target_semaphore(%run_scoped3A : memref<!tpu.dma_semaphore, #tpu.memory_space<semaphore_mem>>)
      %dma_wait3A = arith.constant 0 : i32
      %dma_wait3A_14 = tpu.memref_slice %arg2[%mul3A_4, %dma_wait3A] : memref<2560x128xi32, #tpu.memory_space<hbm>> -> memref<80x128xi32, #tpu.memory_space<hbm>>
      %dma_wait3A_15 = arith.constant 0 : i32
      %dma_wait3A_16 = tpu.memref_slice %arg2[%mul3A_4, %dma_wait3A_15] : memref<2560x128xi32, #tpu.memory_space<hbm>> -> memref<80x128xi32, #tpu.memory_space<hbm>>
      tpu.wait_dma2 semaphore(%run_scoped3A : memref<!tpu.dma_semaphore, #tpu.memory_space<semaphore_mem>>) src(%dma_wait3A_16 : memref<80x128xi32, #tpu.memory_space<hbm>>) dst(%arg6 : memref<80x128xi32, #tpu.memory_space<vmem>>)
      tpu.yield
    }) : () -> ()
    "tpu.region"() ({
      %run_scoped3A = tpu.sem_alloc : memref<!tpu.dma_semaphore, #tpu.memory_space<semaphore_mem>>
      tpu.enqueue_dma source(%arg4 : memref<128x16xf32, #tpu.memory_space<hbm>>) target(%arg7 : memref<128x16xf32, #tpu.memory_space<vmem>>) target_semaphore(%run_scoped3A : memref<!tpu.dma_semaphore, #tpu.memory_space<semaphore_mem>>)
      tpu.wait_dma2 semaphore(%run_scoped3A : memref<!tpu.dma_semaphore, #tpu.memory_space<semaphore_mem>>) src(%arg4 : memref<128x16xf32, #tpu.memory_space<hbm>>) dst(%arg7 : memref<128x16xf32, #tpu.memory_space<vmem>>)
      tpu.yield
    }) : () -> ()
    %barrier3A = arith.constant 0 : index
    tpu.barrier barrier_id(%barrier3A)
    %scan3A = arith.constant 0 : i32
    %scan3A_5 = arith.constant 0 : i32
    %scan3A_6 = arith.constant 80 : i32
    %scan3A_7 = arith.addi %scan3A_5, %scan3A_6 : i32
    %scan3A_8 = arith.constant 1 : i32
    scf.for %scan3A_11 = %scan3A_5 to %scan3A_7 step %scan3A_8  : i32 {
      "tpu.region"() ({
        %run_scoped3A = tpu.sem_alloc : memref<!tpu.dma_semaphore, #tpu.memory_space<semaphore_mem>>
        %dma_start3A = arith.constant 0 : i32
        %dma_start3A_12 = tpu.memref_slice %arg6[%scan3A_11, %dma_start3A] : memref<80x128xi32, #tpu.memory_space<vmem>> -> memref<1x128xi32, #tpu.memory_space<vmem>>
        %dma_start3A_13 = tpu.memref_squeeze %dma_start3A_12 : memref<1x128xi32, #tpu.memory_space<vmem>> -> memref<128xi32, #tpu.memory_space<vmem>>
        %dma_start3A_14 = arith.constant 0 : i32
        %dma_start3A_15 = arith.constant 0 : i32
        %dma_start3A_16 = tpu.memref_slice %arg8[%dma_start3A_14, %dma_start3A_15] : memref<10112x16xf32, #tpu.memory_space<vmem_shared>> -> memref<10112x16xf32, #tpu.memory_space<vmem_shared>>
        tpu.enqueue_indirect_dma source(%arg7 : memref<128x16xf32, #tpu.memory_space<vmem>>) target(%dma_start3A_16 : memref<10112x16xf32, #tpu.memory_space<vmem_shared>>) offsets(%dma_start3A_13 : memref<128xi32, #tpu.memory_space<vmem>>) semaphore(%run_scoped3A : memref<!tpu.dma_semaphore, #tpu.memory_space<semaphore_mem>>) {add = true}
        %dma_wait3A = arith.constant 0 : i32
        %dma_wait3A_17 = tpu.memref_slice %arg6[%scan3A_11, %dma_wait3A] : memref<80x128xi32, #tpu.memory_space<vmem>> -> memref<1x128xi32, #tpu.memory_space<vmem>>
        %dma_wait3A_18 = tpu.memref_squeeze %dma_wait3A_17 : memref<1x128xi32, #tpu.memory_space<vmem>> -> memref<128xi32, #tpu.memory_space<vmem>>
        %dma_wait3A_19 = arith.constant 0 : i32
        %dma_wait3A_20 = arith.constant 0 : i32
        %dma_wait3A_21 = tpu.memref_slice %arg8[%dma_wait3A_19, %dma_wait3A_20] : memref<10112x16xf32, #tpu.memory_space<vmem_shared>> -> memref<10112x16xf32, #tpu.memory_space<vmem_shared>>
        tpu.wait_indirect_dma semaphore(%run_scoped3A : memref<!tpu.dma_semaphore, #tpu.memory_space<semaphore_mem>>) src(%arg7 : memref<128x16xf32, #tpu.memory_space<vmem>>) dst(%dma_wait3A_21 : memref<10112x16xf32, #tpu.memory_space<vmem_shared>>)
        tpu.yield
      }) : () -> ()
    }
    %scan3A_9 = arith.constant 80 : i32
    %barrier3A_10 = arith.constant 0 : index
    tpu.barrier barrier_id(%barrier3A_10)
    "tpu.region"() ({
      %run_scoped3A = tpu.sem_alloc : memref<!tpu.dma_semaphore, #tpu.memory_space<semaphore_mem>>
      %dma_start3A = arith.constant 0 : i32
      %dma_start3A_11 = tpu.memref_slice %arg5[%arg0, %mul3A_2, %dma_start3A] : memref<2x10112x16xf32, #tpu.memory_space<hbm>> -> memref<1x632x16xf32, #tpu.memory_space<hbm>>
      %dma_start3A_12 = tpu.memref_squeeze %dma_start3A_11 : memref<1x632x16xf32, #tpu.memory_space<hbm>> -> memref<632x16xf32, #tpu.memory_space<hbm>>
      %dma_start3A_13 = arith.constant 0 : i32
      %dma_start3A_14 = tpu.memref_slice %arg8[%mul3A_2, %dma_start3A_13] : memref<10112x16xf32, #tpu.memory_space<vmem_shared>> -> memref<632x16xf32, #tpu.memory_space<vmem_shared>>
      tpu.enqueue_dma source(%dma_start3A_14 : memref<632x16xf32, #tpu.memory_space<vmem_shared>>) target(%dma_start3A_12 : memref<632x16xf32, #tpu.memory_space<hbm>>) target_semaphore(%run_scoped3A : memref<!tpu.dma_semaphore, #tpu.memory_space<semaphore_mem>>)
      %dma_wait3A = arith.constant 0 : i32
      %dma_wait3A_15 = tpu.memref_slice %arg5[%arg0, %mul3A_2, %dma_wait3A] : memref<2x10112x16xf32, #tpu.memory_space<hbm>> -> memref<1x632x16xf32, #tpu.memory_space<hbm>>
      %dma_wait3A_16 = tpu.memref_squeeze %dma_wait3A_15 : memref<1x632x16xf32, #tpu.memory_space<hbm>> -> memref<632x16xf32, #tpu.memory_space<hbm>>
      %dma_wait3A_17 = arith.constant 0 : i32
      %dma_wait3A_18 = tpu.memref_slice %arg8[%mul3A_2, %dma_wait3A_17] : memref<10112x16xf32, #tpu.memory_space<vmem_shared>> -> memref<632x16xf32, #tpu.memory_space<vmem_shared>>
      tpu.wait_dma2 semaphore(%run_scoped3A : memref<!tpu.dma_semaphore, #tpu.memory_space<semaphore_mem>>) src(%dma_wait3A_18 : memref<632x16xf32, #tpu.memory_space<vmem_shared>>) dst(%dma_wait3A_16 : memref<632x16xf32, #tpu.memory_space<hbm>>)
      tpu.yield
    }) : () -> ()
    return
  }
}

#map = affine_map<(d0, d1) -> (0, 0)>
module attributes {stable_mosaic.version = 14 : i64} {
  func.func @_agg_body(%arg0: i32, %arg1: i32, %arg2: memref<10112x128xf32, #tpu.memory_space<hbm>>, %arg3: memref<10112x128xf32, #tpu.memory_space<hbm>>, %arg4: memref<2560x128xi32, #tpu.memory_space<hbm>>, %arg5: memref<2560x128xi32, #tpu.memory_space<hbm>>, %arg6: memref<10112x128xf32, #tpu.memory_space<hbm>>, %arg7: memref<4x128xi32, #tpu.memory_space<vmem>>, %arg8: memref<4x128xi32, #tpu.memory_space<vmem>>, %arg9: memref<2x128x128xf32, #tpu.memory_space<vmem>>, %arg10: memref<10112x128xf32, #tpu.memory_space<vmem_shared>>, %arg11: memref<!tpu.dma_semaphore, #tpu.memory_space<semaphore_mem>>, %arg12: memref<!tpu.dma_semaphore, #tpu.memory_space<semaphore_mem>>, %arg13: memref<!tpu.dma_semaphore, #tpu.memory_space<semaphore_mem>>, %arg14: memref<!tpu.dma_semaphore, #tpu.memory_space<semaphore_mem>>, %arg15: memref<!tpu.dma_semaphore, #tpu.memory_space<semaphore_mem>>, %arg16: memref<!tpu.dma_semaphore, #tpu.memory_space<semaphore_mem>>) attributes {dimension_semantics = [#tpu.dimension_semantics<core_parallel>, #tpu.dimension_semantics<subcore_parallel>], iteration_bounds = array<i64: 1, 16>, scalar_prefetch = 0 : i64, scratch_operands = 10 : i64, tpu.core_type = #tpu.core_type<sc_vector_subcore>, window_params = [{transform_indices = #map}, {transform_indices = #map}, {transform_indices = #map}, {transform_indices = #map}, {transform_indices = #map}]} {
    %mul3A = arith.constant 632 : i32
    %mul3A_0 = arith.muli %arg1, %mul3A : i32
    "tpu.region"() ({
      %run_scoped3A = tpu.sem_alloc : memref<!tpu.dma_semaphore, #tpu.memory_space<semaphore_mem>>
      %dma_start3A_168 = arith.constant 0 : i32
      %dma_start3A_169 = tpu.memref_slice %arg10[%mul3A_0, %dma_start3A_168] : memref<10112x128xf32, #tpu.memory_space<vmem_shared>> -> memref<632x128xf32, #tpu.memory_space<vmem_shared>>
      %dma_start3A_170 = arith.constant 0 : i32
      %dma_start3A_171 = tpu.memref_slice %arg3[%mul3A_0, %dma_start3A_170] : memref<10112x128xf32, #tpu.memory_space<hbm>> -> memref<632x128xf32, #tpu.memory_space<hbm>>
      tpu.enqueue_dma source(%dma_start3A_171 : memref<632x128xf32, #tpu.memory_space<hbm>>) target(%dma_start3A_169 : memref<632x128xf32, #tpu.memory_space<vmem_shared>>) target_semaphore(%run_scoped3A : memref<!tpu.dma_semaphore, #tpu.memory_space<semaphore_mem>>)
      %dma_wait3A_172 = arith.constant 0 : i32
      %dma_wait3A_173 = tpu.memref_slice %arg10[%mul3A_0, %dma_wait3A_172] : memref<10112x128xf32, #tpu.memory_space<vmem_shared>> -> memref<632x128xf32, #tpu.memory_space<vmem_shared>>
      %dma_wait3A_174 = arith.constant 0 : i32
      %dma_wait3A_175 = tpu.memref_slice %arg3[%mul3A_0, %dma_wait3A_174] : memref<10112x128xf32, #tpu.memory_space<hbm>> -> memref<632x128xf32, #tpu.memory_space<hbm>>
      tpu.wait_dma2 semaphore(%run_scoped3A : memref<!tpu.dma_semaphore, #tpu.memory_space<semaphore_mem>>) src(%dma_wait3A_175 : memref<632x128xf32, #tpu.memory_space<hbm>>) dst(%dma_wait3A_173 : memref<632x128xf32, #tpu.memory_space<vmem_shared>>)
      tpu.yield
    }) : () -> ()
    %barrier3A = arith.constant 0 : index
    tpu.barrier barrier_id(%barrier3A)
    %mul3A_1 = arith.constant 160 : i32
    %mul3A_2 = arith.muli %arg1, %mul3A_1 : i32
    %add3A = arith.constant 0 : i32
    %add3A_3 = arith.addi %mul3A_2, %add3A : i32
    %dma_start3A = arith.constant 0 : i32
    %dma_start3A_4 = arith.constant 0 : i32
    %dma_start3A_5 = tpu.memref_slice %arg7[%dma_start3A, %dma_start3A_4] : memref<4x128xi32, #tpu.memory_space<vmem>> -> memref<1x128xi32, #tpu.memory_space<vmem>>
    %dma_start3A_6 = tpu.memref_squeeze %dma_start3A_5 : memref<1x128xi32, #tpu.memory_space<vmem>> -> memref<128xi32, #tpu.memory_space<vmem>>
    %dma_start3A_7 = arith.constant 0 : i32
    %dma_start3A_8 = tpu.memref_slice %arg4[%add3A_3, %dma_start3A_7] : memref<2560x128xi32, #tpu.memory_space<hbm>> -> memref<1x128xi32, #tpu.memory_space<hbm>>
    %dma_start3A_9 = tpu.memref_squeeze %dma_start3A_8 : memref<1x128xi32, #tpu.memory_space<hbm>> -> memref<128xi32, #tpu.memory_space<hbm>>
    %dma_start3A_10 = arith.constant 0 : i32
    %dma_start3A_11 = tpu.memref_slice %arg7[%dma_start3A, %dma_start3A_10] : memref<4x128xi32, #tpu.memory_space<vmem>> -> memref<1x128xi32, #tpu.memory_space<vmem>>
    %dma_start3A_12 = tpu.memref_squeeze %dma_start3A_11 : memref<1x128xi32, #tpu.memory_space<vmem>> -> memref<128xi32, #tpu.memory_space<vmem>>
    %dma_start3A_13 = arith.constant 0 : i32
    %dma_start3A_14 = tpu.memref_slice %arg4[%add3A_3, %dma_start3A_13] : memref<2560x128xi32, #tpu.memory_space<hbm>> -> memref<1x128xi32, #tpu.memory_space<hbm>>
    %dma_start3A_15 = tpu.memref_squeeze %dma_start3A_14 : memref<1x128xi32, #tpu.memory_space<hbm>> -> memref<128xi32, #tpu.memory_space<hbm>>
    tpu.enqueue_dma source(%dma_start3A_15 : memref<128xi32, #tpu.memory_space<hbm>>) target(%dma_start3A_12 : memref<128xi32, #tpu.memory_space<vmem>>) target_semaphore(%arg11 : memref<!tpu.dma_semaphore, #tpu.memory_space<semaphore_mem>>)
    %add3A_16 = arith.constant 0 : i32
    %add3A_17 = arith.addi %mul3A_2, %add3A_16 : i32
    %dma_start3A_18 = arith.constant 0 : i32
    %dma_start3A_19 = arith.constant 0 : i32
    %dma_start3A_20 = tpu.memref_slice %arg8[%dma_start3A_18, %dma_start3A_19] : memref<4x128xi32, #tpu.memory_space<vmem>> -> memref<1x128xi32, #tpu.memory_space<vmem>>
    %dma_start3A_21 = tpu.memref_squeeze %dma_start3A_20 : memref<1x128xi32, #tpu.memory_space<vmem>> -> memref<128xi32, #tpu.memory_space<vmem>>
    %dma_start3A_22 = arith.constant 0 : i32
    %dma_start3A_23 = tpu.memref_slice %arg5[%add3A_17, %dma_start3A_22] : memref<2560x128xi32, #tpu.memory_space<hbm>> -> memref<1x128xi32, #tpu.memory_space<hbm>>
    %dma_start3A_24 = tpu.memref_squeeze %dma_start3A_23 : memref<1x128xi32, #tpu.memory_space<hbm>> -> memref<128xi32, #tpu.memory_space<hbm>>
    %dma_start3A_25 = arith.constant 0 : i32
    %dma_start3A_26 = tpu.memref_slice %arg8[%dma_start3A_18, %dma_start3A_25] : memref<4x128xi32, #tpu.memory_space<vmem>> -> memref<1x128xi32, #tpu.memory_space<vmem>>
    %dma_start3A_27 = tpu.memref_squeeze %dma_start3A_26 : memref<1x128xi32, #tpu.memory_space<vmem>> -> memref<128xi32, #tpu.memory_space<vmem>>
    %dma_start3A_28 = arith.constant 0 : i32
    %dma_start3A_29 = tpu.memref_slice %arg5[%add3A_17, %dma_start3A_28] : memref<2560x128xi32, #tpu.memory_space<hbm>> -> memref<1x128xi32, #tpu.memory_space<hbm>>
    %dma_start3A_30 = tpu.memref_squeeze %dma_start3A_29 : memref<1x128xi32, #tpu.memory_space<hbm>> -> memref<128xi32, #tpu.memory_space<hbm>>
    tpu.enqueue_dma source(%dma_start3A_30 : memref<128xi32, #tpu.memory_space<hbm>>) target(%dma_start3A_27 : memref<128xi32, #tpu.memory_space<vmem>>) target_semaphore(%arg11 : memref<!tpu.dma_semaphore, #tpu.memory_space<semaphore_mem>>)
    %add3A_31 = arith.constant 1 : i32
    %add3A_32 = arith.addi %mul3A_2, %add3A_31 : i32
    %dma_start3A_33 = arith.constant 1 : i32
    %dma_start3A_34 = arith.constant 0 : i32
    %dma_start3A_35 = tpu.memref_slice %arg7[%dma_start3A_33, %dma_start3A_34] : memref<4x128xi32, #tpu.memory_space<vmem>> -> memref<1x128xi32, #tpu.memory_space<vmem>>
    %dma_start3A_36 = tpu.memref_squeeze %dma_start3A_35 : memref<1x128xi32, #tpu.memory_space<vmem>> -> memref<128xi32, #tpu.memory_space<vmem>>
    %dma_start3A_37 = arith.constant 0 : i32
    %dma_start3A_38 = tpu.memref_slice %arg4[%add3A_32, %dma_start3A_37] : memref<2560x128xi32, #tpu.memory_space<hbm>> -> memref<1x128xi32, #tpu.memory_space<hbm>>
    %dma_start3A_39 = tpu.memref_squeeze %dma_start3A_38 : memref<1x128xi32, #tpu.memory_space<hbm>> -> memref<128xi32, #tpu.memory_space<hbm>>
    %dma_start3A_40 = arith.constant 0 : i32
    %dma_start3A_41 = tpu.memref_slice %arg7[%dma_start3A_33, %dma_start3A_40] : memref<4x128xi32, #tpu.memory_space<vmem>> -> memref<1x128xi32, #tpu.memory_space<vmem>>
    %dma_start3A_42 = tpu.memref_squeeze %dma_start3A_41 : memref<1x128xi32, #tpu.memory_space<vmem>> -> memref<128xi32, #tpu.memory_space<vmem>>
    %dma_start3A_43 = arith.constant 0 : i32
    %dma_start3A_44 = tpu.memref_slice %arg4[%add3A_32, %dma_start3A_43] : memref<2560x128xi32, #tpu.memory_space<hbm>> -> memref<1x128xi32, #tpu.memory_space<hbm>>
    %dma_start3A_45 = tpu.memref_squeeze %dma_start3A_44 : memref<1x128xi32, #tpu.memory_space<hbm>> -> memref<128xi32, #tpu.memory_space<hbm>>
    tpu.enqueue_dma source(%dma_start3A_45 : memref<128xi32, #tpu.memory_space<hbm>>) target(%dma_start3A_42 : memref<128xi32, #tpu.memory_space<vmem>>) target_semaphore(%arg12 : memref<!tpu.dma_semaphore, #tpu.memory_space<semaphore_mem>>)
    %add3A_46 = arith.constant 1 : i32
    %add3A_47 = arith.addi %mul3A_2, %add3A_46 : i32
    %dma_start3A_48 = arith.constant 1 : i32
    %dma_start3A_49 = arith.constant 0 : i32
    %dma_start3A_50 = tpu.memref_slice %arg8[%dma_start3A_48, %dma_start3A_49] : memref<4x128xi32, #tpu.memory_space<vmem>> -> memref<1x128xi32, #tpu.memory_space<vmem>>
    %dma_start3A_51 = tpu.memref_squeeze %dma_start3A_50 : memref<1x128xi32, #tpu.memory_space<vmem>> -> memref<128xi32, #tpu.memory_space<vmem>>
    %dma_start3A_52 = arith.constant 0 : i32
    %dma_start3A_53 = tpu.memref_slice %arg5[%add3A_47, %dma_start3A_52] : memref<2560x128xi32, #tpu.memory_space<hbm>> -> memref<1x128xi32, #tpu.memory_space<hbm>>
    %dma_start3A_54 = tpu.memref_squeeze %dma_start3A_53 : memref<1x128xi32, #tpu.memory_space<hbm>> -> memref<128xi32, #tpu.memory_space<hbm>>
    %dma_start3A_55 = arith.constant 0 : i32
    %dma_start3A_56 = tpu.memref_slice %arg8[%dma_start3A_48, %dma_start3A_55] : memref<4x128xi32, #tpu.memory_space<vmem>> -> memref<1x128xi32, #tpu.memory_space<vmem>>
    %dma_start3A_57 = tpu.memref_squeeze %dma_start3A_56 : memref<1x128xi32, #tpu.memory_space<vmem>> -> memref<128xi32, #tpu.memory_space<vmem>>
    %dma_start3A_58 = arith.constant 0 : i32
    %dma_start3A_59 = tpu.memref_slice %arg5[%add3A_47, %dma_start3A_58] : memref<2560x128xi32, #tpu.memory_space<hbm>> -> memref<1x128xi32, #tpu.memory_space<hbm>>
    %dma_start3A_60 = tpu.memref_squeeze %dma_start3A_59 : memref<1x128xi32, #tpu.memory_space<hbm>> -> memref<128xi32, #tpu.memory_space<hbm>>
    tpu.enqueue_dma source(%dma_start3A_60 : memref<128xi32, #tpu.memory_space<hbm>>) target(%dma_start3A_57 : memref<128xi32, #tpu.memory_space<vmem>>) target_semaphore(%arg12 : memref<!tpu.dma_semaphore, #tpu.memory_space<semaphore_mem>>)
    %add3A_61 = arith.constant 0 : i32
    %add3A_62 = arith.addi %mul3A_2, %add3A_61 : i32
    %dma_wait3A = arith.constant 0 : i32
    %dma_wait3A_63 = arith.constant 0 : i32
    %dma_wait3A_64 = tpu.memref_slice %arg7[%dma_wait3A, %dma_wait3A_63] : memref<4x128xi32, #tpu.memory_space<vmem>> -> memref<1x128xi32, #tpu.memory_space<vmem>>
    %dma_wait3A_65 = tpu.memref_squeeze %dma_wait3A_64 : memref<1x128xi32, #tpu.memory_space<vmem>> -> memref<128xi32, #tpu.memory_space<vmem>>
    %dma_wait3A_66 = arith.constant 0 : i32
    %dma_wait3A_67 = tpu.memref_slice %arg4[%add3A_62, %dma_wait3A_66] : memref<2560x128xi32, #tpu.memory_space<hbm>> -> memref<1x128xi32, #tpu.memory_space<hbm>>
    %dma_wait3A_68 = tpu.memref_squeeze %dma_wait3A_67 : memref<1x128xi32, #tpu.memory_space<hbm>> -> memref<128xi32, #tpu.memory_space<hbm>>
    %dma_wait3A_69 = arith.constant 0 : i32
    %dma_wait3A_70 = tpu.memref_slice %arg7[%dma_wait3A, %dma_wait3A_69] : memref<4x128xi32, #tpu.memory_space<vmem>> -> memref<1x128xi32, #tpu.memory_space<vmem>>
    %dma_wait3A_71 = tpu.memref_squeeze %dma_wait3A_70 : memref<1x128xi32, #tpu.memory_space<vmem>> -> memref<128xi32, #tpu.memory_space<vmem>>
    %dma_wait3A_72 = arith.constant 0 : i32
    %dma_wait3A_73 = tpu.memref_slice %arg4[%add3A_62, %dma_wait3A_72] : memref<2560x128xi32, #tpu.memory_space<hbm>> -> memref<1x128xi32, #tpu.memory_space<hbm>>
    %dma_wait3A_74 = tpu.memref_squeeze %dma_wait3A_73 : memref<1x128xi32, #tpu.memory_space<hbm>> -> memref<128xi32, #tpu.memory_space<hbm>>
    tpu.wait_dma2 semaphore(%arg11 : memref<!tpu.dma_semaphore, #tpu.memory_space<semaphore_mem>>) src(%dma_wait3A_74 : memref<128xi32, #tpu.memory_space<hbm>>) dst(%dma_wait3A_71 : memref<128xi32, #tpu.memory_space<vmem>>)
    %add3A_75 = arith.constant 0 : i32
    %add3A_76 = arith.addi %mul3A_2, %add3A_75 : i32
    %dma_wait3A_77 = arith.constant 0 : i32
    %dma_wait3A_78 = arith.constant 0 : i32
    %dma_wait3A_79 = tpu.memref_slice %arg8[%dma_wait3A_77, %dma_wait3A_78] : memref<4x128xi32, #tpu.memory_space<vmem>> -> memref<1x128xi32, #tpu.memory_space<vmem>>
    %dma_wait3A_80 = tpu.memref_squeeze %dma_wait3A_79 : memref<1x128xi32, #tpu.memory_space<vmem>> -> memref<128xi32, #tpu.memory_space<vmem>>
    %dma_wait3A_81 = arith.constant 0 : i32
    %dma_wait3A_82 = tpu.memref_slice %arg5[%add3A_76, %dma_wait3A_81] : memref<2560x128xi32, #tpu.memory_space<hbm>> -> memref<1x128xi32, #tpu.memory_space<hbm>>
    %dma_wait3A_83 = tpu.memref_squeeze %dma_wait3A_82 : memref<1x128xi32, #tpu.memory_space<hbm>> -> memref<128xi32, #tpu.memory_space<hbm>>
    %dma_wait3A_84 = arith.constant 0 : i32
    %dma_wait3A_85 = tpu.memref_slice %arg8[%dma_wait3A_77, %dma_wait3A_84] : memref<4x128xi32, #tpu.memory_space<vmem>> -> memref<1x128xi32, #tpu.memory_space<vmem>>
    %dma_wait3A_86 = tpu.memref_squeeze %dma_wait3A_85 : memref<1x128xi32, #tpu.memory_space<vmem>> -> memref<128xi32, #tpu.memory_space<vmem>>
    %dma_wait3A_87 = arith.constant 0 : i32
    %dma_wait3A_88 = tpu.memref_slice %arg5[%add3A_76, %dma_wait3A_87] : memref<2560x128xi32, #tpu.memory_space<hbm>> -> memref<1x128xi32, #tpu.memory_space<hbm>>
    %dma_wait3A_89 = tpu.memref_squeeze %dma_wait3A_88 : memref<1x128xi32, #tpu.memory_space<hbm>> -> memref<128xi32, #tpu.memory_space<hbm>>
    tpu.wait_dma2 semaphore(%arg11 : memref<!tpu.dma_semaphore, #tpu.memory_space<semaphore_mem>>) src(%dma_wait3A_89 : memref<128xi32, #tpu.memory_space<hbm>>) dst(%dma_wait3A_86 : memref<128xi32, #tpu.memory_space<vmem>>)
    %dma_start3A_90 = arith.constant 0 : i32
    %dma_start3A_91 = arith.constant 0 : i32
    %dma_start3A_92 = arith.constant 0 : i32
    %dma_start3A_93 = arith.constant 0 : i32
    %dma_start3A_94 = tpu.memref_slice %arg9[%dma_start3A_91, %dma_start3A_92, %dma_start3A_93] : memref<2x128x128xf32, #tpu.memory_space<vmem>> -> memref<1x128x128xf32, #tpu.memory_space<vmem>>
    %dma_start3A_95 = tpu.memref_squeeze %dma_start3A_94 : memref<1x128x128xf32, #tpu.memory_space<vmem>> -> memref<128x128xf32, #tpu.memory_space<vmem>>
    %dma_start3A_96 = arith.constant 0 : i32
    %dma_start3A_97 = tpu.memref_slice %arg7[%dma_start3A_90, %dma_start3A_96] : memref<4x128xi32, #tpu.memory_space<vmem>> -> memref<1x128xi32, #tpu.memory_space<vmem>>
    %dma_start3A_98 = tpu.memref_squeeze %dma_start3A_97 : memref<1x128xi32, #tpu.memory_space<vmem>> -> memref<128xi32, #tpu.memory_space<vmem>>
    %dma_start3A_99 = arith.constant 0 : i32
    %dma_start3A_100 = arith.constant 0 : i32
    %dma_start3A_101 = tpu.memref_slice %arg2[%dma_start3A_99, %dma_start3A_100] : memref<10112x128xf32, #tpu.memory_space<hbm>> -> memref<10112x128xf32, #tpu.memory_space<hbm>>
    tpu.enqueue_indirect_dma source(%dma_start3A_101 : memref<10112x128xf32, #tpu.memory_space<hbm>>) target(%dma_start3A_95 : memref<128x128xf32, #tpu.memory_space<vmem>>) offsets(%dma_start3A_98 : memref<128xi32, #tpu.memory_space<vmem>>) semaphore(%arg13 : memref<!tpu.dma_semaphore, #tpu.memory_space<semaphore_mem>>)
    %add3A_102 = arith.constant 2 : i32
    %add3A_103 = arith.addi %mul3A_2, %add3A_102 : i32
    %dma_start3A_104 = arith.constant 2 : i32
    %dma_start3A_105 = arith.constant 0 : i32
    %dma_start3A_106 = tpu.memref_slice %arg7[%dma_start3A_104, %dma_start3A_105] : memref<4x128xi32, #tpu.memory_space<vmem>> -> memref<1x128xi32, #tpu.memory_space<vmem>>
    %dma_start3A_107 = tpu.memref_squeeze %dma_start3A_106 : memref<1x128xi32, #tpu.memory_space<vmem>> -> memref<128xi32, #tpu.memory_space<vmem>>
    %dma_start3A_108 = arith.constant 0 : i32
    %dma_start3A_109 = tpu.memref_slice %arg4[%add3A_103, %dma_start3A_108] : memref<2560x128xi32, #tpu.memory_space<hbm>> -> memref<1x128xi32, #tpu.memory_space<hbm>>
    %dma_start3A_110 = tpu.memref_squeeze %dma_start3A_109 : memref<1x128xi32, #tpu.memory_space<hbm>> -> memref<128xi32, #tpu.memory_space<hbm>>
    %dma_start3A_111 = arith.constant 0 : i32
    %dma_start3A_112 = tpu.memref_slice %arg7[%dma_start3A_104, %dma_start3A_111] : memref<4x128xi32, #tpu.memory_space<vmem>> -> memref<1x128xi32, #tpu.memory_space<vmem>>
    %dma_start3A_113 = tpu.memref_squeeze %dma_start3A_112 : memref<1x128xi32, #tpu.memory_space<vmem>> -> memref<128xi32, #tpu.memory_space<vmem>>
    %dma_start3A_114 = arith.constant 0 : i32
    %dma_start3A_115 = tpu.memref_slice %arg4[%add3A_103, %dma_start3A_114] : memref<2560x128xi32, #tpu.memory_space<hbm>> -> memref<1x128xi32, #tpu.memory_space<hbm>>
    %dma_start3A_116 = tpu.memref_squeeze %dma_start3A_115 : memref<1x128xi32, #tpu.memory_space<hbm>> -> memref<128xi32, #tpu.memory_space<hbm>>
    tpu.enqueue_dma source(%dma_start3A_116 : memref<128xi32, #tpu.memory_space<hbm>>) target(%dma_start3A_113 : memref<128xi32, #tpu.memory_space<vmem>>) target_semaphore(%arg11 : memref<!tpu.dma_semaphore, #tpu.memory_space<semaphore_mem>>)
    %add3A_117 = arith.constant 2 : i32
    %add3A_118 = arith.addi %mul3A_2, %add3A_117 : i32
    %dma_start3A_119 = arith.constant 2 : i32
    %dma_start3A_120 = arith.constant 0 : i32
    %dma_start3A_121 = tpu.memref_slice %arg8[%dma_start3A_119, %dma_start3A_120] : memref<4x128xi32, #tpu.memory_space<vmem>> -> memref<1x128xi32, #tpu.memory_space<vmem>>
    %dma_start3A_122 = tpu.memref_squeeze %dma_start3A_121 : memref<1x128xi32, #tpu.memory_space<vmem>> -> memref<128xi32, #tpu.memory_space<vmem>>
    %dma_start3A_123 = arith.constant 0 : i32
    %dma_start3A_124 = tpu.memref_slice %arg5[%add3A_118, %dma_start3A_123] : memref<2560x128xi32, #tpu.memory_space<hbm>> -> memref<1x128xi32, #tpu.memory_space<hbm>>
    %dma_start3A_125 = tpu.memref_squeeze %dma_start3A_124 : memref<1x128xi32, #tpu.memory_space<hbm>> -> memref<128xi32, #tpu.memory_space<hbm>>
    %dma_start3A_126 = arith.constant 0 : i32
    %dma_start3A_127 = tpu.memref_slice %arg8[%dma_start3A_119, %dma_start3A_126] : memref<4x128xi32, #tpu.memory_space<vmem>> -> memref<1x128xi32, #tpu.memory_space<vmem>>
    %dma_start3A_128 = tpu.memref_squeeze %dma_start3A_127 : memref<1x128xi32, #tpu.memory_space<vmem>> -> memref<128xi32, #tpu.memory_space<vmem>>
    %dma_start3A_129 = arith.constant 0 : i32
    %dma_start3A_130 = tpu.memref_slice %arg5[%add3A_118, %dma_start3A_129] : memref<2560x128xi32, #tpu.memory_space<hbm>> -> memref<1x128xi32, #tpu.memory_space<hbm>>
    %dma_start3A_131 = tpu.memref_squeeze %dma_start3A_130 : memref<1x128xi32, #tpu.memory_space<hbm>> -> memref<128xi32, #tpu.memory_space<hbm>>
    tpu.enqueue_dma source(%dma_start3A_131 : memref<128xi32, #tpu.memory_space<hbm>>) target(%dma_start3A_128 : memref<128xi32, #tpu.memory_space<vmem>>) target_semaphore(%arg11 : memref<!tpu.dma_semaphore, #tpu.memory_space<semaphore_mem>>)
    %scan3A = arith.constant 0 : i32
    %scan3A_132 = arith.constant 0 : i32
    %scan3A_133 = arith.constant 40 : i32
    %scan3A_134 = arith.addi %scan3A_132, %scan3A_133 : i32
    %scan3A_135 = arith.constant 1 : i32
    scf.for %scan3A_168 = %scan3A_132 to %scan3A_134 step %scan3A_135  : i32 {
      %mul3A_169 = arith.constant 4 : i32
      %mul3A_170 = arith.muli %mul3A_169, %scan3A_168 : i32
      %add3A_171 = arith.constant 0 : i32
      %add3A_172 = arith.addi %mul3A_170, %add3A_171 : i32
      %add3A_173 = arith.constant 1 : i32
      %add3A_174 = arith.addi %add3A_172, %add3A_173 : i32
      %lt3A = arith.constant 160 : i32
      %lt3A_175 = arith.cmpi slt, %add3A_174, %lt3A : i32
      %convert_element_type3A = arith.extui %lt3A_175 : i1 to i32
      %cond3A = arith.constant 0 : i32
      %cond3A_176 = arith.cmpi ne, %convert_element_type3A, %cond3A : i32
      scf.if %cond3A_176 {
        %add3A_334 = arith.constant 1 : i32
        %add3A_335 = arith.addi %add3A_172, %add3A_334 : i32
        %add3A_336 = arith.addi %mul3A_2, %add3A_335 : i32
        %dma_wait3A_337 = arith.constant 1 : i32
        %dma_wait3A_338 = arith.constant 0 : i32
        %dma_wait3A_339 = tpu.memref_slice %arg7[%dma_wait3A_337, %dma_wait3A_338] : memref<4x128xi32, #tpu.memory_space<vmem>> -> memref<1x128xi32, #tpu.memory_space<vmem>>
        %dma_wait3A_340 = tpu.memref_squeeze %dma_wait3A_339 : memref<1x128xi32, #tpu.memory_space<vmem>> -> memref<128xi32, #tpu.memory_space<vmem>>
        %dma_wait3A_341 = arith.constant 0 : i32
        %dma_wait3A_342 = tpu.memref_slice %arg4[%add3A_336, %dma_wait3A_341] : memref<2560x128xi32, #tpu.memory_space<hbm>> -> memref<1x128xi32, #tpu.memory_space<hbm>>
        %dma_wait3A_343 = tpu.memref_squeeze %dma_wait3A_342 : memref<1x128xi32, #tpu.memory_space<hbm>> -> memref<128xi32, #tpu.memory_space<hbm>>
        %dma_wait3A_344 = arith.constant 0 : i32
        %dma_wait3A_345 = tpu.memref_slice %arg7[%dma_wait3A_337, %dma_wait3A_344] : memref<4x128xi32, #tpu.memory_space<vmem>> -> memref<1x128xi32, #tpu.memory_space<vmem>>
        %dma_wait3A_346 = tpu.memref_squeeze %dma_wait3A_345 : memref<1x128xi32, #tpu.memory_space<vmem>> -> memref<128xi32, #tpu.memory_space<vmem>>
        %dma_wait3A_347 = arith.constant 0 : i32
        %dma_wait3A_348 = tpu.memref_slice %arg4[%add3A_336, %dma_wait3A_347] : memref<2560x128xi32, #tpu.memory_space<hbm>> -> memref<1x128xi32, #tpu.memory_space<hbm>>
        %dma_wait3A_349 = tpu.memref_squeeze %dma_wait3A_348 : memref<1x128xi32, #tpu.memory_space<hbm>> -> memref<128xi32, #tpu.memory_space<hbm>>
        tpu.wait_dma2 semaphore(%arg12 : memref<!tpu.dma_semaphore, #tpu.memory_space<semaphore_mem>>) src(%dma_wait3A_349 : memref<128xi32, #tpu.memory_space<hbm>>) dst(%dma_wait3A_346 : memref<128xi32, #tpu.memory_space<vmem>>)
        %add3A_350 = arith.addi %mul3A_2, %add3A_335 : i32
        %dma_wait3A_351 = arith.constant 1 : i32
        %dma_wait3A_352 = arith.constant 0 : i32
        %dma_wait3A_353 = tpu.memref_slice %arg8[%dma_wait3A_351, %dma_wait3A_352] : memref<4x128xi32, #tpu.memory_space<vmem>> -> memref<1x128xi32, #tpu.memory_space<vmem>>
        %dma_wait3A_354 = tpu.memref_squeeze %dma_wait3A_353 : memref<1x128xi32, #tpu.memory_space<vmem>> -> memref<128xi32, #tpu.memory_space<vmem>>
        %dma_wait3A_355 = arith.constant 0 : i32
        %dma_wait3A_356 = tpu.memref_slice %arg5[%add3A_350, %dma_wait3A_355] : memref<2560x128xi32, #tpu.memory_space<hbm>> -> memref<1x128xi32, #tpu.memory_space<hbm>>
        %dma_wait3A_357 = tpu.memref_squeeze %dma_wait3A_356 : memref<1x128xi32, #tpu.memory_space<hbm>> -> memref<128xi32, #tpu.memory_space<hbm>>
        %dma_wait3A_358 = arith.constant 0 : i32
        %dma_wait3A_359 = tpu.memref_slice %arg8[%dma_wait3A_351, %dma_wait3A_358] : memref<4x128xi32, #tpu.memory_space<vmem>> -> memref<1x128xi32, #tpu.memory_space<vmem>>
        %dma_wait3A_360 = tpu.memref_squeeze %dma_wait3A_359 : memref<1x128xi32, #tpu.memory_space<vmem>> -> memref<128xi32, #tpu.memory_space<vmem>>
        %dma_wait3A_361 = arith.constant 0 : i32
        %dma_wait3A_362 = tpu.memref_slice %arg5[%add3A_350, %dma_wait3A_361] : memref<2560x128xi32, #tpu.memory_space<hbm>> -> memref<1x128xi32, #tpu.memory_space<hbm>>
        %dma_wait3A_363 = tpu.memref_squeeze %dma_wait3A_362 : memref<1x128xi32, #tpu.memory_space<hbm>> -> memref<128xi32, #tpu.memory_space<hbm>>
        tpu.wait_dma2 semaphore(%arg12 : memref<!tpu.dma_semaphore, #tpu.memory_space<semaphore_mem>>) src(%dma_wait3A_363 : memref<128xi32, #tpu.memory_space<hbm>>) dst(%dma_wait3A_360 : memref<128xi32, #tpu.memory_space<vmem>>)
        %ge3A = arith.constant 1 : i32
        %ge3A_364 = arith.cmpi sge, %add3A_172, %ge3A : i32
        %convert_element_type3A_365 = arith.extui %ge3A_364 : i1 to i32
        %cond3A_366 = arith.constant 0 : i32
        %cond3A_367 = arith.cmpi ne, %convert_element_type3A_365, %cond3A_366 : i32
        scf.if %cond3A_367 {
          %dma_wait3A_380 = arith.constant 1 : i32
          %dma_wait3A_381 = arith.constant 0 : i32
          %dma_wait3A_382 = arith.constant 0 : i32
          %dma_wait3A_383 = tpu.memref_slice %arg9[%dma_wait3A_380, %dma_wait3A_381, %dma_wait3A_382] : memref<2x128x128xf32, #tpu.memory_space<vmem>> -> memref<1x128x128xf32, #tpu.memory_space<vmem>>
          %dma_wait3A_384 = tpu.memref_squeeze %dma_wait3A_383 : memref<1x128x128xf32, #tpu.memory_space<vmem>> -> memref<128x128xf32, #tpu.memory_space<vmem>>
          %dma_wait3A_385 = arith.constant 0 : i32
          %dma_wait3A_386 = arith.constant 0 : i32
          %dma_wait3A_387 = tpu.memref_slice %arg10[%dma_wait3A_385, %dma_wait3A_386] : memref<10112x128xf32, #tpu.memory_space<vmem_shared>> -> memref<128x128xf32, #tpu.memory_space<vmem_shared>>
          %dma_wait3A_388 = arith.constant 0 : i32
          %dma_wait3A_389 = arith.constant 0 : i32
          %dma_wait3A_390 = tpu.memref_slice %arg10[%dma_wait3A_388, %dma_wait3A_389] : memref<10112x128xf32, #tpu.memory_space<vmem_shared>> -> memref<128x128xf32, #tpu.memory_space<vmem_shared>>
          %dma_wait3A_391 = arith.constant 0 : i32
          %dma_wait3A_392 = arith.constant 0 : i32
          %dma_wait3A_393 = tpu.memref_slice %arg9[%dma_wait3A_380, %dma_wait3A_391, %dma_wait3A_392] : memref<2x128x128xf32, #tpu.memory_space<vmem>> -> memref<1x128x128xf32, #tpu.memory_space<vmem>>
          %dma_wait3A_394 = tpu.memref_squeeze %dma_wait3A_393 : memref<1x128x128xf32, #tpu.memory_space<vmem>> -> memref<128x128xf32, #tpu.memory_space<vmem>>
          tpu.wait_dma2 semaphore(%arg16 : memref<!tpu.dma_semaphore, #tpu.memory_space<semaphore_mem>>) src(%dma_wait3A_394 : memref<128x128xf32, #tpu.memory_space<vmem>>) dst(%dma_wait3A_390 : memref<128x128xf32, #tpu.memory_space<vmem_shared>>)
        } else {
        }
        %dma_start3A_368 = arith.constant 1 : i32
        %dma_start3A_369 = arith.constant 1 : i32
        %dma_start3A_370 = arith.constant 0 : i32
        %dma_start3A_371 = arith.constant 0 : i32
        %dma_start3A_372 = tpu.memref_slice %arg9[%dma_start3A_369, %dma_start3A_370, %dma_start3A_371] : memref<2x128x128xf32, #tpu.memory_space<vmem>> -> memref<1x128x128xf32, #tpu.memory_space<vmem>>
        %dma_start3A_373 = tpu.memref_squeeze %dma_start3A_372 : memref<1x128x128xf32, #tpu.memory_space<vmem>> -> memref<128x128xf32, #tpu.memory_space<vmem>>
        %dma_start3A_374 = arith.constant 0 : i32
        %dma_start3A_375 = tpu.memref_slice %arg7[%dma_start3A_368, %dma_start3A_374] : memref<4x128xi32, #tpu.memory_space<vmem>> -> memref<1x128xi32, #tpu.memory_space<vmem>>
        %dma_start3A_376 = tpu.memref_squeeze %dma_start3A_375 : memref<1x128xi32, #tpu.memory_space<vmem>> -> memref<128xi32, #tpu.memory_space<vmem>>
        %dma_start3A_377 = arith.constant 0 : i32
        %dma_start3A_378 = arith.constant 0 : i32
        %dma_start3A_379 = tpu.memref_slice %arg2[%dma_start3A_377, %dma_start3A_378] : memref<10112x128xf32, #tpu.memory_space<hbm>> -> memref<10112x128xf32, #tpu.memory_space<hbm>>
        tpu.enqueue_indirect_dma source(%dma_start3A_379 : memref<10112x128xf32, #tpu.memory_space<hbm>>) target(%dma_start3A_373 : memref<128x128xf32, #tpu.memory_space<vmem>>) offsets(%dma_start3A_376 : memref<128xi32, #tpu.memory_space<vmem>>) semaphore(%arg14 : memref<!tpu.dma_semaphore, #tpu.memory_space<semaphore_mem>>)
      } else {
      }
      %add3A_177 = arith.constant 3 : i32
      %add3A_178 = arith.addi %add3A_172, %add3A_177 : i32
      %lt3A_179 = arith.constant 160 : i32
      %lt3A_180 = arith.cmpi slt, %add3A_178, %lt3A_179 : i32
      %convert_element_type3A_181 = arith.extui %lt3A_180 : i1 to i32
      %cond3A_182 = arith.constant 0 : i32
      %cond3A_183 = arith.cmpi ne, %convert_element_type3A_181, %cond3A_182 : i32
      scf.if %cond3A_183 {
        %add3A_334 = arith.constant 3 : i32
        %add3A_335 = arith.addi %add3A_172, %add3A_334 : i32
        %add3A_336 = arith.addi %mul3A_2, %add3A_335 : i32
        %dma_start3A_337 = arith.constant 3 : i32
        %dma_start3A_338 = arith.constant 0 : i32
        %dma_start3A_339 = tpu.memref_slice %arg7[%dma_start3A_337, %dma_start3A_338] : memref<4x128xi32, #tpu.memory_space<vmem>> -> memref<1x128xi32, #tpu.memory_space<vmem>>
        %dma_start3A_340 = tpu.memref_squeeze %dma_start3A_339 : memref<1x128xi32, #tpu.memory_space<vmem>> -> memref<128xi32, #tpu.memory_space<vmem>>
        %dma_start3A_341 = arith.constant 0 : i32
        %dma_start3A_342 = tpu.memref_slice %arg4[%add3A_336, %dma_start3A_341] : memref<2560x128xi32, #tpu.memory_space<hbm>> -> memref<1x128xi32, #tpu.memory_space<hbm>>
        %dma_start3A_343 = tpu.memref_squeeze %dma_start3A_342 : memref<1x128xi32, #tpu.memory_space<hbm>> -> memref<128xi32, #tpu.memory_space<hbm>>
        %dma_start3A_344 = arith.constant 0 : i32
        %dma_start3A_345 = tpu.memref_slice %arg7[%dma_start3A_337, %dma_start3A_344] : memref<4x128xi32, #tpu.memory_space<vmem>> -> memref<1x128xi32, #tpu.memory_space<vmem>>
        %dma_start3A_346 = tpu.memref_squeeze %dma_start3A_345 : memref<1x128xi32, #tpu.memory_space<vmem>> -> memref<128xi32, #tpu.memory_space<vmem>>
        %dma_start3A_347 = arith.constant 0 : i32
        %dma_start3A_348 = tpu.memref_slice %arg4[%add3A_336, %dma_start3A_347] : memref<2560x128xi32, #tpu.memory_space<hbm>> -> memref<1x128xi32, #tpu.memory_space<hbm>>
        %dma_start3A_349 = tpu.memref_squeeze %dma_start3A_348 : memref<1x128xi32, #tpu.memory_space<hbm>> -> memref<128xi32, #tpu.memory_space<hbm>>
        tpu.enqueue_dma source(%dma_start3A_349 : memref<128xi32, #tpu.memory_space<hbm>>) target(%dma_start3A_346 : memref<128xi32, #tpu.memory_space<vmem>>) target_semaphore(%arg12 : memref<!tpu.dma_semaphore, #tpu.memory_space<semaphore_mem>>)
        %add3A_350 = arith.addi %mul3A_2, %add3A_335 : i32
        %dma_start3A_351 = arith.constant 3 : i32
        %dma_start3A_352 = arith.constant 0 : i32
        %dma_start3A_353 = tpu.memref_slice %arg8[%dma_start3A_351, %dma_start3A_352] : memref<4x128xi32, #tpu.memory_space<vmem>> -> memref<1x128xi32, #tpu.memory_space<vmem>>
        %dma_start3A_354 = tpu.memref_squeeze %dma_start3A_353 : memref<1x128xi32, #tpu.memory_space<vmem>> -> memref<128xi32, #tpu.memory_space<vmem>>
        %dma_start3A_355 = arith.constant 0 : i32
        %dma_start3A_356 = tpu.memref_slice %arg5[%add3A_350, %dma_start3A_355] : memref<2560x128xi32, #tpu.memory_space<hbm>> -> memref<1x128xi32, #tpu.memory_space<hbm>>
        %dma_start3A_357 = tpu.memref_squeeze %dma_start3A_356 : memref<1x128xi32, #tpu.memory_space<hbm>> -> memref<128xi32, #tpu.memory_space<hbm>>
        %dma_start3A_358 = arith.constant 0 : i32
        %dma_start3A_359 = tpu.memref_slice %arg8[%dma_start3A_351, %dma_start3A_358] : memref<4x128xi32, #tpu.memory_space<vmem>> -> memref<1x128xi32, #tpu.memory_space<vmem>>
        %dma_start3A_360 = tpu.memref_squeeze %dma_start3A_359 : memref<1x128xi32, #tpu.memory_space<vmem>> -> memref<128xi32, #tpu.memory_space<vmem>>
        %dma_start3A_361 = arith.constant 0 : i32
        %dma_start3A_362 = tpu.memref_slice %arg5[%add3A_350, %dma_start3A_361] : memref<2560x128xi32, #tpu.memory_space<hbm>> -> memref<1x128xi32, #tpu.memory_space<hbm>>
        %dma_start3A_363 = tpu.memref_squeeze %dma_start3A_362 : memref<1x128xi32, #tpu.memory_space<hbm>> -> memref<128xi32, #tpu.memory_space<hbm>>
        tpu.enqueue_dma source(%dma_start3A_363 : memref<128xi32, #tpu.memory_space<hbm>>) target(%dma_start3A_360 : memref<128xi32, #tpu.memory_space<vmem>>) target_semaphore(%arg12 : memref<!tpu.dma_semaphore, #tpu.memory_space<semaphore_mem>>)
      } else {
      }
      %dma_wait3A_184 = arith.constant 0 : i32
      %dma_wait3A_185 = arith.constant 0 : i32
      %dma_wait3A_186 = arith.constant 0 : i32
      %dma_wait3A_187 = arith.constant 0 : i32
      %dma_wait3A_188 = tpu.memref_slice %arg9[%dma_wait3A_185, %dma_wait3A_186, %dma_wait3A_187] : memref<2x128x128xf32, #tpu.memory_space<vmem>> -> memref<1x128x128xf32, #tpu.memory_space<vmem>>
      %dma_wait3A_189 = tpu.memref_squeeze %dma_wait3A_188 : memref<1x128x128xf32, #tpu.memory_space<vmem>> -> memref<128x128xf32, #tpu.memory_space<vmem>>
      %dma_wait3A_190 = arith.constant 0 : i32
      %dma_wait3A_191 = tpu.memref_slice %arg7[%dma_wait3A_184, %dma_wait3A_190] : memref<4x128xi32, #tpu.memory_space<vmem>> -> memref<1x128xi32, #tpu.memory_space<vmem>>
      %dma_wait3A_192 = tpu.memref_squeeze %dma_wait3A_191 : memref<1x128xi32, #tpu.memory_space<vmem>> -> memref<128xi32, #tpu.memory_space<vmem>>
      %dma_wait3A_193 = arith.constant 0 : i32
      %dma_wait3A_194 = arith.constant 0 : i32
      %dma_wait3A_195 = tpu.memref_slice %arg2[%dma_wait3A_193, %dma_wait3A_194] : memref<10112x128xf32, #tpu.memory_space<hbm>> -> memref<10112x128xf32, #tpu.memory_space<hbm>>
      tpu.wait_indirect_dma semaphore(%arg13 : memref<!tpu.dma_semaphore, #tpu.memory_space<semaphore_mem>>) src(%dma_wait3A_195 : memref<10112x128xf32, #tpu.memory_space<hbm>>) dst(%dma_wait3A_189 : memref<128x128xf32, #tpu.memory_space<vmem>>)
      %dma_start3A_196 = arith.constant 0 : i32
      %dma_start3A_197 = arith.constant 0 : i32
      %dma_start3A_198 = arith.constant 0 : i32
      %dma_start3A_199 = arith.constant 0 : i32
      %dma_start3A_200 = tpu.memref_slice %arg9[%dma_start3A_196, %dma_start3A_198, %dma_start3A_199] : memref<2x128x128xf32, #tpu.memory_space<vmem>> -> memref<1x128x128xf32, #tpu.memory_space<vmem>>
      %dma_start3A_201 = tpu.memref_squeeze %dma_start3A_200 : memref<1x128x128xf32, #tpu.memory_space<vmem>> -> memref<128x128xf32, #tpu.memory_space<vmem>>
      %dma_start3A_202 = arith.constant 0 : i32
      %dma_start3A_203 = tpu.memref_slice %arg8[%dma_start3A_197, %dma_start3A_202] : memref<4x128xi32, #tpu.memory_space<vmem>> -> memref<1x128xi32, #tpu.memory_space<vmem>>
      %dma_start3A_204 = tpu.memref_squeeze %dma_start3A_203 : memref<1x128xi32, #tpu.memory_space<vmem>> -> memref<128xi32, #tpu.memory_space<vmem>>
      %dma_start3A_205 = arith.constant 0 : i32
      %dma_start3A_206 = arith.constant 0 : i32
      %dma_start3A_207 = tpu.memref_slice %arg10[%dma_start3A_205, %dma_start3A_206] : memref<10112x128xf32, #tpu.memory_space<vmem_shared>> -> memref<10112x128xf32, #tpu.memory_space<vmem_shared>>
      tpu.enqueue_indirect_dma source(%dma_start3A_201 : memref<128x128xf32, #tpu.memory_space<vmem>>) target(%dma_start3A_207 : memref<10112x128xf32, #tpu.memory_space<vmem_shared>>) offsets(%dma_start3A_204 : memref<128xi32, #tpu.memory_space<vmem>>) semaphore(%arg15 : memref<!tpu.dma_semaphore, #tpu.memory_space<semaphore_mem>>) {add = true}
      %mul3A_208 = arith.constant 4 : i32
      %mul3A_209 = arith.muli %mul3A_208, %scan3A_168 : i32
      %add3A_210 = arith.constant 1 : i32
      %add3A_211 = arith.addi %mul3A_209, %add3A_210 : i32
      %add3A_212 = arith.constant 1 : i32
      %add3A_213 = arith.addi %add3A_211, %add3A_212 : i32
      %lt3A_214 = arith.constant 160 : i32
      %lt3A_215 = arith.cmpi slt, %add3A_213, %lt3A_214 : i32
      %convert_element_type3A_216 = arith.extui %lt3A_215 : i1 to i32
      %cond3A_217 = arith.constant 0 : i32
      %cond3A_218 = arith.cmpi ne, %convert_element_type3A_216, %cond3A_217 : i32
      scf.if %cond3A_218 {
        %add3A_334 = arith.constant 1 : i32
        %add3A_335 = arith.addi %add3A_211, %add3A_334 : i32
        %add3A_336 = arith.addi %mul3A_2, %add3A_335 : i32
        %dma_wait3A_337 = arith.constant 2 : i32
        %dma_wait3A_338 = arith.constant 0 : i32
        %dma_wait3A_339 = tpu.memref_slice %arg7[%dma_wait3A_337, %dma_wait3A_338] : memref<4x128xi32, #tpu.memory_space<vmem>> -> memref<1x128xi32, #tpu.memory_space<vmem>>
        %dma_wait3A_340 = tpu.memref_squeeze %dma_wait3A_339 : memref<1x128xi32, #tpu.memory_space<vmem>> -> memref<128xi32, #tpu.memory_space<vmem>>
        %dma_wait3A_341 = arith.constant 0 : i32
        %dma_wait3A_342 = tpu.memref_slice %arg4[%add3A_336, %dma_wait3A_341] : memref<2560x128xi32, #tpu.memory_space<hbm>> -> memref<1x128xi32, #tpu.memory_space<hbm>>
        %dma_wait3A_343 = tpu.memref_squeeze %dma_wait3A_342 : memref<1x128xi32, #tpu.memory_space<hbm>> -> memref<128xi32, #tpu.memory_space<hbm>>
        %dma_wait3A_344 = arith.constant 0 : i32
        %dma_wait3A_345 = tpu.memref_slice %arg7[%dma_wait3A_337, %dma_wait3A_344] : memref<4x128xi32, #tpu.memory_space<vmem>> -> memref<1x128xi32, #tpu.memory_space<vmem>>
        %dma_wait3A_346 = tpu.memref_squeeze %dma_wait3A_345 : memref<1x128xi32, #tpu.memory_space<vmem>> -> memref<128xi32, #tpu.memory_space<vmem>>
        %dma_wait3A_347 = arith.constant 0 : i32
        %dma_wait3A_348 = tpu.memref_slice %arg4[%add3A_336, %dma_wait3A_347] : memref<2560x128xi32, #tpu.memory_space<hbm>> -> memref<1x128xi32, #tpu.memory_space<hbm>>
        %dma_wait3A_349 = tpu.memref_squeeze %dma_wait3A_348 : memref<1x128xi32, #tpu.memory_space<hbm>> -> memref<128xi32, #tpu.memory_space<hbm>>
        tpu.wait_dma2 semaphore(%arg11 : memref<!tpu.dma_semaphore, #tpu.memory_space<semaphore_mem>>) src(%dma_wait3A_349 : memref<128xi32, #tpu.memory_space<hbm>>) dst(%dma_wait3A_346 : memref<128xi32, #tpu.memory_space<vmem>>)
        %add3A_350 = arith.addi %mul3A_2, %add3A_335 : i32
        %dma_wait3A_351 = arith.constant 2 : i32
        %dma_wait3A_352 = arith.constant 0 : i32
        %dma_wait3A_353 = tpu.memref_slice %arg8[%dma_wait3A_351, %dma_wait3A_352] : memref<4x128xi32, #tpu.memory_space<vmem>> -> memref<1x128xi32, #tpu.memory_space<vmem>>
        %dma_wait3A_354 = tpu.memref_squeeze %dma_wait3A_353 : memref<1x128xi32, #tpu.memory_space<vmem>> -> memref<128xi32, #tpu.memory_space<vmem>>
        %dma_wait3A_355 = arith.constant 0 : i32
        %dma_wait3A_356 = tpu.memref_slice %arg5[%add3A_350, %dma_wait3A_355] : memref<2560x128xi32, #tpu.memory_space<hbm>> -> memref<1x128xi32, #tpu.memory_space<hbm>>
        %dma_wait3A_357 = tpu.memref_squeeze %dma_wait3A_356 : memref<1x128xi32, #tpu.memory_space<hbm>> -> memref<128xi32, #tpu.memory_space<hbm>>
        %dma_wait3A_358 = arith.constant 0 : i32
        %dma_wait3A_359 = tpu.memref_slice %arg8[%dma_wait3A_351, %dma_wait3A_358] : memref<4x128xi32, #tpu.memory_space<vmem>> -> memref<1x128xi32, #tpu.memory_space<vmem>>
        %dma_wait3A_360 = tpu.memref_squeeze %dma_wait3A_359 : memref<1x128xi32, #tpu.memory_space<vmem>> -> memref<128xi32, #tpu.memory_space<vmem>>
        %dma_wait3A_361 = arith.constant 0 : i32
        %dma_wait3A_362 = tpu.memref_slice %arg5[%add3A_350, %dma_wait3A_361] : memref<2560x128xi32, #tpu.memory_space<hbm>> -> memref<1x128xi32, #tpu.memory_space<hbm>>
        %dma_wait3A_363 = tpu.memref_squeeze %dma_wait3A_362 : memref<1x128xi32, #tpu.memory_space<hbm>> -> memref<128xi32, #tpu.memory_space<hbm>>
        tpu.wait_dma2 semaphore(%arg11 : memref<!tpu.dma_semaphore, #tpu.memory_space<semaphore_mem>>) src(%dma_wait3A_363 : memref<128xi32, #tpu.memory_space<hbm>>) dst(%dma_wait3A_360 : memref<128xi32, #tpu.memory_space<vmem>>)
        %ge3A = arith.constant 1 : i32
        %ge3A_364 = arith.cmpi sge, %add3A_211, %ge3A : i32
        %convert_element_type3A_365 = arith.extui %ge3A_364 : i1 to i32
        %cond3A_366 = arith.constant 0 : i32
        %cond3A_367 = arith.cmpi ne, %convert_element_type3A_365, %cond3A_366 : i32
        scf.if %cond3A_367 {
          %dma_wait3A_380 = arith.constant 0 : i32
          %dma_wait3A_381 = arith.constant 0 : i32
          %dma_wait3A_382 = arith.constant 0 : i32
          %dma_wait3A_383 = tpu.memref_slice %arg9[%dma_wait3A_380, %dma_wait3A_381, %dma_wait3A_382] : memref<2x128x128xf32, #tpu.memory_space<vmem>> -> memref<1x128x128xf32, #tpu.memory_space<vmem>>
          %dma_wait3A_384 = tpu.memref_squeeze %dma_wait3A_383 : memref<1x128x128xf32, #tpu.memory_space<vmem>> -> memref<128x128xf32, #tpu.memory_space<vmem>>
          %dma_wait3A_385 = arith.constant 0 : i32
          %dma_wait3A_386 = arith.constant 0 : i32
          %dma_wait3A_387 = tpu.memref_slice %arg10[%dma_wait3A_385, %dma_wait3A_386] : memref<10112x128xf32, #tpu.memory_space<vmem_shared>> -> memref<128x128xf32, #tpu.memory_space<vmem_shared>>
          %dma_wait3A_388 = arith.constant 0 : i32
          %dma_wait3A_389 = arith.constant 0 : i32
          %dma_wait3A_390 = tpu.memref_slice %arg10[%dma_wait3A_388, %dma_wait3A_389] : memref<10112x128xf32, #tpu.memory_space<vmem_shared>> -> memref<128x128xf32, #tpu.memory_space<vmem_shared>>
          %dma_wait3A_391 = arith.constant 0 : i32
          %dma_wait3A_392 = arith.constant 0 : i32
          %dma_wait3A_393 = tpu.memref_slice %arg9[%dma_wait3A_380, %dma_wait3A_391, %dma_wait3A_392] : memref<2x128x128xf32, #tpu.memory_space<vmem>> -> memref<1x128x128xf32, #tpu.memory_space<vmem>>
          %dma_wait3A_394 = tpu.memref_squeeze %dma_wait3A_393 : memref<1x128x128xf32, #tpu.memory_space<vmem>> -> memref<128x128xf32, #tpu.memory_space<vmem>>
          tpu.wait_dma2 semaphore(%arg15 : memref<!tpu.dma_semaphore, #tpu.memory_space<semaphore_mem>>) src(%dma_wait3A_394 : memref<128x128xf32, #tpu.memory_space<vmem>>) dst(%dma_wait3A_390 : memref<128x128xf32, #tpu.memory_space<vmem_shared>>)
        } else {
        }
        %dma_start3A_368 = arith.constant 2 : i32
        %dma_start3A_369 = arith.constant 0 : i32
        %dma_start3A_370 = arith.constant 0 : i32
        %dma_start3A_371 = arith.constant 0 : i32
        %dma_start3A_372 = tpu.memref_slice %arg9[%dma_start3A_369, %dma_start3A_370, %dma_start3A_371] : memref<2x128x128xf32, #tpu.memory_space<vmem>> -> memref<1x128x128xf32, #tpu.memory_space<vmem>>
        %dma_start3A_373 = tpu.memref_squeeze %dma_start3A_372 : memref<1x128x128xf32, #tpu.memory_space<vmem>> -> memref<128x128xf32, #tpu.memory_space<vmem>>
        %dma_start3A_374 = arith.constant 0 : i32
        %dma_start3A_375 = tpu.memref_slice %arg7[%dma_start3A_368, %dma_start3A_374] : memref<4x128xi32, #tpu.memory_space<vmem>> -> memref<1x128xi32, #tpu.memory_space<vmem>>
        %dma_start3A_376 = tpu.memref_squeeze %dma_start3A_375 : memref<1x128xi32, #tpu.memory_space<vmem>> -> memref<128xi32, #tpu.memory_space<vmem>>
        %dma_start3A_377 = arith.constant 0 : i32
        %dma_start3A_378 = arith.constant 0 : i32
        %dma_start3A_379 = tpu.memref_slice %arg2[%dma_start3A_377, %dma_start3A_378] : memref<10112x128xf32, #tpu.memory_space<hbm>> -> memref<10112x128xf32, #tpu.memory_space<hbm>>
        tpu.enqueue_indirect_dma source(%dma_start3A_379 : memref<10112x128xf32, #tpu.memory_space<hbm>>) target(%dma_start3A_373 : memref<128x128xf32, #tpu.memory_space<vmem>>) offsets(%dma_start3A_376 : memref<128xi32, #tpu.memory_space<vmem>>) semaphore(%arg13 : memref<!tpu.dma_semaphore, #tpu.memory_space<semaphore_mem>>)
      } else {
      }
      %add3A_219 = arith.constant 3 : i32
      %add3A_220 = arith.addi %add3A_211, %add3A_219 : i32
      %lt3A_221 = arith.constant 160 : i32
      %lt3A_222 = arith.cmpi slt, %add3A_220, %lt3A_221 : i32
      %convert_element_type3A_223 = arith.extui %lt3A_222 : i1 to i32
      %cond3A_224 = arith.constant 0 : i32
      %cond3A_225 = arith.cmpi ne, %convert_element_type3A_223, %cond3A_224 : i32
      scf.if %cond3A_225 {
        %add3A_334 = arith.constant 3 : i32
        %add3A_335 = arith.addi %add3A_211, %add3A_334 : i32
        %add3A_336 = arith.addi %mul3A_2, %add3A_335 : i32
        %dma_start3A_337 = arith.constant 0 : i32
        %dma_start3A_338 = arith.constant 0 : i32
        %dma_start3A_339 = tpu.memref_slice %arg7[%dma_start3A_337, %dma_start3A_338] : memref<4x128xi32, #tpu.memory_space<vmem>> -> memref<1x128xi32, #tpu.memory_space<vmem>>
        %dma_start3A_340 = tpu.memref_squeeze %dma_start3A_339 : memref<1x128xi32, #tpu.memory_space<vmem>> -> memref<128xi32, #tpu.memory_space<vmem>>
        %dma_start3A_341 = arith.constant 0 : i32
        %dma_start3A_342 = tpu.memref_slice %arg4[%add3A_336, %dma_start3A_341] : memref<2560x128xi32, #tpu.memory_space<hbm>> -> memref<1x128xi32, #tpu.memory_space<hbm>>
        %dma_start3A_343 = tpu.memref_squeeze %dma_start3A_342 : memref<1x128xi32, #tpu.memory_space<hbm>> -> memref<128xi32, #tpu.memory_space<hbm>>
        %dma_start3A_344 = arith.constant 0 : i32
        %dma_start3A_345 = tpu.memref_slice %arg7[%dma_start3A_337, %dma_start3A_344] : memref<4x128xi32, #tpu.memory_space<vmem>> -> memref<1x128xi32, #tpu.memory_space<vmem>>
        %dma_start3A_346 = tpu.memref_squeeze %dma_start3A_345 : memref<1x128xi32, #tpu.memory_space<vmem>> -> memref<128xi32, #tpu.memory_space<vmem>>
        %dma_start3A_347 = arith.constant 0 : i32
        %dma_start3A_348 = tpu.memref_slice %arg4[%add3A_336, %dma_start3A_347] : memref<2560x128xi32, #tpu.memory_space<hbm>> -> memref<1x128xi32, #tpu.memory_space<hbm>>
        %dma_start3A_349 = tpu.memref_squeeze %dma_start3A_348 : memref<1x128xi32, #tpu.memory_space<hbm>> -> memref<128xi32, #tpu.memory_space<hbm>>
        tpu.enqueue_dma source(%dma_start3A_349 : memref<128xi32, #tpu.memory_space<hbm>>) target(%dma_start3A_346 : memref<128xi32, #tpu.memory_space<vmem>>) target_semaphore(%arg11 : memref<!tpu.dma_semaphore, #tpu.memory_space<semaphore_mem>>)
        %add3A_350 = arith.addi %mul3A_2, %add3A_335 : i32
        %dma_start3A_351 = arith.constant 0 : i32
        %dma_start3A_352 = arith.constant 0 : i32
        %dma_start3A_353 = tpu.memref_slice %arg8[%dma_start3A_351, %dma_start3A_352] : memref<4x128xi32, #tpu.memory_space<vmem>> -> memref<1x128xi32, #tpu.memory_space<vmem>>
        %dma_start3A_354 = tpu.memref_squeeze %dma_start3A_353 : memref<1x128xi32, #tpu.memory_space<vmem>> -> memref<128xi32, #tpu.memory_space<vmem>>
        %dma_start3A_355 = arith.constant 0 : i32
        %dma_start3A_356 = tpu.memref_slice %arg5[%add3A_350, %dma_start3A_355] : memref<2560x128xi32, #tpu.memory_space<hbm>> -> memref<1x128xi32, #tpu.memory_space<hbm>>
        %dma_start3A_357 = tpu.memref_squeeze %dma_start3A_356 : memref<1x128xi32, #tpu.memory_space<hbm>> -> memref<128xi32, #tpu.memory_space<hbm>>
        %dma_start3A_358 = arith.constant 0 : i32
        %dma_start3A_359 = tpu.memref_slice %arg8[%dma_start3A_351, %dma_start3A_358] : memref<4x128xi32, #tpu.memory_space<vmem>> -> memref<1x128xi32, #tpu.memory_space<vmem>>
        %dma_start3A_360 = tpu.memref_squeeze %dma_start3A_359 : memref<1x128xi32, #tpu.memory_space<vmem>> -> memref<128xi32, #tpu.memory_space<vmem>>
        %dma_start3A_361 = arith.constant 0 : i32
        %dma_start3A_362 = tpu.memref_slice %arg5[%add3A_350, %dma_start3A_361] : memref<2560x128xi32, #tpu.memory_space<hbm>> -> memref<1x128xi32, #tpu.memory_space<hbm>>
        %dma_start3A_363 = tpu.memref_squeeze %dma_start3A_362 : memref<1x128xi32, #tpu.memory_space<hbm>> -> memref<128xi32, #tpu.memory_space<hbm>>
        tpu.enqueue_dma source(%dma_start3A_363 : memref<128xi32, #tpu.memory_space<hbm>>) target(%dma_start3A_360 : memref<128xi32, #tpu.memory_space<vmem>>) target_semaphore(%arg11 : memref<!tpu.dma_semaphore, #tpu.memory_space<semaphore_mem>>)
      } else {
      }
      %dma_wait3A_226 = arith.constant 1 : i32
      %dma_wait3A_227 = arith.constant 1 : i32
      %dma_wait3A_228 = arith.constant 0 : i32
      %dma_wait3A_229 = arith.constant 0 : i32
      %dma_wait3A_230 = tpu.memref_slice %arg9[%dma_wait3A_227, %dma_wait3A_228, %dma_wait3A_229] : memref<2x128x128xf32, #tpu.memory_space<vmem>> -> memref<1x128x128xf32, #tpu.memory_space<vmem>>
      %dma_wait3A_231 = tpu.memref_squeeze %dma_wait3A_230 : memref<1x128x128xf32, #tpu.memory_space<vmem>> -> memref<128x128xf32, #tpu.memory_space<vmem>>
      %dma_wait3A_232 = arith.constant 0 : i32
      %dma_wait3A_233 = tpu.memref_slice %arg7[%dma_wait3A_226, %dma_wait3A_232] : memref<4x128xi32, #tpu.memory_space<vmem>> -> memref<1x128xi32, #tpu.memory_space<vmem>>
      %dma_wait3A_234 = tpu.memref_squeeze %dma_wait3A_233 : memref<1x128xi32, #tpu.memory_space<vmem>> -> memref<128xi32, #tpu.memory_space<vmem>>
      %dma_wait3A_235 = arith.constant 0 : i32
      %dma_wait3A_236 = arith.constant 0 : i32
      %dma_wait3A_237 = tpu.memref_slice %arg2[%dma_wait3A_235, %dma_wait3A_236] : memref<10112x128xf32, #tpu.memory_space<hbm>> -> memref<10112x128xf32, #tpu.memory_space<hbm>>
      tpu.wait_indirect_dma semaphore(%arg14 : memref<!tpu.dma_semaphore, #tpu.memory_space<semaphore_mem>>) src(%dma_wait3A_237 : memref<10112x128xf32, #tpu.memory_space<hbm>>) dst(%dma_wait3A_231 : memref<128x128xf32, #tpu.memory_space<vmem>>)
      %dma_start3A_238 = arith.constant 1 : i32
      %dma_start3A_239 = arith.constant 1 : i32
      %dma_start3A_240 = arith.constant 0 : i32
      %dma_start3A_241 = arith.constant 0 : i32
      %dma_start3A_242 = tpu.memref_slice %arg9[%dma_start3A_238, %dma_start3A_240, %dma_start3A_241] : memref<2x128x128xf32, #tpu.memory_space<vmem>> -> memref<1x128x128xf32, #tpu.memory_space<vmem>>
      %dma_start3A_243 = tpu.memref_squeeze %dma_start3A_242 : memref<1x128x128xf32, #tpu.memory_space<vmem>> -> memref<128x128xf32, #tpu.memory_space<vmem>>
      %dma_start3A_244 = arith.constant 0 : i32
      %dma_start3A_245 = tpu.memref_slice %arg8[%dma_start3A_239, %dma_start3A_244] : memref<4x128xi32, #tpu.memory_space<vmem>> -> memref<1x128xi32, #tpu.memory_space<vmem>>
      %dma_start3A_246 = tpu.memref_squeeze %dma_start3A_245 : memref<1x128xi32, #tpu.memory_space<vmem>> -> memref<128xi32, #tpu.memory_space<vmem>>
      %dma_start3A_247 = arith.constant 0 : i32
      %dma_start3A_248 = arith.constant 0 : i32
      %dma_start3A_249 = tpu.memref_slice %arg10[%dma_start3A_247, %dma_start3A_248] : memref<10112x128xf32, #tpu.memory_space<vmem_shared>> -> memref<10112x128xf32, #tpu.memory_space<vmem_shared>>
      tpu.enqueue_indirect_dma source(%dma_start3A_243 : memref<128x128xf32, #tpu.memory_space<vmem>>) target(%dma_start3A_249 : memref<10112x128xf32, #tpu.memory_space<vmem_shared>>) offsets(%dma_start3A_246 : memref<128xi32, #tpu.memory_space<vmem>>) semaphore(%arg16 : memref<!tpu.dma_semaphore, #tpu.memory_space<semaphore_mem>>) {add = true}
      %mul3A_250 = arith.constant 4 : i32
      %mul3A_251 = arith.muli %mul3A_250, %scan3A_168 : i32
      %add3A_252 = arith.constant 2 : i32
      %add3A_253 = arith.addi %mul3A_251, %add3A_252 : i32
      %add3A_254 = arith.constant 1 : i32
      %add3A_255 = arith.addi %add3A_253, %add3A_254 : i32
      %lt3A_256 = arith.constant 160 : i32
      %lt3A_257 = arith.cmpi slt, %add3A_255, %lt3A_256 : i32
      %convert_element_type3A_258 = arith.extui %lt3A_257 : i1 to i32
      %cond3A_259 = arith.constant 0 : i32
      %cond3A_260 = arith.cmpi ne, %convert_element_type3A_258, %cond3A_259 : i32
      scf.if %cond3A_260 {
        %add3A_334 = arith.constant 1 : i32
        %add3A_335 = arith.addi %add3A_253, %add3A_334 : i32
        %add3A_336 = arith.addi %mul3A_2, %add3A_335 : i32
        %dma_wait3A_337 = arith.constant 3 : i32
        %dma_wait3A_338 = arith.constant 0 : i32
        %dma_wait3A_339 = tpu.memref_slice %arg7[%dma_wait3A_337, %dma_wait3A_338] : memref<4x128xi32, #tpu.memory_space<vmem>> -> memref<1x128xi32, #tpu.memory_space<vmem>>
        %dma_wait3A_340 = tpu.memref_squeeze %dma_wait3A_339 : memref<1x128xi32, #tpu.memory_space<vmem>> -> memref<128xi32, #tpu.memory_space<vmem>>
        %dma_wait3A_341 = arith.constant 0 : i32
        %dma_wait3A_342 = tpu.memref_slice %arg4[%add3A_336, %dma_wait3A_341] : memref<2560x128xi32, #tpu.memory_space<hbm>> -> memref<1x128xi32, #tpu.memory_space<hbm>>
        %dma_wait3A_343 = tpu.memref_squeeze %dma_wait3A_342 : memref<1x128xi32, #tpu.memory_space<hbm>> -> memref<128xi32, #tpu.memory_space<hbm>>
        %dma_wait3A_344 = arith.constant 0 : i32
        %dma_wait3A_345 = tpu.memref_slice %arg7[%dma_wait3A_337, %dma_wait3A_344] : memref<4x128xi32, #tpu.memory_space<vmem>> -> memref<1x128xi32, #tpu.memory_space<vmem>>
        %dma_wait3A_346 = tpu.memref_squeeze %dma_wait3A_345 : memref<1x128xi32, #tpu.memory_space<vmem>> -> memref<128xi32, #tpu.memory_space<vmem>>
        %dma_wait3A_347 = arith.constant 0 : i32
        %dma_wait3A_348 = tpu.memref_slice %arg4[%add3A_336, %dma_wait3A_347] : memref<2560x128xi32, #tpu.memory_space<hbm>> -> memref<1x128xi32, #tpu.memory_space<hbm>>
        %dma_wait3A_349 = tpu.memref_squeeze %dma_wait3A_348 : memref<1x128xi32, #tpu.memory_space<hbm>> -> memref<128xi32, #tpu.memory_space<hbm>>
        tpu.wait_dma2 semaphore(%arg12 : memref<!tpu.dma_semaphore, #tpu.memory_space<semaphore_mem>>) src(%dma_wait3A_349 : memref<128xi32, #tpu.memory_space<hbm>>) dst(%dma_wait3A_346 : memref<128xi32, #tpu.memory_space<vmem>>)
        %add3A_350 = arith.addi %mul3A_2, %add3A_335 : i32
        %dma_wait3A_351 = arith.constant 3 : i32
        %dma_wait3A_352 = arith.constant 0 : i32
        %dma_wait3A_353 = tpu.memref_slice %arg8[%dma_wait3A_351, %dma_wait3A_352] : memref<4x128xi32, #tpu.memory_space<vmem>> -> memref<1x128xi32, #tpu.memory_space<vmem>>
        %dma_wait3A_354 = tpu.memref_squeeze %dma_wait3A_353 : memref<1x128xi32, #tpu.memory_space<vmem>> -> memref<128xi32, #tpu.memory_space<vmem>>
        %dma_wait3A_355 = arith.constant 0 : i32
        %dma_wait3A_356 = tpu.memref_slice %arg5[%add3A_350, %dma_wait3A_355] : memref<2560x128xi32, #tpu.memory_space<hbm>> -> memref<1x128xi32, #tpu.memory_space<hbm>>
        %dma_wait3A_357 = tpu.memref_squeeze %dma_wait3A_356 : memref<1x128xi32, #tpu.memory_space<hbm>> -> memref<128xi32, #tpu.memory_space<hbm>>
        %dma_wait3A_358 = arith.constant 0 : i32
        %dma_wait3A_359 = tpu.memref_slice %arg8[%dma_wait3A_351, %dma_wait3A_358] : memref<4x128xi32, #tpu.memory_space<vmem>> -> memref<1x128xi32, #tpu.memory_space<vmem>>
        %dma_wait3A_360 = tpu.memref_squeeze %dma_wait3A_359 : memref<1x128xi32, #tpu.memory_space<vmem>> -> memref<128xi32, #tpu.memory_space<vmem>>
        %dma_wait3A_361 = arith.constant 0 : i32
        %dma_wait3A_362 = tpu.memref_slice %arg5[%add3A_350, %dma_wait3A_361] : memref<2560x128xi32, #tpu.memory_space<hbm>> -> memref<1x128xi32, #tpu.memory_space<hbm>>
        %dma_wait3A_363 = tpu.memref_squeeze %dma_wait3A_362 : memref<1x128xi32, #tpu.memory_space<hbm>> -> memref<128xi32, #tpu.memory_space<hbm>>
        tpu.wait_dma2 semaphore(%arg12 : memref<!tpu.dma_semaphore, #tpu.memory_space<semaphore_mem>>) src(%dma_wait3A_363 : memref<128xi32, #tpu.memory_space<hbm>>) dst(%dma_wait3A_360 : memref<128xi32, #tpu.memory_space<vmem>>)
        %ge3A = arith.constant 1 : i32
        %ge3A_364 = arith.cmpi sge, %add3A_253, %ge3A : i32
        %convert_element_type3A_365 = arith.extui %ge3A_364 : i1 to i32
        %cond3A_366 = arith.constant 0 : i32
        %cond3A_367 = arith.cmpi ne, %convert_element_type3A_365, %cond3A_366 : i32
        scf.if %cond3A_367 {
          %dma_wait3A_380 = arith.constant 1 : i32
          %dma_wait3A_381 = arith.constant 0 : i32
          %dma_wait3A_382 = arith.constant 0 : i32
          %dma_wait3A_383 = tpu.memref_slice %arg9[%dma_wait3A_380, %dma_wait3A_381, %dma_wait3A_382] : memref<2x128x128xf32, #tpu.memory_space<vmem>> -> memref<1x128x128xf32, #tpu.memory_space<vmem>>
          %dma_wait3A_384 = tpu.memref_squeeze %dma_wait3A_383 : memref<1x128x128xf32, #tpu.memory_space<vmem>> -> memref<128x128xf32, #tpu.memory_space<vmem>>
          %dma_wait3A_385 = arith.constant 0 : i32
          %dma_wait3A_386 = arith.constant 0 : i32
          %dma_wait3A_387 = tpu.memref_slice %arg10[%dma_wait3A_385, %dma_wait3A_386] : memref<10112x128xf32, #tpu.memory_space<vmem_shared>> -> memref<128x128xf32, #tpu.memory_space<vmem_shared>>
          %dma_wait3A_388 = arith.constant 0 : i32
          %dma_wait3A_389 = arith.constant 0 : i32
          %dma_wait3A_390 = tpu.memref_slice %arg10[%dma_wait3A_388, %dma_wait3A_389] : memref<10112x128xf32, #tpu.memory_space<vmem_shared>> -> memref<128x128xf32, #tpu.memory_space<vmem_shared>>
          %dma_wait3A_391 = arith.constant 0 : i32
          %dma_wait3A_392 = arith.constant 0 : i32
          %dma_wait3A_393 = tpu.memref_slice %arg9[%dma_wait3A_380, %dma_wait3A_391, %dma_wait3A_392] : memref<2x128x128xf32, #tpu.memory_space<vmem>> -> memref<1x128x128xf32, #tpu.memory_space<vmem>>
          %dma_wait3A_394 = tpu.memref_squeeze %dma_wait3A_393 : memref<1x128x128xf32, #tpu.memory_space<vmem>> -> memref<128x128xf32, #tpu.memory_space<vmem>>
          tpu.wait_dma2 semaphore(%arg16 : memref<!tpu.dma_semaphore, #tpu.memory_space<semaphore_mem>>) src(%dma_wait3A_394 : memref<128x128xf32, #tpu.memory_space<vmem>>) dst(%dma_wait3A_390 : memref<128x128xf32, #tpu.memory_space<vmem_shared>>)
        } else {
        }
        %dma_start3A_368 = arith.constant 3 : i32
        %dma_start3A_369 = arith.constant 1 : i32
        %dma_start3A_370 = arith.constant 0 : i32
        %dma_start3A_371 = arith.constant 0 : i32
        %dma_start3A_372 = tpu.memref_slice %arg9[%dma_start3A_369, %dma_start3A_370, %dma_start3A_371] : memref<2x128x128xf32, #tpu.memory_space<vmem>> -> memref<1x128x128xf32, #tpu.memory_space<vmem>>
        %dma_start3A_373 = tpu.memref_squeeze %dma_start3A_372 : memref<1x128x128xf32, #tpu.memory_space<vmem>> -> memref<128x128xf32, #tpu.memory_space<vmem>>
        %dma_start3A_374 = arith.constant 0 : i32
        %dma_start3A_375 = tpu.memref_slice %arg7[%dma_start3A_368, %dma_start3A_374] : memref<4x128xi32, #tpu.memory_space<vmem>> -> memref<1x128xi32, #tpu.memory_space<vmem>>
        %dma_start3A_376 = tpu.memref_squeeze %dma_start3A_375 : memref<1x128xi32, #tpu.memory_space<vmem>> -> memref<128xi32, #tpu.memory_space<vmem>>
        %dma_start3A_377 = arith.constant 0 : i32
        %dma_start3A_378 = arith.constant 0 : i32
        %dma_start3A_379 = tpu.memref_slice %arg2[%dma_start3A_377, %dma_start3A_378] : memref<10112x128xf32, #tpu.memory_space<hbm>> -> memref<10112x128xf32, #tpu.memory_space<hbm>>
        tpu.enqueue_indirect_dma source(%dma_start3A_379 : memref<10112x128xf32, #tpu.memory_space<hbm>>) target(%dma_start3A_373 : memref<128x128xf32, #tpu.memory_space<vmem>>) offsets(%dma_start3A_376 : memref<128xi32, #tpu.memory_space<vmem>>) semaphore(%arg14 : memref<!tpu.dma_semaphore, #tpu.memory_space<semaphore_mem>>)
      } else {
      }
      %add3A_261 = arith.constant 3 : i32
      %add3A_262 = arith.addi %add3A_253, %add3A_261 : i32
      %lt3A_263 = arith.constant 160 : i32
      %lt3A_264 = arith.cmpi slt, %add3A_262, %lt3A_263 : i32
      %convert_element_type3A_265 = arith.extui %lt3A_264 : i1 to i32
      %cond3A_266 = arith.constant 0 : i32
      %cond3A_267 = arith.cmpi ne, %convert_element_type3A_265, %cond3A_266 : i32
      scf.if %cond3A_267 {
        %add3A_334 = arith.constant 3 : i32
        %add3A_335 = arith.addi %add3A_253, %add3A_334 : i32
        %add3A_336 = arith.addi %mul3A_2, %add3A_335 : i32
        %dma_start3A_337 = arith.constant 1 : i32
        %dma_start3A_338 = arith.constant 0 : i32
        %dma_start3A_339 = tpu.memref_slice %arg7[%dma_start3A_337, %dma_start3A_338] : memref<4x128xi32, #tpu.memory_space<vmem>> -> memref<1x128xi32, #tpu.memory_space<vmem>>
        %dma_start3A_340 = tpu.memref_squeeze %dma_start3A_339 : memref<1x128xi32, #tpu.memory_space<vmem>> -> memref<128xi32, #tpu.memory_space<vmem>>
        %dma_start3A_341 = arith.constant 0 : i32
        %dma_start3A_342 = tpu.memref_slice %arg4[%add3A_336, %dma_start3A_341] : memref<2560x128xi32, #tpu.memory_space<hbm>> -> memref<1x128xi32, #tpu.memory_space<hbm>>
        %dma_start3A_343 = tpu.memref_squeeze %dma_start3A_342 : memref<1x128xi32, #tpu.memory_space<hbm>> -> memref<128xi32, #tpu.memory_space<hbm>>
        %dma_start3A_344 = arith.constant 0 : i32
        %dma_start3A_345 = tpu.memref_slice %arg7[%dma_start3A_337, %dma_start3A_344] : memref<4x128xi32, #tpu.memory_space<vmem>> -> memref<1x128xi32, #tpu.memory_space<vmem>>
        %dma_start3A_346 = tpu.memref_squeeze %dma_start3A_345 : memref<1x128xi32, #tpu.memory_space<vmem>> -> memref<128xi32, #tpu.memory_space<vmem>>
        %dma_start3A_347 = arith.constant 0 : i32
        %dma_start3A_348 = tpu.memref_slice %arg4[%add3A_336, %dma_start3A_347] : memref<2560x128xi32, #tpu.memory_space<hbm>> -> memref<1x128xi32, #tpu.memory_space<hbm>>
        %dma_start3A_349 = tpu.memref_squeeze %dma_start3A_348 : memref<1x128xi32, #tpu.memory_space<hbm>> -> memref<128xi32, #tpu.memory_space<hbm>>
        tpu.enqueue_dma source(%dma_start3A_349 : memref<128xi32, #tpu.memory_space<hbm>>) target(%dma_start3A_346 : memref<128xi32, #tpu.memory_space<vmem>>) target_semaphore(%arg12 : memref<!tpu.dma_semaphore, #tpu.memory_space<semaphore_mem>>)
        %add3A_350 = arith.addi %mul3A_2, %add3A_335 : i32
        %dma_start3A_351 = arith.constant 1 : i32
        %dma_start3A_352 = arith.constant 0 : i32
        %dma_start3A_353 = tpu.memref_slice %arg8[%dma_start3A_351, %dma_start3A_352] : memref<4x128xi32, #tpu.memory_space<vmem>> -> memref<1x128xi32, #tpu.memory_space<vmem>>
        %dma_start3A_354 = tpu.memref_squeeze %dma_start3A_353 : memref<1x128xi32, #tpu.memory_space<vmem>> -> memref<128xi32, #tpu.memory_space<vmem>>
        %dma_start3A_355 = arith.constant 0 : i32
        %dma_start3A_356 = tpu.memref_slice %arg5[%add3A_350, %dma_start3A_355] : memref<2560x128xi32, #tpu.memory_space<hbm>> -> memref<1x128xi32, #tpu.memory_space<hbm>>
        %dma_start3A_357 = tpu.memref_squeeze %dma_start3A_356 : memref<1x128xi32, #tpu.memory_space<hbm>> -> memref<128xi32, #tpu.memory_space<hbm>>
        %dma_start3A_358 = arith.constant 0 : i32
        %dma_start3A_359 = tpu.memref_slice %arg8[%dma_start3A_351, %dma_start3A_358] : memref<4x128xi32, #tpu.memory_space<vmem>> -> memref<1x128xi32, #tpu.memory_space<vmem>>
        %dma_start3A_360 = tpu.memref_squeeze %dma_start3A_359 : memref<1x128xi32, #tpu.memory_space<vmem>> -> memref<128xi32, #tpu.memory_space<vmem>>
        %dma_start3A_361 = arith.constant 0 : i32
        %dma_start3A_362 = tpu.memref_slice %arg5[%add3A_350, %dma_start3A_361] : memref<2560x128xi32, #tpu.memory_space<hbm>> -> memref<1x128xi32, #tpu.memory_space<hbm>>
        %dma_start3A_363 = tpu.memref_squeeze %dma_start3A_362 : memref<1x128xi32, #tpu.memory_space<hbm>> -> memref<128xi32, #tpu.memory_space<hbm>>
        tpu.enqueue_dma source(%dma_start3A_363 : memref<128xi32, #tpu.memory_space<hbm>>) target(%dma_start3A_360 : memref<128xi32, #tpu.memory_space<vmem>>) target_semaphore(%arg12 : memref<!tpu.dma_semaphore, #tpu.memory_space<semaphore_mem>>)
      } else {
      }
      %dma_wait3A_268 = arith.constant 2 : i32
      %dma_wait3A_269 = arith.constant 0 : i32
      %dma_wait3A_270 = arith.constant 0 : i32
      %dma_wait3A_271 = arith.constant 0 : i32
      %dma_wait3A_272 = tpu.memref_slice %arg9[%dma_wait3A_269, %dma_wait3A_270, %dma_wait3A_271] : memref<2x128x128xf32, #tpu.memory_space<vmem>> -> memref<1x128x128xf32, #tpu.memory_space<vmem>>
      %dma_wait3A_273 = tpu.memref_squeeze %dma_wait3A_272 : memref<1x128x128xf32, #tpu.memory_space<vmem>> -> memref<128x128xf32, #tpu.memory_space<vmem>>
      %dma_wait3A_274 = arith.constant 0 : i32
      %dma_wait3A_275 = tpu.memref_slice %arg7[%dma_wait3A_268, %dma_wait3A_274] : memref<4x128xi32, #tpu.memory_space<vmem>> -> memref<1x128xi32, #tpu.memory_space<vmem>>
      %dma_wait3A_276 = tpu.memref_squeeze %dma_wait3A_275 : memref<1x128xi32, #tpu.memory_space<vmem>> -> memref<128xi32, #tpu.memory_space<vmem>>
      %dma_wait3A_277 = arith.constant 0 : i32
      %dma_wait3A_278 = arith.constant 0 : i32
      %dma_wait3A_279 = tpu.memref_slice %arg2[%dma_wait3A_277, %dma_wait3A_278] : memref<10112x128xf32, #tpu.memory_space<hbm>> -> memref<10112x128xf32, #tpu.memory_space<hbm>>
      tpu.wait_indirect_dma semaphore(%arg13 : memref<!tpu.dma_semaphore, #tpu.memory_space<semaphore_mem>>) src(%dma_wait3A_279 : memref<10112x128xf32, #tpu.memory_space<hbm>>) dst(%dma_wait3A_273 : memref<128x128xf32, #tpu.memory_space<vmem>>)
      %dma_start3A_280 = arith.constant 0 : i32
      %dma_start3A_281 = arith.constant 2 : i32
      %dma_start3A_282 = arith.constant 0 : i32
      %dma_start3A_283 = arith.constant 0 : i32
      %dma_start3A_284 = tpu.memref_slice %arg9[%dma_start3A_280, %dma_start3A_282, %dma_start3A_283] : memref<2x128x128xf32, #tpu.memory_space<vmem>> -> memref<1x128x128xf32, #tpu.memory_space<vmem>>
      %dma_start3A_285 = tpu.memref_squeeze %dma_start3A_284 : memref<1x128x128xf32, #tpu.memory_space<vmem>> -> memref<128x128xf32, #tpu.memory_space<vmem>>
      %dma_start3A_286 = arith.constant 0 : i32
      %dma_start3A_287 = tpu.memref_slice %arg8[%dma_start3A_281, %dma_start3A_286] : memref<4x128xi32, #tpu.memory_space<vmem>> -> memref<1x128xi32, #tpu.memory_space<vmem>>
      %dma_start3A_288 = tpu.memref_squeeze %dma_start3A_287 : memref<1x128xi32, #tpu.memory_space<vmem>> -> memref<128xi32, #tpu.memory_space<vmem>>
      %dma_start3A_289 = arith.constant 0 : i32
      %dma_start3A_290 = arith.constant 0 : i32
      %dma_start3A_291 = tpu.memref_slice %arg10[%dma_start3A_289, %dma_start3A_290] : memref<10112x128xf32, #tpu.memory_space<vmem_shared>> -> memref<10112x128xf32, #tpu.memory_space<vmem_shared>>
      tpu.enqueue_indirect_dma source(%dma_start3A_285 : memref<128x128xf32, #tpu.memory_space<vmem>>) target(%dma_start3A_291 : memref<10112x128xf32, #tpu.memory_space<vmem_shared>>) offsets(%dma_start3A_288 : memref<128xi32, #tpu.memory_space<vmem>>) semaphore(%arg15 : memref<!tpu.dma_semaphore, #tpu.memory_space<semaphore_mem>>) {add = true}
      %mul3A_292 = arith.constant 4 : i32
      %mul3A_293 = arith.muli %mul3A_292, %scan3A_168 : i32
      %add3A_294 = arith.constant 3 : i32
      %add3A_295 = arith.addi %mul3A_293, %add3A_294 : i32
      %add3A_296 = arith.constant 1 : i32
      %add3A_297 = arith.addi %add3A_295, %add3A_296 : i32
      %lt3A_298 = arith.constant 160 : i32
      %lt3A_299 = arith.cmpi slt, %add3A_297, %lt3A_298 : i32
      %convert_element_type3A_300 = arith.extui %lt3A_299 : i1 to i32
      %cond3A_301 = arith.constant 0 : i32
      %cond3A_302 = arith.cmpi ne, %convert_element_type3A_300, %cond3A_301 : i32
      scf.if %cond3A_302 {
        %add3A_334 = arith.constant 1 : i32
        %add3A_335 = arith.addi %add3A_295, %add3A_334 : i32
        %add3A_336 = arith.addi %mul3A_2, %add3A_335 : i32
        %dma_wait3A_337 = arith.constant 0 : i32
        %dma_wait3A_338 = arith.constant 0 : i32
        %dma_wait3A_339 = tpu.memref_slice %arg7[%dma_wait3A_337, %dma_wait3A_338] : memref<4x128xi32, #tpu.memory_space<vmem>> -> memref<1x128xi32, #tpu.memory_space<vmem>>
        %dma_wait3A_340 = tpu.memref_squeeze %dma_wait3A_339 : memref<1x128xi32, #tpu.memory_space<vmem>> -> memref<128xi32, #tpu.memory_space<vmem>>
        %dma_wait3A_341 = arith.constant 0 : i32
        %dma_wait3A_342 = tpu.memref_slice %arg4[%add3A_336, %dma_wait3A_341] : memref<2560x128xi32, #tpu.memory_space<hbm>> -> memref<1x128xi32, #tpu.memory_space<hbm>>
        %dma_wait3A_343 = tpu.memref_squeeze %dma_wait3A_342 : memref<1x128xi32, #tpu.memory_space<hbm>> -> memref<128xi32, #tpu.memory_space<hbm>>
        %dma_wait3A_344 = arith.constant 0 : i32
        %dma_wait3A_345 = tpu.memref_slice %arg7[%dma_wait3A_337, %dma_wait3A_344] : memref<4x128xi32, #tpu.memory_space<vmem>> -> memref<1x128xi32, #tpu.memory_space<vmem>>
        %dma_wait3A_346 = tpu.memref_squeeze %dma_wait3A_345 : memref<1x128xi32, #tpu.memory_space<vmem>> -> memref<128xi32, #tpu.memory_space<vmem>>
        %dma_wait3A_347 = arith.constant 0 : i32
        %dma_wait3A_348 = tpu.memref_slice %arg4[%add3A_336, %dma_wait3A_347] : memref<2560x128xi32, #tpu.memory_space<hbm>> -> memref<1x128xi32, #tpu.memory_space<hbm>>
        %dma_wait3A_349 = tpu.memref_squeeze %dma_wait3A_348 : memref<1x128xi32, #tpu.memory_space<hbm>> -> memref<128xi32, #tpu.memory_space<hbm>>
        tpu.wait_dma2 semaphore(%arg11 : memref<!tpu.dma_semaphore, #tpu.memory_space<semaphore_mem>>) src(%dma_wait3A_349 : memref<128xi32, #tpu.memory_space<hbm>>) dst(%dma_wait3A_346 : memref<128xi32, #tpu.memory_space<vmem>>)
        %add3A_350 = arith.addi %mul3A_2, %add3A_335 : i32
        %dma_wait3A_351 = arith.constant 0 : i32
        %dma_wait3A_352 = arith.constant 0 : i32
        %dma_wait3A_353 = tpu.memref_slice %arg8[%dma_wait3A_351, %dma_wait3A_352] : memref<4x128xi32, #tpu.memory_space<vmem>> -> memref<1x128xi32, #tpu.memory_space<vmem>>
        %dma_wait3A_354 = tpu.memref_squeeze %dma_wait3A_353 : memref<1x128xi32, #tpu.memory_space<vmem>> -> memref<128xi32, #tpu.memory_space<vmem>>
        %dma_wait3A_355 = arith.constant 0 : i32
        %dma_wait3A_356 = tpu.memref_slice %arg5[%add3A_350, %dma_wait3A_355] : memref<2560x128xi32, #tpu.memory_space<hbm>> -> memref<1x128xi32, #tpu.memory_space<hbm>>
        %dma_wait3A_357 = tpu.memref_squeeze %dma_wait3A_356 : memref<1x128xi32, #tpu.memory_space<hbm>> -> memref<128xi32, #tpu.memory_space<hbm>>
        %dma_wait3A_358 = arith.constant 0 : i32
        %dma_wait3A_359 = tpu.memref_slice %arg8[%dma_wait3A_351, %dma_wait3A_358] : memref<4x128xi32, #tpu.memory_space<vmem>> -> memref<1x128xi32, #tpu.memory_space<vmem>>
        %dma_wait3A_360 = tpu.memref_squeeze %dma_wait3A_359 : memref<1x128xi32, #tpu.memory_space<vmem>> -> memref<128xi32, #tpu.memory_space<vmem>>
        %dma_wait3A_361 = arith.constant 0 : i32
        %dma_wait3A_362 = tpu.memref_slice %arg5[%add3A_350, %dma_wait3A_361] : memref<2560x128xi32, #tpu.memory_space<hbm>> -> memref<1x128xi32, #tpu.memory_space<hbm>>
        %dma_wait3A_363 = tpu.memref_squeeze %dma_wait3A_362 : memref<1x128xi32, #tpu.memory_space<hbm>> -> memref<128xi32, #tpu.memory_space<hbm>>
        tpu.wait_dma2 semaphore(%arg11 : memref<!tpu.dma_semaphore, #tpu.memory_space<semaphore_mem>>) src(%dma_wait3A_363 : memref<128xi32, #tpu.memory_space<hbm>>) dst(%dma_wait3A_360 : memref<128xi32, #tpu.memory_space<vmem>>)
        %ge3A = arith.constant 1 : i32
        %ge3A_364 = arith.cmpi sge, %add3A_295, %ge3A : i32
        %convert_element_type3A_365 = arith.extui %ge3A_364 : i1 to i32
        %cond3A_366 = arith.constant 0 : i32
        %cond3A_367 = arith.cmpi ne, %convert_element_type3A_365, %cond3A_366 : i32
        scf.if %cond3A_367 {
          %dma_wait3A_380 = arith.constant 0 : i32
          %dma_wait3A_381 = arith.constant 0 : i32
          %dma_wait3A_382 = arith.constant 0 : i32
          %dma_wait3A_383 = tpu.memref_slice %arg9[%dma_wait3A_380, %dma_wait3A_381, %dma_wait3A_382] : memref<2x128x128xf32, #tpu.memory_space<vmem>> -> memref<1x128x128xf32, #tpu.memory_space<vmem>>
          %dma_wait3A_384 = tpu.memref_squeeze %dma_wait3A_383 : memref<1x128x128xf32, #tpu.memory_space<vmem>> -> memref<128x128xf32, #tpu.memory_space<vmem>>
          %dma_wait3A_385 = arith.constant 0 : i32
          %dma_wait3A_386 = arith.constant 0 : i32
          %dma_wait3A_387 = tpu.memref_slice %arg10[%dma_wait3A_385, %dma_wait3A_386] : memref<10112x128xf32, #tpu.memory_space<vmem_shared>> -> memref<128x128xf32, #tpu.memory_space<vmem_shared>>
          %dma_wait3A_388 = arith.constant 0 : i32
          %dma_wait3A_389 = arith.constant 0 : i32
          %dma_wait3A_390 = tpu.memref_slice %arg10[%dma_wait3A_388, %dma_wait3A_389] : memref<10112x128xf32, #tpu.memory_space<vmem_shared>> -> memref<128x128xf32, #tpu.memory_space<vmem_shared>>
          %dma_wait3A_391 = arith.constant 0 : i32
          %dma_wait3A_392 = arith.constant 0 : i32
          %dma_wait3A_393 = tpu.memref_slice %arg9[%dma_wait3A_380, %dma_wait3A_391, %dma_wait3A_392] : memref<2x128x128xf32, #tpu.memory_space<vmem>> -> memref<1x128x128xf32, #tpu.memory_space<vmem>>
          %dma_wait3A_394 = tpu.memref_squeeze %dma_wait3A_393 : memref<1x128x128xf32, #tpu.memory_space<vmem>> -> memref<128x128xf32, #tpu.memory_space<vmem>>
          tpu.wait_dma2 semaphore(%arg15 : memref<!tpu.dma_semaphore, #tpu.memory_space<semaphore_mem>>) src(%dma_wait3A_394 : memref<128x128xf32, #tpu.memory_space<vmem>>) dst(%dma_wait3A_390 : memref<128x128xf32, #tpu.memory_space<vmem_shared>>)
        } else {
        }
        %dma_start3A_368 = arith.constant 0 : i32
        %dma_start3A_369 = arith.constant 0 : i32
        %dma_start3A_370 = arith.constant 0 : i32
        %dma_start3A_371 = arith.constant 0 : i32
        %dma_start3A_372 = tpu.memref_slice %arg9[%dma_start3A_369, %dma_start3A_370, %dma_start3A_371] : memref<2x128x128xf32, #tpu.memory_space<vmem>> -> memref<1x128x128xf32, #tpu.memory_space<vmem>>
        %dma_start3A_373 = tpu.memref_squeeze %dma_start3A_372 : memref<1x128x128xf32, #tpu.memory_space<vmem>> -> memref<128x128xf32, #tpu.memory_space<vmem>>
        %dma_start3A_374 = arith.constant 0 : i32
        %dma_start3A_375 = tpu.memref_slice %arg7[%dma_start3A_368, %dma_start3A_374] : memref<4x128xi32, #tpu.memory_space<vmem>> -> memref<1x128xi32, #tpu.memory_space<vmem>>
        %dma_start3A_376 = tpu.memref_squeeze %dma_start3A_375 : memref<1x128xi32, #tpu.memory_space<vmem>> -> memref<128xi32, #tpu.memory_space<vmem>>
        %dma_start3A_377 = arith.constant 0 : i32
        %dma_start3A_378 = arith.constant 0 : i32
        %dma_start3A_379 = tpu.memref_slice %arg2[%dma_start3A_377, %dma_start3A_378] : memref<10112x128xf32, #tpu.memory_space<hbm>> -> memref<10112x128xf32, #tpu.memory_space<hbm>>
        tpu.enqueue_indirect_dma source(%dma_start3A_379 : memref<10112x128xf32, #tpu.memory_space<hbm>>) target(%dma_start3A_373 : memref<128x128xf32, #tpu.memory_space<vmem>>) offsets(%dma_start3A_376 : memref<128xi32, #tpu.memory_space<vmem>>) semaphore(%arg13 : memref<!tpu.dma_semaphore, #tpu.memory_space<semaphore_mem>>)
      } else {
      }
      %add3A_303 = arith.constant 3 : i32
      %add3A_304 = arith.addi %add3A_295, %add3A_303 : i32
      %lt3A_305 = arith.constant 160 : i32
      %lt3A_306 = arith.cmpi slt, %add3A_304, %lt3A_305 : i32
      %convert_element_type3A_307 = arith.extui %lt3A_306 : i1 to i32
      %cond3A_308 = arith.constant 0 : i32
      %cond3A_309 = arith.cmpi ne, %convert_element_type3A_307, %cond3A_308 : i32
      scf.if %cond3A_309 {
        %add3A_334 = arith.constant 3 : i32
        %add3A_335 = arith.addi %add3A_295, %add3A_334 : i32
        %add3A_336 = arith.addi %mul3A_2, %add3A_335 : i32
        %dma_start3A_337 = arith.constant 2 : i32
        %dma_start3A_338 = arith.constant 0 : i32
        %dma_start3A_339 = tpu.memref_slice %arg7[%dma_start3A_337, %dma_start3A_338] : memref<4x128xi32, #tpu.memory_space<vmem>> -> memref<1x128xi32, #tpu.memory_space<vmem>>
        %dma_start3A_340 = tpu.memref_squeeze %dma_start3A_339 : memref<1x128xi32, #tpu.memory_space<vmem>> -> memref<128xi32, #tpu.memory_space<vmem>>
        %dma_start3A_341 = arith.constant 0 : i32
        %dma_start3A_342 = tpu.memref_slice %arg4[%add3A_336, %dma_start3A_341] : memref<2560x128xi32, #tpu.memory_space<hbm>> -> memref<1x128xi32, #tpu.memory_space<hbm>>
        %dma_start3A_343 = tpu.memref_squeeze %dma_start3A_342 : memref<1x128xi32, #tpu.memory_space<hbm>> -> memref<128xi32, #tpu.memory_space<hbm>>
        %dma_start3A_344 = arith.constant 0 : i32
        %dma_start3A_345 = tpu.memref_slice %arg7[%dma_start3A_337, %dma_start3A_344] : memref<4x128xi32, #tpu.memory_space<vmem>> -> memref<1x128xi32, #tpu.memory_space<vmem>>
        %dma_start3A_346 = tpu.memref_squeeze %dma_start3A_345 : memref<1x128xi32, #tpu.memory_space<vmem>> -> memref<128xi32, #tpu.memory_space<vmem>>
        %dma_start3A_347 = arith.constant 0 : i32
        %dma_start3A_348 = tpu.memref_slice %arg4[%add3A_336, %dma_start3A_347] : memref<2560x128xi32, #tpu.memory_space<hbm>> -> memref<1x128xi32, #tpu.memory_space<hbm>>
        %dma_start3A_349 = tpu.memref_squeeze %dma_start3A_348 : memref<1x128xi32, #tpu.memory_space<hbm>> -> memref<128xi32, #tpu.memory_space<hbm>>
        tpu.enqueue_dma source(%dma_start3A_349 : memref<128xi32, #tpu.memory_space<hbm>>) target(%dma_start3A_346 : memref<128xi32, #tpu.memory_space<vmem>>) target_semaphore(%arg11 : memref<!tpu.dma_semaphore, #tpu.memory_space<semaphore_mem>>)
        %add3A_350 = arith.addi %mul3A_2, %add3A_335 : i32
        %dma_start3A_351 = arith.constant 2 : i32
        %dma_start3A_352 = arith.constant 0 : i32
        %dma_start3A_353 = tpu.memref_slice %arg8[%dma_start3A_351, %dma_start3A_352] : memref<4x128xi32, #tpu.memory_space<vmem>> -> memref<1x128xi32, #tpu.memory_space<vmem>>
        %dma_start3A_354 = tpu.memref_squeeze %dma_start3A_353 : memref<1x128xi32, #tpu.memory_space<vmem>> -> memref<128xi32, #tpu.memory_space<vmem>>
        %dma_start3A_355 = arith.constant 0 : i32
        %dma_start3A_356 = tpu.memref_slice %arg5[%add3A_350, %dma_start3A_355] : memref<2560x128xi32, #tpu.memory_space<hbm>> -> memref<1x128xi32, #tpu.memory_space<hbm>>
        %dma_start3A_357 = tpu.memref_squeeze %dma_start3A_356 : memref<1x128xi32, #tpu.memory_space<hbm>> -> memref<128xi32, #tpu.memory_space<hbm>>
        %dma_start3A_358 = arith.constant 0 : i32
        %dma_start3A_359 = tpu.memref_slice %arg8[%dma_start3A_351, %dma_start3A_358] : memref<4x128xi32, #tpu.memory_space<vmem>> -> memref<1x128xi32, #tpu.memory_space<vmem>>
        %dma_start3A_360 = tpu.memref_squeeze %dma_start3A_359 : memref<1x128xi32, #tpu.memory_space<vmem>> -> memref<128xi32, #tpu.memory_space<vmem>>
        %dma_start3A_361 = arith.constant 0 : i32
        %dma_start3A_362 = tpu.memref_slice %arg5[%add3A_350, %dma_start3A_361] : memref<2560x128xi32, #tpu.memory_space<hbm>> -> memref<1x128xi32, #tpu.memory_space<hbm>>
        %dma_start3A_363 = tpu.memref_squeeze %dma_start3A_362 : memref<1x128xi32, #tpu.memory_space<hbm>> -> memref<128xi32, #tpu.memory_space<hbm>>
        tpu.enqueue_dma source(%dma_start3A_363 : memref<128xi32, #tpu.memory_space<hbm>>) target(%dma_start3A_360 : memref<128xi32, #tpu.memory_space<vmem>>) target_semaphore(%arg11 : memref<!tpu.dma_semaphore, #tpu.memory_space<semaphore_mem>>)
      } else {
      }
      %dma_wait3A_310 = arith.constant 3 : i32
      %dma_wait3A_311 = arith.constant 1 : i32
      %dma_wait3A_312 = arith.constant 0 : i32
      %dma_wait3A_313 = arith.constant 0 : i32
      %dma_wait3A_314 = tpu.memref_slice %arg9[%dma_wait3A_311, %dma_wait3A_312, %dma_wait3A_313] : memref<2x128x128xf32, #tpu.memory_space<vmem>> -> memref<1x128x128xf32, #tpu.memory_space<vmem>>
      %dma_wait3A_315 = tpu.memref_squeeze %dma_wait3A_314 : memref<1x128x128xf32, #tpu.memory_space<vmem>> -> memref<128x128xf32, #tpu.memory_space<vmem>>
      %dma_wait3A_316 = arith.constant 0 : i32
      %dma_wait3A_317 = tpu.memref_slice %arg7[%dma_wait3A_310, %dma_wait3A_316] : memref<4x128xi32, #tpu.memory_space<vmem>> -> memref<1x128xi32, #tpu.memory_space<vmem>>
      %dma_wait3A_318 = tpu.memref_squeeze %dma_wait3A_317 : memref<1x128xi32, #tpu.memory_space<vmem>> -> memref<128xi32, #tpu.memory_space<vmem>>
      %dma_wait3A_319 = arith.constant 0 : i32
      %dma_wait3A_320 = arith.constant 0 : i32
      %dma_wait3A_321 = tpu.memref_slice %arg2[%dma_wait3A_319, %dma_wait3A_320] : memref<10112x128xf32, #tpu.memory_space<hbm>> -> memref<10112x128xf32, #tpu.memory_space<hbm>>
      tpu.wait_indirect_dma semaphore(%arg14 : memref<!tpu.dma_semaphore, #tpu.memory_space<semaphore_mem>>) src(%dma_wait3A_321 : memref<10112x128xf32, #tpu.memory_space<hbm>>) dst(%dma_wait3A_315 : memref<128x128xf32, #tpu.memory_space<vmem>>)
      %dma_start3A_322 = arith.constant 1 : i32
      %dma_start3A_323 = arith.constant 3 : i32
      %dma_start3A_324 = arith.constant 0 : i32
      %dma_start3A_325 = arith.constant 0 : i32
      %dma_start3A_326 = tpu.memref_slice %arg9[%dma_start3A_322, %dma_start3A_324, %dma_start3A_325] : memref<2x128x128xf32, #tpu.memory_space<vmem>> -> memref<1x128x128xf32, #tpu.memory_space<vmem>>
      %dma_start3A_327 = tpu.memref_squeeze %dma_start3A_326 : memref<1x128x128xf32, #tpu.memory_space<vmem>> -> memref<128x128xf32, #tpu.memory_space<vmem>>
      %dma_start3A_328 = arith.constant 0 : i32
      %dma_start3A_329 = tpu.memref_slice %arg8[%dma_start3A_323, %dma_start3A_328] : memref<4x128xi32, #tpu.memory_space<vmem>> -> memref<1x128xi32, #tpu.memory_space<vmem>>
      %dma_start3A_330 = tpu.memref_squeeze %dma_start3A_329 : memref<1x128xi32, #tpu.memory_space<vmem>> -> memref<128xi32, #tpu.memory_space<vmem>>
      %dma_start3A_331 = arith.constant 0 : i32
      %dma_start3A_332 = arith.constant 0 : i32
      %dma_start3A_333 = tpu.memref_slice %arg10[%dma_start3A_331, %dma_start3A_332] : memref<10112x128xf32, #tpu.memory_space<vmem_shared>> -> memref<10112x128xf32, #tpu.memory_space<vmem_shared>>
      tpu.enqueue_indirect_dma source(%dma_start3A_327 : memref<128x128xf32, #tpu.memory_space<vmem>>) target(%dma_start3A_333 : memref<10112x128xf32, #tpu.memory_space<vmem_shared>>) offsets(%dma_start3A_330 : memref<128xi32, #tpu.memory_space<vmem>>) semaphore(%arg16 : memref<!tpu.dma_semaphore, #tpu.memory_space<semaphore_mem>>) {add = true}
    }
    %scan3A_136 = arith.constant 40 : i32
    %dma_wait3A_137 = arith.constant 0 : i32
    %dma_wait3A_138 = arith.constant 0 : i32
    %dma_wait3A_139 = arith.constant 0 : i32
    %dma_wait3A_140 = tpu.memref_slice %arg9[%dma_wait3A_137, %dma_wait3A_138, %dma_wait3A_139] : memref<2x128x128xf32, #tpu.memory_space<vmem>> -> memref<1x128x128xf32, #tpu.memory_space<vmem>>
    %dma_wait3A_141 = tpu.memref_squeeze %dma_wait3A_140 : memref<1x128x128xf32, #tpu.memory_space<vmem>> -> memref<128x128xf32, #tpu.memory_space<vmem>>
    %dma_wait3A_142 = arith.constant 0 : i32
    %dma_wait3A_143 = arith.constant 0 : i32
    %dma_wait3A_144 = tpu.memref_slice %arg10[%dma_wait3A_142, %dma_wait3A_143] : memref<10112x128xf32, #tpu.memory_space<vmem_shared>> -> memref<128x128xf32, #tpu.memory_space<vmem_shared>>
    %dma_wait3A_145 = arith.constant 0 : i32
    %dma_wait3A_146 = arith.constant 0 : i32
    %dma_wait3A_147 = tpu.memref_slice %arg10[%dma_wait3A_145, %dma_wait3A_146] : memref<10112x128xf32, #tpu.memory_space<vmem_shared>> -> memref<128x128xf32, #tpu.memory_space<vmem_shared>>
    %dma_wait3A_148 = arith.constant 0 : i32
    %dma_wait3A_149 = arith.constant 0 : i32
    %dma_wait3A_150 = tpu.memref_slice %arg9[%dma_wait3A_137, %dma_wait3A_148, %dma_wait3A_149] : memref<2x128x128xf32, #tpu.memory_space<vmem>> -> memref<1x128x128xf32, #tpu.memory_space<vmem>>
    %dma_wait3A_151 = tpu.memref_squeeze %dma_wait3A_150 : memref<1x128x128xf32, #tpu.memory_space<vmem>> -> memref<128x128xf32, #tpu.memory_space<vmem>>
    tpu.wait_dma2 semaphore(%arg15 : memref<!tpu.dma_semaphore, #tpu.memory_space<semaphore_mem>>) src(%dma_wait3A_151 : memref<128x128xf32, #tpu.memory_space<vmem>>) dst(%dma_wait3A_147 : memref<128x128xf32, #tpu.memory_space<vmem_shared>>)
    %dma_wait3A_152 = arith.constant 1 : i32
    %dma_wait3A_153 = arith.constant 0 : i32
    %dma_wait3A_154 = arith.constant 0 : i32
    %dma_wait3A_155 = tpu.memref_slice %arg9[%dma_wait3A_152, %dma_wait3A_153, %dma_wait3A_154] : memref<2x128x128xf32, #tpu.memory_space<vmem>> -> memref<1x128x128xf32, #tpu.memory_space<vmem>>
    %dma_wait3A_156 = tpu.memref_squeeze %dma_wait3A_155 : memref<1x128x128xf32, #tpu.memory_space<vmem>> -> memref<128x128xf32, #tpu.memory_space<vmem>>
    %dma_wait3A_157 = arith.constant 0 : i32
    %dma_wait3A_158 = arith.constant 0 : i32
    %dma_wait3A_159 = tpu.memref_slice %arg10[%dma_wait3A_157, %dma_wait3A_158] : memref<10112x128xf32, #tpu.memory_space<vmem_shared>> -> memref<128x128xf32, #tpu.memory_space<vmem_shared>>
    %dma_wait3A_160 = arith.constant 0 : i32
    %dma_wait3A_161 = arith.constant 0 : i32
    %dma_wait3A_162 = tpu.memref_slice %arg10[%dma_wait3A_160, %dma_wait3A_161] : memref<10112x128xf32, #tpu.memory_space<vmem_shared>> -> memref<128x128xf32, #tpu.memory_space<vmem_shared>>
    %dma_wait3A_163 = arith.constant 0 : i32
    %dma_wait3A_164 = arith.constant 0 : i32
    %dma_wait3A_165 = tpu.memref_slice %arg9[%dma_wait3A_152, %dma_wait3A_163, %dma_wait3A_164] : memref<2x128x128xf32, #tpu.memory_space<vmem>> -> memref<1x128x128xf32, #tpu.memory_space<vmem>>
    %dma_wait3A_166 = tpu.memref_squeeze %dma_wait3A_165 : memref<1x128x128xf32, #tpu.memory_space<vmem>> -> memref<128x128xf32, #tpu.memory_space<vmem>>
    tpu.wait_dma2 semaphore(%arg16 : memref<!tpu.dma_semaphore, #tpu.memory_space<semaphore_mem>>) src(%dma_wait3A_166 : memref<128x128xf32, #tpu.memory_space<vmem>>) dst(%dma_wait3A_162 : memref<128x128xf32, #tpu.memory_space<vmem_shared>>)
    %barrier3A_167 = arith.constant 0 : index
    tpu.barrier barrier_id(%barrier3A_167)
    "tpu.region"() ({
      %run_scoped3A = tpu.sem_alloc : memref<!tpu.dma_semaphore, #tpu.memory_space<semaphore_mem>>
      %dma_start3A_168 = arith.constant 0 : i32
      %dma_start3A_169 = tpu.memref_slice %arg6[%mul3A_0, %dma_start3A_168] : memref<10112x128xf32, #tpu.memory_space<hbm>> -> memref<632x128xf32, #tpu.memory_space<hbm>>
      %dma_start3A_170 = arith.constant 0 : i32
      %dma_start3A_171 = tpu.memref_slice %arg10[%mul3A_0, %dma_start3A_170] : memref<10112x128xf32, #tpu.memory_space<vmem_shared>> -> memref<632x128xf32, #tpu.memory_space<vmem_shared>>
      tpu.enqueue_dma source(%dma_start3A_171 : memref<632x128xf32, #tpu.memory_space<vmem_shared>>) target(%dma_start3A_169 : memref<632x128xf32, #tpu.memory_space<hbm>>) target_semaphore(%run_scoped3A : memref<!tpu.dma_semaphore, #tpu.memory_space<semaphore_mem>>)
      %dma_wait3A_172 = arith.constant 0 : i32
      %dma_wait3A_173 = tpu.memref_slice %arg6[%mul3A_0, %dma_wait3A_172] : memref<10112x128xf32, #tpu.memory_space<hbm>> -> memref<632x128xf32, #tpu.memory_space<hbm>>
      %dma_wait3A_174 = arith.constant 0 : i32
      %dma_wait3A_175 = tpu.memref_slice %arg10[%mul3A_0, %dma_wait3A_174] : memref<10112x128xf32, #tpu.memory_space<vmem_shared>> -> memref<632x128xf32, #tpu.memory_space<vmem_shared>>
      tpu.wait_dma2 semaphore(%run_scoped3A : memref<!tpu.dma_semaphore, #tpu.memory_space<semaphore_mem>>) src(%dma_wait3A_175 : memref<632x128xf32, #tpu.memory_space<vmem_shared>>) dst(%dma_wait3A_173 : memref<632x128xf32, #tpu.memory_space<hbm>>)
      tpu.yield
    }) : () -> ()
    return
  }
}

#map = affine_map<(d0, d1) -> (0, 0)>
module attributes {stable_mosaic.version = 14 : i64} {
  func.func @_agg_body(%arg0: i32, %arg1: i32, %arg2: memref<10112x128xf32, #tpu.memory_space<hbm>>, %arg3: memref<10112x128xf32, #tpu.memory_space<hbm>>, %arg4: memref<2560x128xi32, #tpu.memory_space<hbm>>, %arg5: memref<2560x128xi32, #tpu.memory_space<hbm>>, %arg6: memref<10112x128xf32, #tpu.memory_space<hbm>>, %arg7: memref<4x128xi32, #tpu.memory_space<vmem>>, %arg8: memref<4x128xi32, #tpu.memory_space<vmem>>, %arg9: memref<2x128x128xf32, #tpu.memory_space<vmem>>, %arg10: memref<10112x128xf32, #tpu.memory_space<vmem_shared>>, %arg11: memref<!tpu.dma_semaphore, #tpu.memory_space<semaphore_mem>>, %arg12: memref<!tpu.dma_semaphore, #tpu.memory_space<semaphore_mem>>, %arg13: memref<!tpu.dma_semaphore, #tpu.memory_space<semaphore_mem>>, %arg14: memref<!tpu.dma_semaphore, #tpu.memory_space<semaphore_mem>>, %arg15: memref<!tpu.dma_semaphore, #tpu.memory_space<semaphore_mem>>, %arg16: memref<!tpu.dma_semaphore, #tpu.memory_space<semaphore_mem>>) attributes {dimension_semantics = [#tpu.dimension_semantics<core_parallel>, #tpu.dimension_semantics<subcore_parallel>], iteration_bounds = array<i64: 1, 16>, scalar_prefetch = 0 : i64, scratch_operands = 10 : i64, tpu.core_type = #tpu.core_type<sc_vector_subcore>, window_params = [{transform_indices = #map}, {transform_indices = #map}, {transform_indices = #map}, {transform_indices = #map}, {transform_indices = #map}]} {
    %mul3A = arith.constant 632 : i32
    %mul3A_0 = arith.muli %arg1, %mul3A : i32
    "tpu.region"() ({
      %run_scoped3A = tpu.sem_alloc : memref<!tpu.dma_semaphore, #tpu.memory_space<semaphore_mem>>
      %dma_start3A_168 = arith.constant 0 : i32
      %dma_start3A_169 = tpu.memref_slice %arg10[%mul3A_0, %dma_start3A_168] : memref<10112x128xf32, #tpu.memory_space<vmem_shared>> -> memref<632x128xf32, #tpu.memory_space<vmem_shared>>
      %dma_start3A_170 = arith.constant 0 : i32
      %dma_start3A_171 = tpu.memref_slice %arg3[%mul3A_0, %dma_start3A_170] : memref<10112x128xf32, #tpu.memory_space<hbm>> -> memref<632x128xf32, #tpu.memory_space<hbm>>
      tpu.enqueue_dma source(%dma_start3A_171 : memref<632x128xf32, #tpu.memory_space<hbm>>) target(%dma_start3A_169 : memref<632x128xf32, #tpu.memory_space<vmem_shared>>) target_semaphore(%run_scoped3A : memref<!tpu.dma_semaphore, #tpu.memory_space<semaphore_mem>>)
      %dma_wait3A_172 = arith.constant 0 : i32
      %dma_wait3A_173 = tpu.memref_slice %arg10[%mul3A_0, %dma_wait3A_172] : memref<10112x128xf32, #tpu.memory_space<vmem_shared>> -> memref<632x128xf32, #tpu.memory_space<vmem_shared>>
      %dma_wait3A_174 = arith.constant 0 : i32
      %dma_wait3A_175 = tpu.memref_slice %arg3[%mul3A_0, %dma_wait3A_174] : memref<10112x128xf32, #tpu.memory_space<hbm>> -> memref<632x128xf32, #tpu.memory_space<hbm>>
      tpu.wait_dma2 semaphore(%run_scoped3A : memref<!tpu.dma_semaphore, #tpu.memory_space<semaphore_mem>>) src(%dma_wait3A_175 : memref<632x128xf32, #tpu.memory_space<hbm>>) dst(%dma_wait3A_173 : memref<632x128xf32, #tpu.memory_space<vmem_shared>>)
      tpu.yield
    }) : () -> ()
    %barrier3A = arith.constant 0 : index
    tpu.barrier barrier_id(%barrier3A)
    %mul3A_1 = arith.constant 160 : i32
    %mul3A_2 = arith.muli %arg1, %mul3A_1 : i32
    %add3A = arith.constant 0 : i32
    %add3A_3 = arith.addi %mul3A_2, %add3A : i32
    %dma_start3A = arith.constant 0 : i32
    %dma_start3A_4 = arith.constant 0 : i32
    %dma_start3A_5 = tpu.memref_slice %arg7[%dma_start3A, %dma_start3A_4] : memref<4x128xi32, #tpu.memory_space<vmem>> -> memref<1x128xi32, #tpu.memory_space<vmem>>
    %dma_start3A_6 = tpu.memref_squeeze %dma_start3A_5 : memref<1x128xi32, #tpu.memory_space<vmem>> -> memref<128xi32, #tpu.memory_space<vmem>>
    %dma_start3A_7 = arith.constant 0 : i32
    %dma_start3A_8 = tpu.memref_slice %arg4[%add3A_3, %dma_start3A_7] : memref<2560x128xi32, #tpu.memory_space<hbm>> -> memref<1x128xi32, #tpu.memory_space<hbm>>
    %dma_start3A_9 = tpu.memref_squeeze %dma_start3A_8 : memref<1x128xi32, #tpu.memory_space<hbm>> -> memref<128xi32, #tpu.memory_space<hbm>>
    %dma_start3A_10 = arith.constant 0 : i32
    %dma_start3A_11 = tpu.memref_slice %arg7[%dma_start3A, %dma_start3A_10] : memref<4x128xi32, #tpu.memory_space<vmem>> -> memref<1x128xi32, #tpu.memory_space<vmem>>
    %dma_start3A_12 = tpu.memref_squeeze %dma_start3A_11 : memref<1x128xi32, #tpu.memory_space<vmem>> -> memref<128xi32, #tpu.memory_space<vmem>>
    %dma_start3A_13 = arith.constant 0 : i32
    %dma_start3A_14 = tpu.memref_slice %arg4[%add3A_3, %dma_start3A_13] : memref<2560x128xi32, #tpu.memory_space<hbm>> -> memref<1x128xi32, #tpu.memory_space<hbm>>
    %dma_start3A_15 = tpu.memref_squeeze %dma_start3A_14 : memref<1x128xi32, #tpu.memory_space<hbm>> -> memref<128xi32, #tpu.memory_space<hbm>>
    tpu.enqueue_dma source(%dma_start3A_15 : memref<128xi32, #tpu.memory_space<hbm>>) target(%dma_start3A_12 : memref<128xi32, #tpu.memory_space<vmem>>) target_semaphore(%arg11 : memref<!tpu.dma_semaphore, #tpu.memory_space<semaphore_mem>>)
    %add3A_16 = arith.constant 0 : i32
    %add3A_17 = arith.addi %mul3A_2, %add3A_16 : i32
    %dma_start3A_18 = arith.constant 0 : i32
    %dma_start3A_19 = arith.constant 0 : i32
    %dma_start3A_20 = tpu.memref_slice %arg8[%dma_start3A_18, %dma_start3A_19] : memref<4x128xi32, #tpu.memory_space<vmem>> -> memref<1x128xi32, #tpu.memory_space<vmem>>
    %dma_start3A_21 = tpu.memref_squeeze %dma_start3A_20 : memref<1x128xi32, #tpu.memory_space<vmem>> -> memref<128xi32, #tpu.memory_space<vmem>>
    %dma_start3A_22 = arith.constant 0 : i32
    %dma_start3A_23 = tpu.memref_slice %arg5[%add3A_17, %dma_start3A_22] : memref<2560x128xi32, #tpu.memory_space<hbm>> -> memref<1x128xi32, #tpu.memory_space<hbm>>
    %dma_start3A_24 = tpu.memref_squeeze %dma_start3A_23 : memref<1x128xi32, #tpu.memory_space<hbm>> -> memref<128xi32, #tpu.memory_space<hbm>>
    %dma_start3A_25 = arith.constant 0 : i32
    %dma_start3A_26 = tpu.memref_slice %arg8[%dma_start3A_18, %dma_start3A_25] : memref<4x128xi32, #tpu.memory_space<vmem>> -> memref<1x128xi32, #tpu.memory_space<vmem>>
    %dma_start3A_27 = tpu.memref_squeeze %dma_start3A_26 : memref<1x128xi32, #tpu.memory_space<vmem>> -> memref<128xi32, #tpu.memory_space<vmem>>
    %dma_start3A_28 = arith.constant 0 : i32
    %dma_start3A_29 = tpu.memref_slice %arg5[%add3A_17, %dma_start3A_28] : memref<2560x128xi32, #tpu.memory_space<hbm>> -> memref<1x128xi32, #tpu.memory_space<hbm>>
    %dma_start3A_30 = tpu.memref_squeeze %dma_start3A_29 : memref<1x128xi32, #tpu.memory_space<hbm>> -> memref<128xi32, #tpu.memory_space<hbm>>
    tpu.enqueue_dma source(%dma_start3A_30 : memref<128xi32, #tpu.memory_space<hbm>>) target(%dma_start3A_27 : memref<128xi32, #tpu.memory_space<vmem>>) target_semaphore(%arg11 : memref<!tpu.dma_semaphore, #tpu.memory_space<semaphore_mem>>)
    %add3A_31 = arith.constant 1 : i32
    %add3A_32 = arith.addi %mul3A_2, %add3A_31 : i32
    %dma_start3A_33 = arith.constant 1 : i32
    %dma_start3A_34 = arith.constant 0 : i32
    %dma_start3A_35 = tpu.memref_slice %arg7[%dma_start3A_33, %dma_start3A_34] : memref<4x128xi32, #tpu.memory_space<vmem>> -> memref<1x128xi32, #tpu.memory_space<vmem>>
    %dma_start3A_36 = tpu.memref_squeeze %dma_start3A_35 : memref<1x128xi32, #tpu.memory_space<vmem>> -> memref<128xi32, #tpu.memory_space<vmem>>
    %dma_start3A_37 = arith.constant 0 : i32
    %dma_start3A_38 = tpu.memref_slice %arg4[%add3A_32, %dma_start3A_37] : memref<2560x128xi32, #tpu.memory_space<hbm>> -> memref<1x128xi32, #tpu.memory_space<hbm>>
    %dma_start3A_39 = tpu.memref_squeeze %dma_start3A_38 : memref<1x128xi32, #tpu.memory_space<hbm>> -> memref<128xi32, #tpu.memory_space<hbm>>
    %dma_start3A_40 = arith.constant 0 : i32
    %dma_start3A_41 = tpu.memref_slice %arg7[%dma_start3A_33, %dma_start3A_40] : memref<4x128xi32, #tpu.memory_space<vmem>> -> memref<1x128xi32, #tpu.memory_space<vmem>>
    %dma_start3A_42 = tpu.memref_squeeze %dma_start3A_41 : memref<1x128xi32, #tpu.memory_space<vmem>> -> memref<128xi32, #tpu.memory_space<vmem>>
    %dma_start3A_43 = arith.constant 0 : i32
    %dma_start3A_44 = tpu.memref_slice %arg4[%add3A_32, %dma_start3A_43] : memref<2560x128xi32, #tpu.memory_space<hbm>> -> memref<1x128xi32, #tpu.memory_space<hbm>>
    %dma_start3A_45 = tpu.memref_squeeze %dma_start3A_44 : memref<1x128xi32, #tpu.memory_space<hbm>> -> memref<128xi32, #tpu.memory_space<hbm>>
    tpu.enqueue_dma source(%dma_start3A_45 : memref<128xi32, #tpu.memory_space<hbm>>) target(%dma_start3A_42 : memref<128xi32, #tpu.memory_space<vmem>>) target_semaphore(%arg12 : memref<!tpu.dma_semaphore, #tpu.memory_space<semaphore_mem>>)
    %add3A_46 = arith.constant 1 : i32
    %add3A_47 = arith.addi %mul3A_2, %add3A_46 : i32
    %dma_start3A_48 = arith.constant 1 : i32
    %dma_start3A_49 = arith.constant 0 : i32
    %dma_start3A_50 = tpu.memref_slice %arg8[%dma_start3A_48, %dma_start3A_49] : memref<4x128xi32, #tpu.memory_space<vmem>> -> memref<1x128xi32, #tpu.memory_space<vmem>>
    %dma_start3A_51 = tpu.memref_squeeze %dma_start3A_50 : memref<1x128xi32, #tpu.memory_space<vmem>> -> memref<128xi32, #tpu.memory_space<vmem>>
    %dma_start3A_52 = arith.constant 0 : i32
    %dma_start3A_53 = tpu.memref_slice %arg5[%add3A_47, %dma_start3A_52] : memref<2560x128xi32, #tpu.memory_space<hbm>> -> memref<1x128xi32, #tpu.memory_space<hbm>>
    %dma_start3A_54 = tpu.memref_squeeze %dma_start3A_53 : memref<1x128xi32, #tpu.memory_space<hbm>> -> memref<128xi32, #tpu.memory_space<hbm>>
    %dma_start3A_55 = arith.constant 0 : i32
    %dma_start3A_56 = tpu.memref_slice %arg8[%dma_start3A_48, %dma_start3A_55] : memref<4x128xi32, #tpu.memory_space<vmem>> -> memref<1x128xi32, #tpu.memory_space<vmem>>
    %dma_start3A_57 = tpu.memref_squeeze %dma_start3A_56 : memref<1x128xi32, #tpu.memory_space<vmem>> -> memref<128xi32, #tpu.memory_space<vmem>>
    %dma_start3A_58 = arith.constant 0 : i32
    %dma_start3A_59 = tpu.memref_slice %arg5[%add3A_47, %dma_start3A_58] : memref<2560x128xi32, #tpu.memory_space<hbm>> -> memref<1x128xi32, #tpu.memory_space<hbm>>
    %dma_start3A_60 = tpu.memref_squeeze %dma_start3A_59 : memref<1x128xi32, #tpu.memory_space<hbm>> -> memref<128xi32, #tpu.memory_space<hbm>>
    tpu.enqueue_dma source(%dma_start3A_60 : memref<128xi32, #tpu.memory_space<hbm>>) target(%dma_start3A_57 : memref<128xi32, #tpu.memory_space<vmem>>) target_semaphore(%arg12 : memref<!tpu.dma_semaphore, #tpu.memory_space<semaphore_mem>>)
    %add3A_61 = arith.constant 0 : i32
    %add3A_62 = arith.addi %mul3A_2, %add3A_61 : i32
    %dma_wait3A = arith.constant 0 : i32
    %dma_wait3A_63 = arith.constant 0 : i32
    %dma_wait3A_64 = tpu.memref_slice %arg7[%dma_wait3A, %dma_wait3A_63] : memref<4x128xi32, #tpu.memory_space<vmem>> -> memref<1x128xi32, #tpu.memory_space<vmem>>
    %dma_wait3A_65 = tpu.memref_squeeze %dma_wait3A_64 : memref<1x128xi32, #tpu.memory_space<vmem>> -> memref<128xi32, #tpu.memory_space<vmem>>
    %dma_wait3A_66 = arith.constant 0 : i32
    %dma_wait3A_67 = tpu.memref_slice %arg4[%add3A_62, %dma_wait3A_66] : memref<2560x128xi32, #tpu.memory_space<hbm>> -> memref<1x128xi32, #tpu.memory_space<hbm>>
    %dma_wait3A_68 = tpu.memref_squeeze %dma_wait3A_67 : memref<1x128xi32, #tpu.memory_space<hbm>> -> memref<128xi32, #tpu.memory_space<hbm>>
    %dma_wait3A_69 = arith.constant 0 : i32
    %dma_wait3A_70 = tpu.memref_slice %arg7[%dma_wait3A, %dma_wait3A_69] : memref<4x128xi32, #tpu.memory_space<vmem>> -> memref<1x128xi32, #tpu.memory_space<vmem>>
    %dma_wait3A_71 = tpu.memref_squeeze %dma_wait3A_70 : memref<1x128xi32, #tpu.memory_space<vmem>> -> memref<128xi32, #tpu.memory_space<vmem>>
    %dma_wait3A_72 = arith.constant 0 : i32
    %dma_wait3A_73 = tpu.memref_slice %arg4[%add3A_62, %dma_wait3A_72] : memref<2560x128xi32, #tpu.memory_space<hbm>> -> memref<1x128xi32, #tpu.memory_space<hbm>>
    %dma_wait3A_74 = tpu.memref_squeeze %dma_wait3A_73 : memref<1x128xi32, #tpu.memory_space<hbm>> -> memref<128xi32, #tpu.memory_space<hbm>>
    tpu.wait_dma2 semaphore(%arg11 : memref<!tpu.dma_semaphore, #tpu.memory_space<semaphore_mem>>) src(%dma_wait3A_74 : memref<128xi32, #tpu.memory_space<hbm>>) dst(%dma_wait3A_71 : memref<128xi32, #tpu.memory_space<vmem>>)
    %add3A_75 = arith.constant 0 : i32
    %add3A_76 = arith.addi %mul3A_2, %add3A_75 : i32
    %dma_wait3A_77 = arith.constant 0 : i32
    %dma_wait3A_78 = arith.constant 0 : i32
    %dma_wait3A_79 = tpu.memref_slice %arg8[%dma_wait3A_77, %dma_wait3A_78] : memref<4x128xi32, #tpu.memory_space<vmem>> -> memref<1x128xi32, #tpu.memory_space<vmem>>
    %dma_wait3A_80 = tpu.memref_squeeze %dma_wait3A_79 : memref<1x128xi32, #tpu.memory_space<vmem>> -> memref<128xi32, #tpu.memory_space<vmem>>
    %dma_wait3A_81 = arith.constant 0 : i32
    %dma_wait3A_82 = tpu.memref_slice %arg5[%add3A_76, %dma_wait3A_81] : memref<2560x128xi32, #tpu.memory_space<hbm>> -> memref<1x128xi32, #tpu.memory_space<hbm>>
    %dma_wait3A_83 = tpu.memref_squeeze %dma_wait3A_82 : memref<1x128xi32, #tpu.memory_space<hbm>> -> memref<128xi32, #tpu.memory_space<hbm>>
    %dma_wait3A_84 = arith.constant 0 : i32
    %dma_wait3A_85 = tpu.memref_slice %arg8[%dma_wait3A_77, %dma_wait3A_84] : memref<4x128xi32, #tpu.memory_space<vmem>> -> memref<1x128xi32, #tpu.memory_space<vmem>>
    %dma_wait3A_86 = tpu.memref_squeeze %dma_wait3A_85 : memref<1x128xi32, #tpu.memory_space<vmem>> -> memref<128xi32, #tpu.memory_space<vmem>>
    %dma_wait3A_87 = arith.constant 0 : i32
    %dma_wait3A_88 = tpu.memref_slice %arg5[%add3A_76, %dma_wait3A_87] : memref<2560x128xi32, #tpu.memory_space<hbm>> -> memref<1x128xi32, #tpu.memory_space<hbm>>
    %dma_wait3A_89 = tpu.memref_squeeze %dma_wait3A_88 : memref<1x128xi32, #tpu.memory_space<hbm>> -> memref<128xi32, #tpu.memory_space<hbm>>
    tpu.wait_dma2 semaphore(%arg11 : memref<!tpu.dma_semaphore, #tpu.memory_space<semaphore_mem>>) src(%dma_wait3A_89 : memref<128xi32, #tpu.memory_space<hbm>>) dst(%dma_wait3A_86 : memref<128xi32, #tpu.memory_space<vmem>>)
    %dma_start3A_90 = arith.constant 0 : i32
    %dma_start3A_91 = arith.constant 0 : i32
    %dma_start3A_92 = arith.constant 0 : i32
    %dma_start3A_93 = arith.constant 0 : i32
    %dma_start3A_94 = tpu.memref_slice %arg9[%dma_start3A_91, %dma_start3A_92, %dma_start3A_93] : memref<2x128x128xf32, #tpu.memory_space<vmem>> -> memref<1x128x128xf32, #tpu.memory_space<vmem>>
    %dma_start3A_95 = tpu.memref_squeeze %dma_start3A_94 : memref<1x128x128xf32, #tpu.memory_space<vmem>> -> memref<128x128xf32, #tpu.memory_space<vmem>>
    %dma_start3A_96 = arith.constant 0 : i32
    %dma_start3A_97 = tpu.memref_slice %arg7[%dma_start3A_90, %dma_start3A_96] : memref<4x128xi32, #tpu.memory_space<vmem>> -> memref<1x128xi32, #tpu.memory_space<vmem>>
    %dma_start3A_98 = tpu.memref_squeeze %dma_start3A_97 : memref<1x128xi32, #tpu.memory_space<vmem>> -> memref<128xi32, #tpu.memory_space<vmem>>
    %dma_start3A_99 = arith.constant 0 : i32
    %dma_start3A_100 = arith.constant 0 : i32
    %dma_start3A_101 = tpu.memref_slice %arg2[%dma_start3A_99, %dma_start3A_100] : memref<10112x128xf32, #tpu.memory_space<hbm>> -> memref<10112x128xf32, #tpu.memory_space<hbm>>
    tpu.enqueue_indirect_dma source(%dma_start3A_101 : memref<10112x128xf32, #tpu.memory_space<hbm>>) target(%dma_start3A_95 : memref<128x128xf32, #tpu.memory_space<vmem>>) offsets(%dma_start3A_98 : memref<128xi32, #tpu.memory_space<vmem>>) semaphore(%arg13 : memref<!tpu.dma_semaphore, #tpu.memory_space<semaphore_mem>>)
    %add3A_102 = arith.constant 2 : i32
    %add3A_103 = arith.addi %mul3A_2, %add3A_102 : i32
    %dma_start3A_104 = arith.constant 2 : i32
    %dma_start3A_105 = arith.constant 0 : i32
    %dma_start3A_106 = tpu.memref_slice %arg7[%dma_start3A_104, %dma_start3A_105] : memref<4x128xi32, #tpu.memory_space<vmem>> -> memref<1x128xi32, #tpu.memory_space<vmem>>
    %dma_start3A_107 = tpu.memref_squeeze %dma_start3A_106 : memref<1x128xi32, #tpu.memory_space<vmem>> -> memref<128xi32, #tpu.memory_space<vmem>>
    %dma_start3A_108 = arith.constant 0 : i32
    %dma_start3A_109 = tpu.memref_slice %arg4[%add3A_103, %dma_start3A_108] : memref<2560x128xi32, #tpu.memory_space<hbm>> -> memref<1x128xi32, #tpu.memory_space<hbm>>
    %dma_start3A_110 = tpu.memref_squeeze %dma_start3A_109 : memref<1x128xi32, #tpu.memory_space<hbm>> -> memref<128xi32, #tpu.memory_space<hbm>>
    %dma_start3A_111 = arith.constant 0 : i32
    %dma_start3A_112 = tpu.memref_slice %arg7[%dma_start3A_104, %dma_start3A_111] : memref<4x128xi32, #tpu.memory_space<vmem>> -> memref<1x128xi32, #tpu.memory_space<vmem>>
    %dma_start3A_113 = tpu.memref_squeeze %dma_start3A_112 : memref<1x128xi32, #tpu.memory_space<vmem>> -> memref<128xi32, #tpu.memory_space<vmem>>
    %dma_start3A_114 = arith.constant 0 : i32
    %dma_start3A_115 = tpu.memref_slice %arg4[%add3A_103, %dma_start3A_114] : memref<2560x128xi32, #tpu.memory_space<hbm>> -> memref<1x128xi32, #tpu.memory_space<hbm>>
    %dma_start3A_116 = tpu.memref_squeeze %dma_start3A_115 : memref<1x128xi32, #tpu.memory_space<hbm>> -> memref<128xi32, #tpu.memory_space<hbm>>
    tpu.enqueue_dma source(%dma_start3A_116 : memref<128xi32, #tpu.memory_space<hbm>>) target(%dma_start3A_113 : memref<128xi32, #tpu.memory_space<vmem>>) target_semaphore(%arg11 : memref<!tpu.dma_semaphore, #tpu.memory_space<semaphore_mem>>)
    %add3A_117 = arith.constant 2 : i32
    %add3A_118 = arith.addi %mul3A_2, %add3A_117 : i32
    %dma_start3A_119 = arith.constant 2 : i32
    %dma_start3A_120 = arith.constant 0 : i32
    %dma_start3A_121 = tpu.memref_slice %arg8[%dma_start3A_119, %dma_start3A_120] : memref<4x128xi32, #tpu.memory_space<vmem>> -> memref<1x128xi32, #tpu.memory_space<vmem>>
    %dma_start3A_122 = tpu.memref_squeeze %dma_start3A_121 : memref<1x128xi32, #tpu.memory_space<vmem>> -> memref<128xi32, #tpu.memory_space<vmem>>
    %dma_start3A_123 = arith.constant 0 : i32
    %dma_start3A_124 = tpu.memref_slice %arg5[%add3A_118, %dma_start3A_123] : memref<2560x128xi32, #tpu.memory_space<hbm>> -> memref<1x128xi32, #tpu.memory_space<hbm>>
    %dma_start3A_125 = tpu.memref_squeeze %dma_start3A_124 : memref<1x128xi32, #tpu.memory_space<hbm>> -> memref<128xi32, #tpu.memory_space<hbm>>
    %dma_start3A_126 = arith.constant 0 : i32
    %dma_start3A_127 = tpu.memref_slice %arg8[%dma_start3A_119, %dma_start3A_126] : memref<4x128xi32, #tpu.memory_space<vmem>> -> memref<1x128xi32, #tpu.memory_space<vmem>>
    %dma_start3A_128 = tpu.memref_squeeze %dma_start3A_127 : memref<1x128xi32, #tpu.memory_space<vmem>> -> memref<128xi32, #tpu.memory_space<vmem>>
    %dma_start3A_129 = arith.constant 0 : i32
    %dma_start3A_130 = tpu.memref_slice %arg5[%add3A_118, %dma_start3A_129] : memref<2560x128xi32, #tpu.memory_space<hbm>> -> memref<1x128xi32, #tpu.memory_space<hbm>>
    %dma_start3A_131 = tpu.memref_squeeze %dma_start3A_130 : memref<1x128xi32, #tpu.memory_space<hbm>> -> memref<128xi32, #tpu.memory_space<hbm>>
    tpu.enqueue_dma source(%dma_start3A_131 : memref<128xi32, #tpu.memory_space<hbm>>) target(%dma_start3A_128 : memref<128xi32, #tpu.memory_space<vmem>>) target_semaphore(%arg11 : memref<!tpu.dma_semaphore, #tpu.memory_space<semaphore_mem>>)
    %scan3A = arith.constant 0 : i32
    %scan3A_132 = arith.constant 0 : i32
    %scan3A_133 = arith.constant 40 : i32
    %scan3A_134 = arith.addi %scan3A_132, %scan3A_133 : i32
    %scan3A_135 = arith.constant 1 : i32
    scf.for %scan3A_168 = %scan3A_132 to %scan3A_134 step %scan3A_135  : i32 {
      %mul3A_169 = arith.constant 4 : i32
      %mul3A_170 = arith.muli %mul3A_169, %scan3A_168 : i32
      %add3A_171 = arith.constant 0 : i32
      %add3A_172 = arith.addi %mul3A_170, %add3A_171 : i32
      %add3A_173 = arith.constant 1 : i32
      %add3A_174 = arith.addi %add3A_172, %add3A_173 : i32
      %lt3A = arith.constant 160 : i32
      %lt3A_175 = arith.cmpi slt, %add3A_174, %lt3A : i32
      %convert_element_type3A = arith.extui %lt3A_175 : i1 to i32
      %cond3A = arith.constant 0 : i32
      %cond3A_176 = arith.cmpi ne, %convert_element_type3A, %cond3A : i32
      scf.if %cond3A_176 {
        %add3A_334 = arith.constant 1 : i32
        %add3A_335 = arith.addi %add3A_172, %add3A_334 : i32
        %add3A_336 = arith.addi %mul3A_2, %add3A_335 : i32
        %dma_wait3A_337 = arith.constant 1 : i32
        %dma_wait3A_338 = arith.constant 0 : i32
        %dma_wait3A_339 = tpu.memref_slice %arg7[%dma_wait3A_337, %dma_wait3A_338] : memref<4x128xi32, #tpu.memory_space<vmem>> -> memref<1x128xi32, #tpu.memory_space<vmem>>
        %dma_wait3A_340 = tpu.memref_squeeze %dma_wait3A_339 : memref<1x128xi32, #tpu.memory_space<vmem>> -> memref<128xi32, #tpu.memory_space<vmem>>
        %dma_wait3A_341 = arith.constant 0 : i32
        %dma_wait3A_342 = tpu.memref_slice %arg4[%add3A_336, %dma_wait3A_341] : memref<2560x128xi32, #tpu.memory_space<hbm>> -> memref<1x128xi32, #tpu.memory_space<hbm>>
        %dma_wait3A_343 = tpu.memref_squeeze %dma_wait3A_342 : memref<1x128xi32, #tpu.memory_space<hbm>> -> memref<128xi32, #tpu.memory_space<hbm>>
        %dma_wait3A_344 = arith.constant 0 : i32
        %dma_wait3A_345 = tpu.memref_slice %arg7[%dma_wait3A_337, %dma_wait3A_344] : memref<4x128xi32, #tpu.memory_space<vmem>> -> memref<1x128xi32, #tpu.memory_space<vmem>>
        %dma_wait3A_346 = tpu.memref_squeeze %dma_wait3A_345 : memref<1x128xi32, #tpu.memory_space<vmem>> -> memref<128xi32, #tpu.memory_space<vmem>>
        %dma_wait3A_347 = arith.constant 0 : i32
        %dma_wait3A_348 = tpu.memref_slice %arg4[%add3A_336, %dma_wait3A_347] : memref<2560x128xi32, #tpu.memory_space<hbm>> -> memref<1x128xi32, #tpu.memory_space<hbm>>
        %dma_wait3A_349 = tpu.memref_squeeze %dma_wait3A_348 : memref<1x128xi32, #tpu.memory_space<hbm>> -> memref<128xi32, #tpu.memory_space<hbm>>
        tpu.wait_dma2 semaphore(%arg12 : memref<!tpu.dma_semaphore, #tpu.memory_space<semaphore_mem>>) src(%dma_wait3A_349 : memref<128xi32, #tpu.memory_space<hbm>>) dst(%dma_wait3A_346 : memref<128xi32, #tpu.memory_space<vmem>>)
        %add3A_350 = arith.addi %mul3A_2, %add3A_335 : i32
        %dma_wait3A_351 = arith.constant 1 : i32
        %dma_wait3A_352 = arith.constant 0 : i32
        %dma_wait3A_353 = tpu.memref_slice %arg8[%dma_wait3A_351, %dma_wait3A_352] : memref<4x128xi32, #tpu.memory_space<vmem>> -> memref<1x128xi32, #tpu.memory_space<vmem>>
        %dma_wait3A_354 = tpu.memref_squeeze %dma_wait3A_353 : memref<1x128xi32, #tpu.memory_space<vmem>> -> memref<128xi32, #tpu.memory_space<vmem>>
        %dma_wait3A_355 = arith.constant 0 : i32
        %dma_wait3A_356 = tpu.memref_slice %arg5[%add3A_350, %dma_wait3A_355] : memref<2560x128xi32, #tpu.memory_space<hbm>> -> memref<1x128xi32, #tpu.memory_space<hbm>>
        %dma_wait3A_357 = tpu.memref_squeeze %dma_wait3A_356 : memref<1x128xi32, #tpu.memory_space<hbm>> -> memref<128xi32, #tpu.memory_space<hbm>>
        %dma_wait3A_358 = arith.constant 0 : i32
        %dma_wait3A_359 = tpu.memref_slice %arg8[%dma_wait3A_351, %dma_wait3A_358] : memref<4x128xi32, #tpu.memory_space<vmem>> -> memref<1x128xi32, #tpu.memory_space<vmem>>
        %dma_wait3A_360 = tpu.memref_squeeze %dma_wait3A_359 : memref<1x128xi32, #tpu.memory_space<vmem>> -> memref<128xi32, #tpu.memory_space<vmem>>
        %dma_wait3A_361 = arith.constant 0 : i32
        %dma_wait3A_362 = tpu.memref_slice %arg5[%add3A_350, %dma_wait3A_361] : memref<2560x128xi32, #tpu.memory_space<hbm>> -> memref<1x128xi32, #tpu.memory_space<hbm>>
        %dma_wait3A_363 = tpu.memref_squeeze %dma_wait3A_362 : memref<1x128xi32, #tpu.memory_space<hbm>> -> memref<128xi32, #tpu.memory_space<hbm>>
        tpu.wait_dma2 semaphore(%arg12 : memref<!tpu.dma_semaphore, #tpu.memory_space<semaphore_mem>>) src(%dma_wait3A_363 : memref<128xi32, #tpu.memory_space<hbm>>) dst(%dma_wait3A_360 : memref<128xi32, #tpu.memory_space<vmem>>)
        %ge3A = arith.constant 1 : i32
        %ge3A_364 = arith.cmpi sge, %add3A_172, %ge3A : i32
        %convert_element_type3A_365 = arith.extui %ge3A_364 : i1 to i32
        %cond3A_366 = arith.constant 0 : i32
        %cond3A_367 = arith.cmpi ne, %convert_element_type3A_365, %cond3A_366 : i32
        scf.if %cond3A_367 {
          %dma_wait3A_380 = arith.constant 1 : i32
          %dma_wait3A_381 = arith.constant 0 : i32
          %dma_wait3A_382 = arith.constant 0 : i32
          %dma_wait3A_383 = tpu.memref_slice %arg9[%dma_wait3A_380, %dma_wait3A_381, %dma_wait3A_382] : memref<2x128x128xf32, #tpu.memory_space<vmem>> -> memref<1x128x128xf32, #tpu.memory_space<vmem>>
          %dma_wait3A_384 = tpu.memref_squeeze %dma_wait3A_383 : memref<1x128x128xf32, #tpu.memory_space<vmem>> -> memref<128x128xf32, #tpu.memory_space<vmem>>
          %dma_wait3A_385 = arith.constant 0 : i32
          %dma_wait3A_386 = arith.constant 0 : i32
          %dma_wait3A_387 = tpu.memref_slice %arg10[%dma_wait3A_385, %dma_wait3A_386] : memref<10112x128xf32, #tpu.memory_space<vmem_shared>> -> memref<128x128xf32, #tpu.memory_space<vmem_shared>>
          %dma_wait3A_388 = arith.constant 0 : i32
          %dma_wait3A_389 = arith.constant 0 : i32
          %dma_wait3A_390 = tpu.memref_slice %arg10[%dma_wait3A_388, %dma_wait3A_389] : memref<10112x128xf32, #tpu.memory_space<vmem_shared>> -> memref<128x128xf32, #tpu.memory_space<vmem_shared>>
          %dma_wait3A_391 = arith.constant 0 : i32
          %dma_wait3A_392 = arith.constant 0 : i32
          %dma_wait3A_393 = tpu.memref_slice %arg9[%dma_wait3A_380, %dma_wait3A_391, %dma_wait3A_392] : memref<2x128x128xf32, #tpu.memory_space<vmem>> -> memref<1x128x128xf32, #tpu.memory_space<vmem>>
          %dma_wait3A_394 = tpu.memref_squeeze %dma_wait3A_393 : memref<1x128x128xf32, #tpu.memory_space<vmem>> -> memref<128x128xf32, #tpu.memory_space<vmem>>
          tpu.wait_dma2 semaphore(%arg16 : memref<!tpu.dma_semaphore, #tpu.memory_space<semaphore_mem>>) src(%dma_wait3A_394 : memref<128x128xf32, #tpu.memory_space<vmem>>) dst(%dma_wait3A_390 : memref<128x128xf32, #tpu.memory_space<vmem_shared>>)
        } else {
        }
        %dma_start3A_368 = arith.constant 1 : i32
        %dma_start3A_369 = arith.constant 1 : i32
        %dma_start3A_370 = arith.constant 0 : i32
        %dma_start3A_371 = arith.constant 0 : i32
        %dma_start3A_372 = tpu.memref_slice %arg9[%dma_start3A_369, %dma_start3A_370, %dma_start3A_371] : memref<2x128x128xf32, #tpu.memory_space<vmem>> -> memref<1x128x128xf32, #tpu.memory_space<vmem>>
        %dma_start3A_373 = tpu.memref_squeeze %dma_start3A_372 : memref<1x128x128xf32, #tpu.memory_space<vmem>> -> memref<128x128xf32, #tpu.memory_space<vmem>>
        %dma_start3A_374 = arith.constant 0 : i32
        %dma_start3A_375 = tpu.memref_slice %arg7[%dma_start3A_368, %dma_start3A_374] : memref<4x128xi32, #tpu.memory_space<vmem>> -> memref<1x128xi32, #tpu.memory_space<vmem>>
        %dma_start3A_376 = tpu.memref_squeeze %dma_start3A_375 : memref<1x128xi32, #tpu.memory_space<vmem>> -> memref<128xi32, #tpu.memory_space<vmem>>
        %dma_start3A_377 = arith.constant 0 : i32
        %dma_start3A_378 = arith.constant 0 : i32
        %dma_start3A_379 = tpu.memref_slice %arg2[%dma_start3A_377, %dma_start3A_378] : memref<10112x128xf32, #tpu.memory_space<hbm>> -> memref<10112x128xf32, #tpu.memory_space<hbm>>
        tpu.enqueue_indirect_dma source(%dma_start3A_379 : memref<10112x128xf32, #tpu.memory_space<hbm>>) target(%dma_start3A_373 : memref<128x128xf32, #tpu.memory_space<vmem>>) offsets(%dma_start3A_376 : memref<128xi32, #tpu.memory_space<vmem>>) semaphore(%arg14 : memref<!tpu.dma_semaphore, #tpu.memory_space<semaphore_mem>>)
      } else {
      }
      %add3A_177 = arith.constant 3 : i32
      %add3A_178 = arith.addi %add3A_172, %add3A_177 : i32
      %lt3A_179 = arith.constant 160 : i32
      %lt3A_180 = arith.cmpi slt, %add3A_178, %lt3A_179 : i32
      %convert_element_type3A_181 = arith.extui %lt3A_180 : i1 to i32
      %cond3A_182 = arith.constant 0 : i32
      %cond3A_183 = arith.cmpi ne, %convert_element_type3A_181, %cond3A_182 : i32
      scf.if %cond3A_183 {
        %add3A_334 = arith.constant 3 : i32
        %add3A_335 = arith.addi %add3A_172, %add3A_334 : i32
        %add3A_336 = arith.addi %mul3A_2, %add3A_335 : i32
        %dma_start3A_337 = arith.constant 3 : i32
        %dma_start3A_338 = arith.constant 0 : i32
        %dma_start3A_339 = tpu.memref_slice %arg7[%dma_start3A_337, %dma_start3A_338] : memref<4x128xi32, #tpu.memory_space<vmem>> -> memref<1x128xi32, #tpu.memory_space<vmem>>
        %dma_start3A_340 = tpu.memref_squeeze %dma_start3A_339 : memref<1x128xi32, #tpu.memory_space<vmem>> -> memref<128xi32, #tpu.memory_space<vmem>>
        %dma_start3A_341 = arith.constant 0 : i32
        %dma_start3A_342 = tpu.memref_slice %arg4[%add3A_336, %dma_start3A_341] : memref<2560x128xi32, #tpu.memory_space<hbm>> -> memref<1x128xi32, #tpu.memory_space<hbm>>
        %dma_start3A_343 = tpu.memref_squeeze %dma_start3A_342 : memref<1x128xi32, #tpu.memory_space<hbm>> -> memref<128xi32, #tpu.memory_space<hbm>>
        %dma_start3A_344 = arith.constant 0 : i32
        %dma_start3A_345 = tpu.memref_slice %arg7[%dma_start3A_337, %dma_start3A_344] : memref<4x128xi32, #tpu.memory_space<vmem>> -> memref<1x128xi32, #tpu.memory_space<vmem>>
        %dma_start3A_346 = tpu.memref_squeeze %dma_start3A_345 : memref<1x128xi32, #tpu.memory_space<vmem>> -> memref<128xi32, #tpu.memory_space<vmem>>
        %dma_start3A_347 = arith.constant 0 : i32
        %dma_start3A_348 = tpu.memref_slice %arg4[%add3A_336, %dma_start3A_347] : memref<2560x128xi32, #tpu.memory_space<hbm>> -> memref<1x128xi32, #tpu.memory_space<hbm>>
        %dma_start3A_349 = tpu.memref_squeeze %dma_start3A_348 : memref<1x128xi32, #tpu.memory_space<hbm>> -> memref<128xi32, #tpu.memory_space<hbm>>
        tpu.enqueue_dma source(%dma_start3A_349 : memref<128xi32, #tpu.memory_space<hbm>>) target(%dma_start3A_346 : memref<128xi32, #tpu.memory_space<vmem>>) target_semaphore(%arg12 : memref<!tpu.dma_semaphore, #tpu.memory_space<semaphore_mem>>)
        %add3A_350 = arith.addi %mul3A_2, %add3A_335 : i32
        %dma_start3A_351 = arith.constant 3 : i32
        %dma_start3A_352 = arith.constant 0 : i32
        %dma_start3A_353 = tpu.memref_slice %arg8[%dma_start3A_351, %dma_start3A_352] : memref<4x128xi32, #tpu.memory_space<vmem>> -> memref<1x128xi32, #tpu.memory_space<vmem>>
        %dma_start3A_354 = tpu.memref_squeeze %dma_start3A_353 : memref<1x128xi32, #tpu.memory_space<vmem>> -> memref<128xi32, #tpu.memory_space<vmem>>
        %dma_start3A_355 = arith.constant 0 : i32
        %dma_start3A_356 = tpu.memref_slice %arg5[%add3A_350, %dma_start3A_355] : memref<2560x128xi32, #tpu.memory_space<hbm>> -> memref<1x128xi32, #tpu.memory_space<hbm>>
        %dma_start3A_357 = tpu.memref_squeeze %dma_start3A_356 : memref<1x128xi32, #tpu.memory_space<hbm>> -> memref<128xi32, #tpu.memory_space<hbm>>
        %dma_start3A_358 = arith.constant 0 : i32
        %dma_start3A_359 = tpu.memref_slice %arg8[%dma_start3A_351, %dma_start3A_358] : memref<4x128xi32, #tpu.memory_space<vmem>> -> memref<1x128xi32, #tpu.memory_space<vmem>>
        %dma_start3A_360 = tpu.memref_squeeze %dma_start3A_359 : memref<1x128xi32, #tpu.memory_space<vmem>> -> memref<128xi32, #tpu.memory_space<vmem>>
        %dma_start3A_361 = arith.constant 0 : i32
        %dma_start3A_362 = tpu.memref_slice %arg5[%add3A_350, %dma_start3A_361] : memref<2560x128xi32, #tpu.memory_space<hbm>> -> memref<1x128xi32, #tpu.memory_space<hbm>>
        %dma_start3A_363 = tpu.memref_squeeze %dma_start3A_362 : memref<1x128xi32, #tpu.memory_space<hbm>> -> memref<128xi32, #tpu.memory_space<hbm>>
        tpu.enqueue_dma source(%dma_start3A_363 : memref<128xi32, #tpu.memory_space<hbm>>) target(%dma_start3A_360 : memref<128xi32, #tpu.memory_space<vmem>>) target_semaphore(%arg12 : memref<!tpu.dma_semaphore, #tpu.memory_space<semaphore_mem>>)
      } else {
      }
      %dma_wait3A_184 = arith.constant 0 : i32
      %dma_wait3A_185 = arith.constant 0 : i32
      %dma_wait3A_186 = arith.constant 0 : i32
      %dma_wait3A_187 = arith.constant 0 : i32
      %dma_wait3A_188 = tpu.memref_slice %arg9[%dma_wait3A_185, %dma_wait3A_186, %dma_wait3A_187] : memref<2x128x128xf32, #tpu.memory_space<vmem>> -> memref<1x128x128xf32, #tpu.memory_space<vmem>>
      %dma_wait3A_189 = tpu.memref_squeeze %dma_wait3A_188 : memref<1x128x128xf32, #tpu.memory_space<vmem>> -> memref<128x128xf32, #tpu.memory_space<vmem>>
      %dma_wait3A_190 = arith.constant 0 : i32
      %dma_wait3A_191 = tpu.memref_slice %arg7[%dma_wait3A_184, %dma_wait3A_190] : memref<4x128xi32, #tpu.memory_space<vmem>> -> memref<1x128xi32, #tpu.memory_space<vmem>>
      %dma_wait3A_192 = tpu.memref_squeeze %dma_wait3A_191 : memref<1x128xi32, #tpu.memory_space<vmem>> -> memref<128xi32, #tpu.memory_space<vmem>>
      %dma_wait3A_193 = arith.constant 0 : i32
      %dma_wait3A_194 = arith.constant 0 : i32
      %dma_wait3A_195 = tpu.memref_slice %arg2[%dma_wait3A_193, %dma_wait3A_194] : memref<10112x128xf32, #tpu.memory_space<hbm>> -> memref<10112x128xf32, #tpu.memory_space<hbm>>
      tpu.wait_indirect_dma semaphore(%arg13 : memref<!tpu.dma_semaphore, #tpu.memory_space<semaphore_mem>>) src(%dma_wait3A_195 : memref<10112x128xf32, #tpu.memory_space<hbm>>) dst(%dma_wait3A_189 : memref<128x128xf32, #tpu.memory_space<vmem>>)
      %dma_start3A_196 = arith.constant 0 : i32
      %dma_start3A_197 = arith.constant 0 : i32
      %dma_start3A_198 = arith.constant 0 : i32
      %dma_start3A_199 = arith.constant 0 : i32
      %dma_start3A_200 = tpu.memref_slice %arg9[%dma_start3A_196, %dma_start3A_198, %dma_start3A_199] : memref<2x128x128xf32, #tpu.memory_space<vmem>> -> memref<1x128x128xf32, #tpu.memory_space<vmem>>
      %dma_start3A_201 = tpu.memref_squeeze %dma_start3A_200 : memref<1x128x128xf32, #tpu.memory_space<vmem>> -> memref<128x128xf32, #tpu.memory_space<vmem>>
      %dma_start3A_202 = arith.constant 0 : i32
      %dma_start3A_203 = tpu.memref_slice %arg8[%dma_start3A_197, %dma_start3A_202] : memref<4x128xi32, #tpu.memory_space<vmem>> -> memref<1x128xi32, #tpu.memory_space<vmem>>
      %dma_start3A_204 = tpu.memref_squeeze %dma_start3A_203 : memref<1x128xi32, #tpu.memory_space<vmem>> -> memref<128xi32, #tpu.memory_space<vmem>>
      %dma_start3A_205 = arith.constant 0 : i32
      %dma_start3A_206 = arith.constant 0 : i32
      %dma_start3A_207 = tpu.memref_slice %arg10[%dma_start3A_205, %dma_start3A_206] : memref<10112x128xf32, #tpu.memory_space<vmem_shared>> -> memref<10112x128xf32, #tpu.memory_space<vmem_shared>>
      tpu.enqueue_indirect_dma source(%dma_start3A_201 : memref<128x128xf32, #tpu.memory_space<vmem>>) target(%dma_start3A_207 : memref<10112x128xf32, #tpu.memory_space<vmem_shared>>) offsets(%dma_start3A_204 : memref<128xi32, #tpu.memory_space<vmem>>) semaphore(%arg15 : memref<!tpu.dma_semaphore, #tpu.memory_space<semaphore_mem>>) {add = true}
      %mul3A_208 = arith.constant 4 : i32
      %mul3A_209 = arith.muli %mul3A_208, %scan3A_168 : i32
      %add3A_210 = arith.constant 1 : i32
      %add3A_211 = arith.addi %mul3A_209, %add3A_210 : i32
      %add3A_212 = arith.constant 1 : i32
      %add3A_213 = arith.addi %add3A_211, %add3A_212 : i32
      %lt3A_214 = arith.constant 160 : i32
      %lt3A_215 = arith.cmpi slt, %add3A_213, %lt3A_214 : i32
      %convert_element_type3A_216 = arith.extui %lt3A_215 : i1 to i32
      %cond3A_217 = arith.constant 0 : i32
      %cond3A_218 = arith.cmpi ne, %convert_element_type3A_216, %cond3A_217 : i32
      scf.if %cond3A_218 {
        %add3A_334 = arith.constant 1 : i32
        %add3A_335 = arith.addi %add3A_211, %add3A_334 : i32
        %add3A_336 = arith.addi %mul3A_2, %add3A_335 : i32
        %dma_wait3A_337 = arith.constant 2 : i32
        %dma_wait3A_338 = arith.constant 0 : i32
        %dma_wait3A_339 = tpu.memref_slice %arg7[%dma_wait3A_337, %dma_wait3A_338] : memref<4x128xi32, #tpu.memory_space<vmem>> -> memref<1x128xi32, #tpu.memory_space<vmem>>
        %dma_wait3A_340 = tpu.memref_squeeze %dma_wait3A_339 : memref<1x128xi32, #tpu.memory_space<vmem>> -> memref<128xi32, #tpu.memory_space<vmem>>
        %dma_wait3A_341 = arith.constant 0 : i32
        %dma_wait3A_342 = tpu.memref_slice %arg4[%add3A_336, %dma_wait3A_341] : memref<2560x128xi32, #tpu.memory_space<hbm>> -> memref<1x128xi32, #tpu.memory_space<hbm>>
        %dma_wait3A_343 = tpu.memref_squeeze %dma_wait3A_342 : memref<1x128xi32, #tpu.memory_space<hbm>> -> memref<128xi32, #tpu.memory_space<hbm>>
        %dma_wait3A_344 = arith.constant 0 : i32
        %dma_wait3A_345 = tpu.memref_slice %arg7[%dma_wait3A_337, %dma_wait3A_344] : memref<4x128xi32, #tpu.memory_space<vmem>> -> memref<1x128xi32, #tpu.memory_space<vmem>>
        %dma_wait3A_346 = tpu.memref_squeeze %dma_wait3A_345 : memref<1x128xi32, #tpu.memory_space<vmem>> -> memref<128xi32, #tpu.memory_space<vmem>>
        %dma_wait3A_347 = arith.constant 0 : i32
        %dma_wait3A_348 = tpu.memref_slice %arg4[%add3A_336, %dma_wait3A_347] : memref<2560x128xi32, #tpu.memory_space<hbm>> -> memref<1x128xi32, #tpu.memory_space<hbm>>
        %dma_wait3A_349 = tpu.memref_squeeze %dma_wait3A_348 : memref<1x128xi32, #tpu.memory_space<hbm>> -> memref<128xi32, #tpu.memory_space<hbm>>
        tpu.wait_dma2 semaphore(%arg11 : memref<!tpu.dma_semaphore, #tpu.memory_space<semaphore_mem>>) src(%dma_wait3A_349 : memref<128xi32, #tpu.memory_space<hbm>>) dst(%dma_wait3A_346 : memref<128xi32, #tpu.memory_space<vmem>>)
        %add3A_350 = arith.addi %mul3A_2, %add3A_335 : i32
        %dma_wait3A_351 = arith.constant 2 : i32
        %dma_wait3A_352 = arith.constant 0 : i32
        %dma_wait3A_353 = tpu.memref_slice %arg8[%dma_wait3A_351, %dma_wait3A_352] : memref<4x128xi32, #tpu.memory_space<vmem>> -> memref<1x128xi32, #tpu.memory_space<vmem>>
        %dma_wait3A_354 = tpu.memref_squeeze %dma_wait3A_353 : memref<1x128xi32, #tpu.memory_space<vmem>> -> memref<128xi32, #tpu.memory_space<vmem>>
        %dma_wait3A_355 = arith.constant 0 : i32
        %dma_wait3A_356 = tpu.memref_slice %arg5[%add3A_350, %dma_wait3A_355] : memref<2560x128xi32, #tpu.memory_space<hbm>> -> memref<1x128xi32, #tpu.memory_space<hbm>>
        %dma_wait3A_357 = tpu.memref_squeeze %dma_wait3A_356 : memref<1x128xi32, #tpu.memory_space<hbm>> -> memref<128xi32, #tpu.memory_space<hbm>>
        %dma_wait3A_358 = arith.constant 0 : i32
        %dma_wait3A_359 = tpu.memref_slice %arg8[%dma_wait3A_351, %dma_wait3A_358] : memref<4x128xi32, #tpu.memory_space<vmem>> -> memref<1x128xi32, #tpu.memory_space<vmem>>
        %dma_wait3A_360 = tpu.memref_squeeze %dma_wait3A_359 : memref<1x128xi32, #tpu.memory_space<vmem>> -> memref<128xi32, #tpu.memory_space<vmem>>
        %dma_wait3A_361 = arith.constant 0 : i32
        %dma_wait3A_362 = tpu.memref_slice %arg5[%add3A_350, %dma_wait3A_361] : memref<2560x128xi32, #tpu.memory_space<hbm>> -> memref<1x128xi32, #tpu.memory_space<hbm>>
        %dma_wait3A_363 = tpu.memref_squeeze %dma_wait3A_362 : memref<1x128xi32, #tpu.memory_space<hbm>> -> memref<128xi32, #tpu.memory_space<hbm>>
        tpu.wait_dma2 semaphore(%arg11 : memref<!tpu.dma_semaphore, #tpu.memory_space<semaphore_mem>>) src(%dma_wait3A_363 : memref<128xi32, #tpu.memory_space<hbm>>) dst(%dma_wait3A_360 : memref<128xi32, #tpu.memory_space<vmem>>)
        %ge3A = arith.constant 1 : i32
        %ge3A_364 = arith.cmpi sge, %add3A_211, %ge3A : i32
        %convert_element_type3A_365 = arith.extui %ge3A_364 : i1 to i32
        %cond3A_366 = arith.constant 0 : i32
        %cond3A_367 = arith.cmpi ne, %convert_element_type3A_365, %cond3A_366 : i32
        scf.if %cond3A_367 {
          %dma_wait3A_380 = arith.constant 0 : i32
          %dma_wait3A_381 = arith.constant 0 : i32
          %dma_wait3A_382 = arith.constant 0 : i32
          %dma_wait3A_383 = tpu.memref_slice %arg9[%dma_wait3A_380, %dma_wait3A_381, %dma_wait3A_382] : memref<2x128x128xf32, #tpu.memory_space<vmem>> -> memref<1x128x128xf32, #tpu.memory_space<vmem>>
          %dma_wait3A_384 = tpu.memref_squeeze %dma_wait3A_383 : memref<1x128x128xf32, #tpu.memory_space<vmem>> -> memref<128x128xf32, #tpu.memory_space<vmem>>
          %dma_wait3A_385 = arith.constant 0 : i32
          %dma_wait3A_386 = arith.constant 0 : i32
          %dma_wait3A_387 = tpu.memref_slice %arg10[%dma_wait3A_385, %dma_wait3A_386] : memref<10112x128xf32, #tpu.memory_space<vmem_shared>> -> memref<128x128xf32, #tpu.memory_space<vmem_shared>>
          %dma_wait3A_388 = arith.constant 0 : i32
          %dma_wait3A_389 = arith.constant 0 : i32
          %dma_wait3A_390 = tpu.memref_slice %arg10[%dma_wait3A_388, %dma_wait3A_389] : memref<10112x128xf32, #tpu.memory_space<vmem_shared>> -> memref<128x128xf32, #tpu.memory_space<vmem_shared>>
          %dma_wait3A_391 = arith.constant 0 : i32
          %dma_wait3A_392 = arith.constant 0 : i32
          %dma_wait3A_393 = tpu.memref_slice %arg9[%dma_wait3A_380, %dma_wait3A_391, %dma_wait3A_392] : memref<2x128x128xf32, #tpu.memory_space<vmem>> -> memref<1x128x128xf32, #tpu.memory_space<vmem>>
          %dma_wait3A_394 = tpu.memref_squeeze %dma_wait3A_393 : memref<1x128x128xf32, #tpu.memory_space<vmem>> -> memref<128x128xf32, #tpu.memory_space<vmem>>
          tpu.wait_dma2 semaphore(%arg15 : memref<!tpu.dma_semaphore, #tpu.memory_space<semaphore_mem>>) src(%dma_wait3A_394 : memref<128x128xf32, #tpu.memory_space<vmem>>) dst(%dma_wait3A_390 : memref<128x128xf32, #tpu.memory_space<vmem_shared>>)
        } else {
        }
        %dma_start3A_368 = arith.constant 2 : i32
        %dma_start3A_369 = arith.constant 0 : i32
        %dma_start3A_370 = arith.constant 0 : i32
        %dma_start3A_371 = arith.constant 0 : i32
        %dma_start3A_372 = tpu.memref_slice %arg9[%dma_start3A_369, %dma_start3A_370, %dma_start3A_371] : memref<2x128x128xf32, #tpu.memory_space<vmem>> -> memref<1x128x128xf32, #tpu.memory_space<vmem>>
        %dma_start3A_373 = tpu.memref_squeeze %dma_start3A_372 : memref<1x128x128xf32, #tpu.memory_space<vmem>> -> memref<128x128xf32, #tpu.memory_space<vmem>>
        %dma_start3A_374 = arith.constant 0 : i32
        %dma_start3A_375 = tpu.memref_slice %arg7[%dma_start3A_368, %dma_start3A_374] : memref<4x128xi32, #tpu.memory_space<vmem>> -> memref<1x128xi32, #tpu.memory_space<vmem>>
        %dma_start3A_376 = tpu.memref_squeeze %dma_start3A_375 : memref<1x128xi32, #tpu.memory_space<vmem>> -> memref<128xi32, #tpu.memory_space<vmem>>
        %dma_start3A_377 = arith.constant 0 : i32
        %dma_start3A_378 = arith.constant 0 : i32
        %dma_start3A_379 = tpu.memref_slice %arg2[%dma_start3A_377, %dma_start3A_378] : memref<10112x128xf32, #tpu.memory_space<hbm>> -> memref<10112x128xf32, #tpu.memory_space<hbm>>
        tpu.enqueue_indirect_dma source(%dma_start3A_379 : memref<10112x128xf32, #tpu.memory_space<hbm>>) target(%dma_start3A_373 : memref<128x128xf32, #tpu.memory_space<vmem>>) offsets(%dma_start3A_376 : memref<128xi32, #tpu.memory_space<vmem>>) semaphore(%arg13 : memref<!tpu.dma_semaphore, #tpu.memory_space<semaphore_mem>>)
      } else {
      }
      %add3A_219 = arith.constant 3 : i32
      %add3A_220 = arith.addi %add3A_211, %add3A_219 : i32
      %lt3A_221 = arith.constant 160 : i32
      %lt3A_222 = arith.cmpi slt, %add3A_220, %lt3A_221 : i32
      %convert_element_type3A_223 = arith.extui %lt3A_222 : i1 to i32
      %cond3A_224 = arith.constant 0 : i32
      %cond3A_225 = arith.cmpi ne, %convert_element_type3A_223, %cond3A_224 : i32
      scf.if %cond3A_225 {
        %add3A_334 = arith.constant 3 : i32
        %add3A_335 = arith.addi %add3A_211, %add3A_334 : i32
        %add3A_336 = arith.addi %mul3A_2, %add3A_335 : i32
        %dma_start3A_337 = arith.constant 0 : i32
        %dma_start3A_338 = arith.constant 0 : i32
        %dma_start3A_339 = tpu.memref_slice %arg7[%dma_start3A_337, %dma_start3A_338] : memref<4x128xi32, #tpu.memory_space<vmem>> -> memref<1x128xi32, #tpu.memory_space<vmem>>
        %dma_start3A_340 = tpu.memref_squeeze %dma_start3A_339 : memref<1x128xi32, #tpu.memory_space<vmem>> -> memref<128xi32, #tpu.memory_space<vmem>>
        %dma_start3A_341 = arith.constant 0 : i32
        %dma_start3A_342 = tpu.memref_slice %arg4[%add3A_336, %dma_start3A_341] : memref<2560x128xi32, #tpu.memory_space<hbm>> -> memref<1x128xi32, #tpu.memory_space<hbm>>
        %dma_start3A_343 = tpu.memref_squeeze %dma_start3A_342 : memref<1x128xi32, #tpu.memory_space<hbm>> -> memref<128xi32, #tpu.memory_space<hbm>>
        %dma_start3A_344 = arith.constant 0 : i32
        %dma_start3A_345 = tpu.memref_slice %arg7[%dma_start3A_337, %dma_start3A_344] : memref<4x128xi32, #tpu.memory_space<vmem>> -> memref<1x128xi32, #tpu.memory_space<vmem>>
        %dma_start3A_346 = tpu.memref_squeeze %dma_start3A_345 : memref<1x128xi32, #tpu.memory_space<vmem>> -> memref<128xi32, #tpu.memory_space<vmem>>
        %dma_start3A_347 = arith.constant 0 : i32
        %dma_start3A_348 = tpu.memref_slice %arg4[%add3A_336, %dma_start3A_347] : memref<2560x128xi32, #tpu.memory_space<hbm>> -> memref<1x128xi32, #tpu.memory_space<hbm>>
        %dma_start3A_349 = tpu.memref_squeeze %dma_start3A_348 : memref<1x128xi32, #tpu.memory_space<hbm>> -> memref<128xi32, #tpu.memory_space<hbm>>
        tpu.enqueue_dma source(%dma_start3A_349 : memref<128xi32, #tpu.memory_space<hbm>>) target(%dma_start3A_346 : memref<128xi32, #tpu.memory_space<vmem>>) target_semaphore(%arg11 : memref<!tpu.dma_semaphore, #tpu.memory_space<semaphore_mem>>)
        %add3A_350 = arith.addi %mul3A_2, %add3A_335 : i32
        %dma_start3A_351 = arith.constant 0 : i32
        %dma_start3A_352 = arith.constant 0 : i32
        %dma_start3A_353 = tpu.memref_slice %arg8[%dma_start3A_351, %dma_start3A_352] : memref<4x128xi32, #tpu.memory_space<vmem>> -> memref<1x128xi32, #tpu.memory_space<vmem>>
        %dma_start3A_354 = tpu.memref_squeeze %dma_start3A_353 : memref<1x128xi32, #tpu.memory_space<vmem>> -> memref<128xi32, #tpu.memory_space<vmem>>
        %dma_start3A_355 = arith.constant 0 : i32
        %dma_start3A_356 = tpu.memref_slice %arg5[%add3A_350, %dma_start3A_355] : memref<2560x128xi32, #tpu.memory_space<hbm>> -> memref<1x128xi32, #tpu.memory_space<hbm>>
        %dma_start3A_357 = tpu.memref_squeeze %dma_start3A_356 : memref<1x128xi32, #tpu.memory_space<hbm>> -> memref<128xi32, #tpu.memory_space<hbm>>
        %dma_start3A_358 = arith.constant 0 : i32
        %dma_start3A_359 = tpu.memref_slice %arg8[%dma_start3A_351, %dma_start3A_358] : memref<4x128xi32, #tpu.memory_space<vmem>> -> memref<1x128xi32, #tpu.memory_space<vmem>>
        %dma_start3A_360 = tpu.memref_squeeze %dma_start3A_359 : memref<1x128xi32, #tpu.memory_space<vmem>> -> memref<128xi32, #tpu.memory_space<vmem>>
        %dma_start3A_361 = arith.constant 0 : i32
        %dma_start3A_362 = tpu.memref_slice %arg5[%add3A_350, %dma_start3A_361] : memref<2560x128xi32, #tpu.memory_space<hbm>> -> memref<1x128xi32, #tpu.memory_space<hbm>>
        %dma_start3A_363 = tpu.memref_squeeze %dma_start3A_362 : memref<1x128xi32, #tpu.memory_space<hbm>> -> memref<128xi32, #tpu.memory_space<hbm>>
        tpu.enqueue_dma source(%dma_start3A_363 : memref<128xi32, #tpu.memory_space<hbm>>) target(%dma_start3A_360 : memref<128xi32, #tpu.memory_space<vmem>>) target_semaphore(%arg11 : memref<!tpu.dma_semaphore, #tpu.memory_space<semaphore_mem>>)
      } else {
      }
      %dma_wait3A_226 = arith.constant 1 : i32
      %dma_wait3A_227 = arith.constant 1 : i32
      %dma_wait3A_228 = arith.constant 0 : i32
      %dma_wait3A_229 = arith.constant 0 : i32
      %dma_wait3A_230 = tpu.memref_slice %arg9[%dma_wait3A_227, %dma_wait3A_228, %dma_wait3A_229] : memref<2x128x128xf32, #tpu.memory_space<vmem>> -> memref<1x128x128xf32, #tpu.memory_space<vmem>>
      %dma_wait3A_231 = tpu.memref_squeeze %dma_wait3A_230 : memref<1x128x128xf32, #tpu.memory_space<vmem>> -> memref<128x128xf32, #tpu.memory_space<vmem>>
      %dma_wait3A_232 = arith.constant 0 : i32
      %dma_wait3A_233 = tpu.memref_slice %arg7[%dma_wait3A_226, %dma_wait3A_232] : memref<4x128xi32, #tpu.memory_space<vmem>> -> memref<1x128xi32, #tpu.memory_space<vmem>>
      %dma_wait3A_234 = tpu.memref_squeeze %dma_wait3A_233 : memref<1x128xi32, #tpu.memory_space<vmem>> -> memref<128xi32, #tpu.memory_space<vmem>>
      %dma_wait3A_235 = arith.constant 0 : i32
      %dma_wait3A_236 = arith.constant 0 : i32
      %dma_wait3A_237 = tpu.memref_slice %arg2[%dma_wait3A_235, %dma_wait3A_236] : memref<10112x128xf32, #tpu.memory_space<hbm>> -> memref<10112x128xf32, #tpu.memory_space<hbm>>
      tpu.wait_indirect_dma semaphore(%arg14 : memref<!tpu.dma_semaphore, #tpu.memory_space<semaphore_mem>>) src(%dma_wait3A_237 : memref<10112x128xf32, #tpu.memory_space<hbm>>) dst(%dma_wait3A_231 : memref<128x128xf32, #tpu.memory_space<vmem>>)
      %dma_start3A_238 = arith.constant 1 : i32
      %dma_start3A_239 = arith.constant 1 : i32
      %dma_start3A_240 = arith.constant 0 : i32
      %dma_start3A_241 = arith.constant 0 : i32
      %dma_start3A_242 = tpu.memref_slice %arg9[%dma_start3A_238, %dma_start3A_240, %dma_start3A_241] : memref<2x128x128xf32, #tpu.memory_space<vmem>> -> memref<1x128x128xf32, #tpu.memory_space<vmem>>
      %dma_start3A_243 = tpu.memref_squeeze %dma_start3A_242 : memref<1x128x128xf32, #tpu.memory_space<vmem>> -> memref<128x128xf32, #tpu.memory_space<vmem>>
      %dma_start3A_244 = arith.constant 0 : i32
      %dma_start3A_245 = tpu.memref_slice %arg8[%dma_start3A_239, %dma_start3A_244] : memref<4x128xi32, #tpu.memory_space<vmem>> -> memref<1x128xi32, #tpu.memory_space<vmem>>
      %dma_start3A_246 = tpu.memref_squeeze %dma_start3A_245 : memref<1x128xi32, #tpu.memory_space<vmem>> -> memref<128xi32, #tpu.memory_space<vmem>>
      %dma_start3A_247 = arith.constant 0 : i32
      %dma_start3A_248 = arith.constant 0 : i32
      %dma_start3A_249 = tpu.memref_slice %arg10[%dma_start3A_247, %dma_start3A_248] : memref<10112x128xf32, #tpu.memory_space<vmem_shared>> -> memref<10112x128xf32, #tpu.memory_space<vmem_shared>>
      tpu.enqueue_indirect_dma source(%dma_start3A_243 : memref<128x128xf32, #tpu.memory_space<vmem>>) target(%dma_start3A_249 : memref<10112x128xf32, #tpu.memory_space<vmem_shared>>) offsets(%dma_start3A_246 : memref<128xi32, #tpu.memory_space<vmem>>) semaphore(%arg16 : memref<!tpu.dma_semaphore, #tpu.memory_space<semaphore_mem>>) {add = true}
      %mul3A_250 = arith.constant 4 : i32
      %mul3A_251 = arith.muli %mul3A_250, %scan3A_168 : i32
      %add3A_252 = arith.constant 2 : i32
      %add3A_253 = arith.addi %mul3A_251, %add3A_252 : i32
      %add3A_254 = arith.constant 1 : i32
      %add3A_255 = arith.addi %add3A_253, %add3A_254 : i32
      %lt3A_256 = arith.constant 160 : i32
      %lt3A_257 = arith.cmpi slt, %add3A_255, %lt3A_256 : i32
      %convert_element_type3A_258 = arith.extui %lt3A_257 : i1 to i32
      %cond3A_259 = arith.constant 0 : i32
      %cond3A_260 = arith.cmpi ne, %convert_element_type3A_258, %cond3A_259 : i32
      scf.if %cond3A_260 {
        %add3A_334 = arith.constant 1 : i32
        %add3A_335 = arith.addi %add3A_253, %add3A_334 : i32
        %add3A_336 = arith.addi %mul3A_2, %add3A_335 : i32
        %dma_wait3A_337 = arith.constant 3 : i32
        %dma_wait3A_338 = arith.constant 0 : i32
        %dma_wait3A_339 = tpu.memref_slice %arg7[%dma_wait3A_337, %dma_wait3A_338] : memref<4x128xi32, #tpu.memory_space<vmem>> -> memref<1x128xi32, #tpu.memory_space<vmem>>
        %dma_wait3A_340 = tpu.memref_squeeze %dma_wait3A_339 : memref<1x128xi32, #tpu.memory_space<vmem>> -> memref<128xi32, #tpu.memory_space<vmem>>
        %dma_wait3A_341 = arith.constant 0 : i32
        %dma_wait3A_342 = tpu.memref_slice %arg4[%add3A_336, %dma_wait3A_341] : memref<2560x128xi32, #tpu.memory_space<hbm>> -> memref<1x128xi32, #tpu.memory_space<hbm>>
        %dma_wait3A_343 = tpu.memref_squeeze %dma_wait3A_342 : memref<1x128xi32, #tpu.memory_space<hbm>> -> memref<128xi32, #tpu.memory_space<hbm>>
        %dma_wait3A_344 = arith.constant 0 : i32
        %dma_wait3A_345 = tpu.memref_slice %arg7[%dma_wait3A_337, %dma_wait3A_344] : memref<4x128xi32, #tpu.memory_space<vmem>> -> memref<1x128xi32, #tpu.memory_space<vmem>>
        %dma_wait3A_346 = tpu.memref_squeeze %dma_wait3A_345 : memref<1x128xi32, #tpu.memory_space<vmem>> -> memref<128xi32, #tpu.memory_space<vmem>>
        %dma_wait3A_347 = arith.constant 0 : i32
        %dma_wait3A_348 = tpu.memref_slice %arg4[%add3A_336, %dma_wait3A_347] : memref<2560x128xi32, #tpu.memory_space<hbm>> -> memref<1x128xi32, #tpu.memory_space<hbm>>
        %dma_wait3A_349 = tpu.memref_squeeze %dma_wait3A_348 : memref<1x128xi32, #tpu.memory_space<hbm>> -> memref<128xi32, #tpu.memory_space<hbm>>
        tpu.wait_dma2 semaphore(%arg12 : memref<!tpu.dma_semaphore, #tpu.memory_space<semaphore_mem>>) src(%dma_wait3A_349 : memref<128xi32, #tpu.memory_space<hbm>>) dst(%dma_wait3A_346 : memref<128xi32, #tpu.memory_space<vmem>>)
        %add3A_350 = arith.addi %mul3A_2, %add3A_335 : i32
        %dma_wait3A_351 = arith.constant 3 : i32
        %dma_wait3A_352 = arith.constant 0 : i32
        %dma_wait3A_353 = tpu.memref_slice %arg8[%dma_wait3A_351, %dma_wait3A_352] : memref<4x128xi32, #tpu.memory_space<vmem>> -> memref<1x128xi32, #tpu.memory_space<vmem>>
        %dma_wait3A_354 = tpu.memref_squeeze %dma_wait3A_353 : memref<1x128xi32, #tpu.memory_space<vmem>> -> memref<128xi32, #tpu.memory_space<vmem>>
        %dma_wait3A_355 = arith.constant 0 : i32
        %dma_wait3A_356 = tpu.memref_slice %arg5[%add3A_350, %dma_wait3A_355] : memref<2560x128xi32, #tpu.memory_space<hbm>> -> memref<1x128xi32, #tpu.memory_space<hbm>>
        %dma_wait3A_357 = tpu.memref_squeeze %dma_wait3A_356 : memref<1x128xi32, #tpu.memory_space<hbm>> -> memref<128xi32, #tpu.memory_space<hbm>>
        %dma_wait3A_358 = arith.constant 0 : i32
        %dma_wait3A_359 = tpu.memref_slice %arg8[%dma_wait3A_351, %dma_wait3A_358] : memref<4x128xi32, #tpu.memory_space<vmem>> -> memref<1x128xi32, #tpu.memory_space<vmem>>
        %dma_wait3A_360 = tpu.memref_squeeze %dma_wait3A_359 : memref<1x128xi32, #tpu.memory_space<vmem>> -> memref<128xi32, #tpu.memory_space<vmem>>
        %dma_wait3A_361 = arith.constant 0 : i32
        %dma_wait3A_362 = tpu.memref_slice %arg5[%add3A_350, %dma_wait3A_361] : memref<2560x128xi32, #tpu.memory_space<hbm>> -> memref<1x128xi32, #tpu.memory_space<hbm>>
        %dma_wait3A_363 = tpu.memref_squeeze %dma_wait3A_362 : memref<1x128xi32, #tpu.memory_space<hbm>> -> memref<128xi32, #tpu.memory_space<hbm>>
        tpu.wait_dma2 semaphore(%arg12 : memref<!tpu.dma_semaphore, #tpu.memory_space<semaphore_mem>>) src(%dma_wait3A_363 : memref<128xi32, #tpu.memory_space<hbm>>) dst(%dma_wait3A_360 : memref<128xi32, #tpu.memory_space<vmem>>)
        %ge3A = arith.constant 1 : i32
        %ge3A_364 = arith.cmpi sge, %add3A_253, %ge3A : i32
        %convert_element_type3A_365 = arith.extui %ge3A_364 : i1 to i32
        %cond3A_366 = arith.constant 0 : i32
        %cond3A_367 = arith.cmpi ne, %convert_element_type3A_365, %cond3A_366 : i32
        scf.if %cond3A_367 {
          %dma_wait3A_380 = arith.constant 1 : i32
          %dma_wait3A_381 = arith.constant 0 : i32
          %dma_wait3A_382 = arith.constant 0 : i32
          %dma_wait3A_383 = tpu.memref_slice %arg9[%dma_wait3A_380, %dma_wait3A_381, %dma_wait3A_382] : memref<2x128x128xf32, #tpu.memory_space<vmem>> -> memref<1x128x128xf32, #tpu.memory_space<vmem>>
          %dma_wait3A_384 = tpu.memref_squeeze %dma_wait3A_383 : memref<1x128x128xf32, #tpu.memory_space<vmem>> -> memref<128x128xf32, #tpu.memory_space<vmem>>
          %dma_wait3A_385 = arith.constant 0 : i32
          %dma_wait3A_386 = arith.constant 0 : i32
          %dma_wait3A_387 = tpu.memref_slice %arg10[%dma_wait3A_385, %dma_wait3A_386] : memref<10112x128xf32, #tpu.memory_space<vmem_shared>> -> memref<128x128xf32, #tpu.memory_space<vmem_shared>>
          %dma_wait3A_388 = arith.constant 0 : i32
          %dma_wait3A_389 = arith.constant 0 : i32
          %dma_wait3A_390 = tpu.memref_slice %arg10[%dma_wait3A_388, %dma_wait3A_389] : memref<10112x128xf32, #tpu.memory_space<vmem_shared>> -> memref<128x128xf32, #tpu.memory_space<vmem_shared>>
          %dma_wait3A_391 = arith.constant 0 : i32
          %dma_wait3A_392 = arith.constant 0 : i32
          %dma_wait3A_393 = tpu.memref_slice %arg9[%dma_wait3A_380, %dma_wait3A_391, %dma_wait3A_392] : memref<2x128x128xf32, #tpu.memory_space<vmem>> -> memref<1x128x128xf32, #tpu.memory_space<vmem>>
          %dma_wait3A_394 = tpu.memref_squeeze %dma_wait3A_393 : memref<1x128x128xf32, #tpu.memory_space<vmem>> -> memref<128x128xf32, #tpu.memory_space<vmem>>
          tpu.wait_dma2 semaphore(%arg16 : memref<!tpu.dma_semaphore, #tpu.memory_space<semaphore_mem>>) src(%dma_wait3A_394 : memref<128x128xf32, #tpu.memory_space<vmem>>) dst(%dma_wait3A_390 : memref<128x128xf32, #tpu.memory_space<vmem_shared>>)
        } else {
        }
        %dma_start3A_368 = arith.constant 3 : i32
        %dma_start3A_369 = arith.constant 1 : i32
        %dma_start3A_370 = arith.constant 0 : i32
        %dma_start3A_371 = arith.constant 0 : i32
        %dma_start3A_372 = tpu.memref_slice %arg9[%dma_start3A_369, %dma_start3A_370, %dma_start3A_371] : memref<2x128x128xf32, #tpu.memory_space<vmem>> -> memref<1x128x128xf32, #tpu.memory_space<vmem>>
        %dma_start3A_373 = tpu.memref_squeeze %dma_start3A_372 : memref<1x128x128xf32, #tpu.memory_space<vmem>> -> memref<128x128xf32, #tpu.memory_space<vmem>>
        %dma_start3A_374 = arith.constant 0 : i32
        %dma_start3A_375 = tpu.memref_slice %arg7[%dma_start3A_368, %dma_start3A_374] : memref<4x128xi32, #tpu.memory_space<vmem>> -> memref<1x128xi32, #tpu.memory_space<vmem>>
        %dma_start3A_376 = tpu.memref_squeeze %dma_start3A_375 : memref<1x128xi32, #tpu.memory_space<vmem>> -> memref<128xi32, #tpu.memory_space<vmem>>
        %dma_start3A_377 = arith.constant 0 : i32
        %dma_start3A_378 = arith.constant 0 : i32
        %dma_start3A_379 = tpu.memref_slice %arg2[%dma_start3A_377, %dma_start3A_378] : memref<10112x128xf32, #tpu.memory_space<hbm>> -> memref<10112x128xf32, #tpu.memory_space<hbm>>
        tpu.enqueue_indirect_dma source(%dma_start3A_379 : memref<10112x128xf32, #tpu.memory_space<hbm>>) target(%dma_start3A_373 : memref<128x128xf32, #tpu.memory_space<vmem>>) offsets(%dma_start3A_376 : memref<128xi32, #tpu.memory_space<vmem>>) semaphore(%arg14 : memref<!tpu.dma_semaphore, #tpu.memory_space<semaphore_mem>>)
      } else {
      }
      %add3A_261 = arith.constant 3 : i32
      %add3A_262 = arith.addi %add3A_253, %add3A_261 : i32
      %lt3A_263 = arith.constant 160 : i32
      %lt3A_264 = arith.cmpi slt, %add3A_262, %lt3A_263 : i32
      %convert_element_type3A_265 = arith.extui %lt3A_264 : i1 to i32
      %cond3A_266 = arith.constant 0 : i32
      %cond3A_267 = arith.cmpi ne, %convert_element_type3A_265, %cond3A_266 : i32
      scf.if %cond3A_267 {
        %add3A_334 = arith.constant 3 : i32
        %add3A_335 = arith.addi %add3A_253, %add3A_334 : i32
        %add3A_336 = arith.addi %mul3A_2, %add3A_335 : i32
        %dma_start3A_337 = arith.constant 1 : i32
        %dma_start3A_338 = arith.constant 0 : i32
        %dma_start3A_339 = tpu.memref_slice %arg7[%dma_start3A_337, %dma_start3A_338] : memref<4x128xi32, #tpu.memory_space<vmem>> -> memref<1x128xi32, #tpu.memory_space<vmem>>
        %dma_start3A_340 = tpu.memref_squeeze %dma_start3A_339 : memref<1x128xi32, #tpu.memory_space<vmem>> -> memref<128xi32, #tpu.memory_space<vmem>>
        %dma_start3A_341 = arith.constant 0 : i32
        %dma_start3A_342 = tpu.memref_slice %arg4[%add3A_336, %dma_start3A_341] : memref<2560x128xi32, #tpu.memory_space<hbm>> -> memref<1x128xi32, #tpu.memory_space<hbm>>
        %dma_start3A_343 = tpu.memref_squeeze %dma_start3A_342 : memref<1x128xi32, #tpu.memory_space<hbm>> -> memref<128xi32, #tpu.memory_space<hbm>>
        %dma_start3A_344 = arith.constant 0 : i32
        %dma_start3A_345 = tpu.memref_slice %arg7[%dma_start3A_337, %dma_start3A_344] : memref<4x128xi32, #tpu.memory_space<vmem>> -> memref<1x128xi32, #tpu.memory_space<vmem>>
        %dma_start3A_346 = tpu.memref_squeeze %dma_start3A_345 : memref<1x128xi32, #tpu.memory_space<vmem>> -> memref<128xi32, #tpu.memory_space<vmem>>
        %dma_start3A_347 = arith.constant 0 : i32
        %dma_start3A_348 = tpu.memref_slice %arg4[%add3A_336, %dma_start3A_347] : memref<2560x128xi32, #tpu.memory_space<hbm>> -> memref<1x128xi32, #tpu.memory_space<hbm>>
        %dma_start3A_349 = tpu.memref_squeeze %dma_start3A_348 : memref<1x128xi32, #tpu.memory_space<hbm>> -> memref<128xi32, #tpu.memory_space<hbm>>
        tpu.enqueue_dma source(%dma_start3A_349 : memref<128xi32, #tpu.memory_space<hbm>>) target(%dma_start3A_346 : memref<128xi32, #tpu.memory_space<vmem>>) target_semaphore(%arg12 : memref<!tpu.dma_semaphore, #tpu.memory_space<semaphore_mem>>)
        %add3A_350 = arith.addi %mul3A_2, %add3A_335 : i32
        %dma_start3A_351 = arith.constant 1 : i32
        %dma_start3A_352 = arith.constant 0 : i32
        %dma_start3A_353 = tpu.memref_slice %arg8[%dma_start3A_351, %dma_start3A_352] : memref<4x128xi32, #tpu.memory_space<vmem>> -> memref<1x128xi32, #tpu.memory_space<vmem>>
        %dma_start3A_354 = tpu.memref_squeeze %dma_start3A_353 : memref<1x128xi32, #tpu.memory_space<vmem>> -> memref<128xi32, #tpu.memory_space<vmem>>
        %dma_start3A_355 = arith.constant 0 : i32
        %dma_start3A_356 = tpu.memref_slice %arg5[%add3A_350, %dma_start3A_355] : memref<2560x128xi32, #tpu.memory_space<hbm>> -> memref<1x128xi32, #tpu.memory_space<hbm>>
        %dma_start3A_357 = tpu.memref_squeeze %dma_start3A_356 : memref<1x128xi32, #tpu.memory_space<hbm>> -> memref<128xi32, #tpu.memory_space<hbm>>
        %dma_start3A_358 = arith.constant 0 : i32
        %dma_start3A_359 = tpu.memref_slice %arg8[%dma_start3A_351, %dma_start3A_358] : memref<4x128xi32, #tpu.memory_space<vmem>> -> memref<1x128xi32, #tpu.memory_space<vmem>>
        %dma_start3A_360 = tpu.memref_squeeze %dma_start3A_359 : memref<1x128xi32, #tpu.memory_space<vmem>> -> memref<128xi32, #tpu.memory_space<vmem>>
        %dma_start3A_361 = arith.constant 0 : i32
        %dma_start3A_362 = tpu.memref_slice %arg5[%add3A_350, %dma_start3A_361] : memref<2560x128xi32, #tpu.memory_space<hbm>> -> memref<1x128xi32, #tpu.memory_space<hbm>>
        %dma_start3A_363 = tpu.memref_squeeze %dma_start3A_362 : memref<1x128xi32, #tpu.memory_space<hbm>> -> memref<128xi32, #tpu.memory_space<hbm>>
        tpu.enqueue_dma source(%dma_start3A_363 : memref<128xi32, #tpu.memory_space<hbm>>) target(%dma_start3A_360 : memref<128xi32, #tpu.memory_space<vmem>>) target_semaphore(%arg12 : memref<!tpu.dma_semaphore, #tpu.memory_space<semaphore_mem>>)
      } else {
      }
      %dma_wait3A_268 = arith.constant 2 : i32
      %dma_wait3A_269 = arith.constant 0 : i32
      %dma_wait3A_270 = arith.constant 0 : i32
      %dma_wait3A_271 = arith.constant 0 : i32
      %dma_wait3A_272 = tpu.memref_slice %arg9[%dma_wait3A_269, %dma_wait3A_270, %dma_wait3A_271] : memref<2x128x128xf32, #tpu.memory_space<vmem>> -> memref<1x128x128xf32, #tpu.memory_space<vmem>>
      %dma_wait3A_273 = tpu.memref_squeeze %dma_wait3A_272 : memref<1x128x128xf32, #tpu.memory_space<vmem>> -> memref<128x128xf32, #tpu.memory_space<vmem>>
      %dma_wait3A_274 = arith.constant 0 : i32
      %dma_wait3A_275 = tpu.memref_slice %arg7[%dma_wait3A_268, %dma_wait3A_274] : memref<4x128xi32, #tpu.memory_space<vmem>> -> memref<1x128xi32, #tpu.memory_space<vmem>>
      %dma_wait3A_276 = tpu.memref_squeeze %dma_wait3A_275 : memref<1x128xi32, #tpu.memory_space<vmem>> -> memref<128xi32, #tpu.memory_space<vmem>>
      %dma_wait3A_277 = arith.constant 0 : i32
      %dma_wait3A_278 = arith.constant 0 : i32
      %dma_wait3A_279 = tpu.memref_slice %arg2[%dma_wait3A_277, %dma_wait3A_278] : memref<10112x128xf32, #tpu.memory_space<hbm>> -> memref<10112x128xf32, #tpu.memory_space<hbm>>
      tpu.wait_indirect_dma semaphore(%arg13 : memref<!tpu.dma_semaphore, #tpu.memory_space<semaphore_mem>>) src(%dma_wait3A_279 : memref<10112x128xf32, #tpu.memory_space<hbm>>) dst(%dma_wait3A_273 : memref<128x128xf32, #tpu.memory_space<vmem>>)
      %dma_start3A_280 = arith.constant 0 : i32
      %dma_start3A_281 = arith.constant 2 : i32
      %dma_start3A_282 = arith.constant 0 : i32
      %dma_start3A_283 = arith.constant 0 : i32
      %dma_start3A_284 = tpu.memref_slice %arg9[%dma_start3A_280, %dma_start3A_282, %dma_start3A_283] : memref<2x128x128xf32, #tpu.memory_space<vmem>> -> memref<1x128x128xf32, #tpu.memory_space<vmem>>
      %dma_start3A_285 = tpu.memref_squeeze %dma_start3A_284 : memref<1x128x128xf32, #tpu.memory_space<vmem>> -> memref<128x128xf32, #tpu.memory_space<vmem>>
      %dma_start3A_286 = arith.constant 0 : i32
      %dma_start3A_287 = tpu.memref_slice %arg8[%dma_start3A_281, %dma_start3A_286] : memref<4x128xi32, #tpu.memory_space<vmem>> -> memref<1x128xi32, #tpu.memory_space<vmem>>
      %dma_start3A_288 = tpu.memref_squeeze %dma_start3A_287 : memref<1x128xi32, #tpu.memory_space<vmem>> -> memref<128xi32, #tpu.memory_space<vmem>>
      %dma_start3A_289 = arith.constant 0 : i32
      %dma_start3A_290 = arith.constant 0 : i32
      %dma_start3A_291 = tpu.memref_slice %arg10[%dma_start3A_289, %dma_start3A_290] : memref<10112x128xf32, #tpu.memory_space<vmem_shared>> -> memref<10112x128xf32, #tpu.memory_space<vmem_shared>>
      tpu.enqueue_indirect_dma source(%dma_start3A_285 : memref<128x128xf32, #tpu.memory_space<vmem>>) target(%dma_start3A_291 : memref<10112x128xf32, #tpu.memory_space<vmem_shared>>) offsets(%dma_start3A_288 : memref<128xi32, #tpu.memory_space<vmem>>) semaphore(%arg15 : memref<!tpu.dma_semaphore, #tpu.memory_space<semaphore_mem>>) {add = true}
      %mul3A_292 = arith.constant 4 : i32
      %mul3A_293 = arith.muli %mul3A_292, %scan3A_168 : i32
      %add3A_294 = arith.constant 3 : i32
      %add3A_295 = arith.addi %mul3A_293, %add3A_294 : i32
      %add3A_296 = arith.constant 1 : i32
      %add3A_297 = arith.addi %add3A_295, %add3A_296 : i32
      %lt3A_298 = arith.constant 160 : i32
      %lt3A_299 = arith.cmpi slt, %add3A_297, %lt3A_298 : i32
      %convert_element_type3A_300 = arith.extui %lt3A_299 : i1 to i32
      %cond3A_301 = arith.constant 0 : i32
      %cond3A_302 = arith.cmpi ne, %convert_element_type3A_300, %cond3A_301 : i32
      scf.if %cond3A_302 {
        %add3A_334 = arith.constant 1 : i32
        %add3A_335 = arith.addi %add3A_295, %add3A_334 : i32
        %add3A_336 = arith.addi %mul3A_2, %add3A_335 : i32
        %dma_wait3A_337 = arith.constant 0 : i32
        %dma_wait3A_338 = arith.constant 0 : i32
        %dma_wait3A_339 = tpu.memref_slice %arg7[%dma_wait3A_337, %dma_wait3A_338] : memref<4x128xi32, #tpu.memory_space<vmem>> -> memref<1x128xi32, #tpu.memory_space<vmem>>
        %dma_wait3A_340 = tpu.memref_squeeze %dma_wait3A_339 : memref<1x128xi32, #tpu.memory_space<vmem>> -> memref<128xi32, #tpu.memory_space<vmem>>
        %dma_wait3A_341 = arith.constant 0 : i32
        %dma_wait3A_342 = tpu.memref_slice %arg4[%add3A_336, %dma_wait3A_341] : memref<2560x128xi32, #tpu.memory_space<hbm>> -> memref<1x128xi32, #tpu.memory_space<hbm>>
        %dma_wait3A_343 = tpu.memref_squeeze %dma_wait3A_342 : memref<1x128xi32, #tpu.memory_space<hbm>> -> memref<128xi32, #tpu.memory_space<hbm>>
        %dma_wait3A_344 = arith.constant 0 : i32
        %dma_wait3A_345 = tpu.memref_slice %arg7[%dma_wait3A_337, %dma_wait3A_344] : memref<4x128xi32, #tpu.memory_space<vmem>> -> memref<1x128xi32, #tpu.memory_space<vmem>>
        %dma_wait3A_346 = tpu.memref_squeeze %dma_wait3A_345 : memref<1x128xi32, #tpu.memory_space<vmem>> -> memref<128xi32, #tpu.memory_space<vmem>>
        %dma_wait3A_347 = arith.constant 0 : i32
        %dma_wait3A_348 = tpu.memref_slice %arg4[%add3A_336, %dma_wait3A_347] : memref<2560x128xi32, #tpu.memory_space<hbm>> -> memref<1x128xi32, #tpu.memory_space<hbm>>
        %dma_wait3A_349 = tpu.memref_squeeze %dma_wait3A_348 : memref<1x128xi32, #tpu.memory_space<hbm>> -> memref<128xi32, #tpu.memory_space<hbm>>
        tpu.wait_dma2 semaphore(%arg11 : memref<!tpu.dma_semaphore, #tpu.memory_space<semaphore_mem>>) src(%dma_wait3A_349 : memref<128xi32, #tpu.memory_space<hbm>>) dst(%dma_wait3A_346 : memref<128xi32, #tpu.memory_space<vmem>>)
        %add3A_350 = arith.addi %mul3A_2, %add3A_335 : i32
        %dma_wait3A_351 = arith.constant 0 : i32
        %dma_wait3A_352 = arith.constant 0 : i32
        %dma_wait3A_353 = tpu.memref_slice %arg8[%dma_wait3A_351, %dma_wait3A_352] : memref<4x128xi32, #tpu.memory_space<vmem>> -> memref<1x128xi32, #tpu.memory_space<vmem>>
        %dma_wait3A_354 = tpu.memref_squeeze %dma_wait3A_353 : memref<1x128xi32, #tpu.memory_space<vmem>> -> memref<128xi32, #tpu.memory_space<vmem>>
        %dma_wait3A_355 = arith.constant 0 : i32
        %dma_wait3A_356 = tpu.memref_slice %arg5[%add3A_350, %dma_wait3A_355] : memref<2560x128xi32, #tpu.memory_space<hbm>> -> memref<1x128xi32, #tpu.memory_space<hbm>>
        %dma_wait3A_357 = tpu.memref_squeeze %dma_wait3A_356 : memref<1x128xi32, #tpu.memory_space<hbm>> -> memref<128xi32, #tpu.memory_space<hbm>>
        %dma_wait3A_358 = arith.constant 0 : i32
        %dma_wait3A_359 = tpu.memref_slice %arg8[%dma_wait3A_351, %dma_wait3A_358] : memref<4x128xi32, #tpu.memory_space<vmem>> -> memref<1x128xi32, #tpu.memory_space<vmem>>
        %dma_wait3A_360 = tpu.memref_squeeze %dma_wait3A_359 : memref<1x128xi32, #tpu.memory_space<vmem>> -> memref<128xi32, #tpu.memory_space<vmem>>
        %dma_wait3A_361 = arith.constant 0 : i32
        %dma_wait3A_362 = tpu.memref_slice %arg5[%add3A_350, %dma_wait3A_361] : memref<2560x128xi32, #tpu.memory_space<hbm>> -> memref<1x128xi32, #tpu.memory_space<hbm>>
        %dma_wait3A_363 = tpu.memref_squeeze %dma_wait3A_362 : memref<1x128xi32, #tpu.memory_space<hbm>> -> memref<128xi32, #tpu.memory_space<hbm>>
        tpu.wait_dma2 semaphore(%arg11 : memref<!tpu.dma_semaphore, #tpu.memory_space<semaphore_mem>>) src(%dma_wait3A_363 : memref<128xi32, #tpu.memory_space<hbm>>) dst(%dma_wait3A_360 : memref<128xi32, #tpu.memory_space<vmem>>)
        %ge3A = arith.constant 1 : i32
        %ge3A_364 = arith.cmpi sge, %add3A_295, %ge3A : i32
        %convert_element_type3A_365 = arith.extui %ge3A_364 : i1 to i32
        %cond3A_366 = arith.constant 0 : i32
        %cond3A_367 = arith.cmpi ne, %convert_element_type3A_365, %cond3A_366 : i32
        scf.if %cond3A_367 {
          %dma_wait3A_380 = arith.constant 0 : i32
          %dma_wait3A_381 = arith.constant 0 : i32
          %dma_wait3A_382 = arith.constant 0 : i32
          %dma_wait3A_383 = tpu.memref_slice %arg9[%dma_wait3A_380, %dma_wait3A_381, %dma_wait3A_382] : memref<2x128x128xf32, #tpu.memory_space<vmem>> -> memref<1x128x128xf32, #tpu.memory_space<vmem>>
          %dma_wait3A_384 = tpu.memref_squeeze %dma_wait3A_383 : memref<1x128x128xf32, #tpu.memory_space<vmem>> -> memref<128x128xf32, #tpu.memory_space<vmem>>
          %dma_wait3A_385 = arith.constant 0 : i32
          %dma_wait3A_386 = arith.constant 0 : i32
          %dma_wait3A_387 = tpu.memref_slice %arg10[%dma_wait3A_385, %dma_wait3A_386] : memref<10112x128xf32, #tpu.memory_space<vmem_shared>> -> memref<128x128xf32, #tpu.memory_space<vmem_shared>>
          %dma_wait3A_388 = arith.constant 0 : i32
          %dma_wait3A_389 = arith.constant 0 : i32
          %dma_wait3A_390 = tpu.memref_slice %arg10[%dma_wait3A_388, %dma_wait3A_389] : memref<10112x128xf32, #tpu.memory_space<vmem_shared>> -> memref<128x128xf32, #tpu.memory_space<vmem_shared>>
          %dma_wait3A_391 = arith.constant 0 : i32
          %dma_wait3A_392 = arith.constant 0 : i32
          %dma_wait3A_393 = tpu.memref_slice %arg9[%dma_wait3A_380, %dma_wait3A_391, %dma_wait3A_392] : memref<2x128x128xf32, #tpu.memory_space<vmem>> -> memref<1x128x128xf32, #tpu.memory_space<vmem>>
          %dma_wait3A_394 = tpu.memref_squeeze %dma_wait3A_393 : memref<1x128x128xf32, #tpu.memory_space<vmem>> -> memref<128x128xf32, #tpu.memory_space<vmem>>
          tpu.wait_dma2 semaphore(%arg15 : memref<!tpu.dma_semaphore, #tpu.memory_space<semaphore_mem>>) src(%dma_wait3A_394 : memref<128x128xf32, #tpu.memory_space<vmem>>) dst(%dma_wait3A_390 : memref<128x128xf32, #tpu.memory_space<vmem_shared>>)
        } else {
        }
        %dma_start3A_368 = arith.constant 0 : i32
        %dma_start3A_369 = arith.constant 0 : i32
        %dma_start3A_370 = arith.constant 0 : i32
        %dma_start3A_371 = arith.constant 0 : i32
        %dma_start3A_372 = tpu.memref_slice %arg9[%dma_start3A_369, %dma_start3A_370, %dma_start3A_371] : memref<2x128x128xf32, #tpu.memory_space<vmem>> -> memref<1x128x128xf32, #tpu.memory_space<vmem>>
        %dma_start3A_373 = tpu.memref_squeeze %dma_start3A_372 : memref<1x128x128xf32, #tpu.memory_space<vmem>> -> memref<128x128xf32, #tpu.memory_space<vmem>>
        %dma_start3A_374 = arith.constant 0 : i32
        %dma_start3A_375 = tpu.memref_slice %arg7[%dma_start3A_368, %dma_start3A_374] : memref<4x128xi32, #tpu.memory_space<vmem>> -> memref<1x128xi32, #tpu.memory_space<vmem>>
        %dma_start3A_376 = tpu.memref_squeeze %dma_start3A_375 : memref<1x128xi32, #tpu.memory_space<vmem>> -> memref<128xi32, #tpu.memory_space<vmem>>
        %dma_start3A_377 = arith.constant 0 : i32
        %dma_start3A_378 = arith.constant 0 : i32
        %dma_start3A_379 = tpu.memref_slice %arg2[%dma_start3A_377, %dma_start3A_378] : memref<10112x128xf32, #tpu.memory_space<hbm>> -> memref<10112x128xf32, #tpu.memory_space<hbm>>
        tpu.enqueue_indirect_dma source(%dma_start3A_379 : memref<10112x128xf32, #tpu.memory_space<hbm>>) target(%dma_start3A_373 : memref<128x128xf32, #tpu.memory_space<vmem>>) offsets(%dma_start3A_376 : memref<128xi32, #tpu.memory_space<vmem>>) semaphore(%arg13 : memref<!tpu.dma_semaphore, #tpu.memory_space<semaphore_mem>>)
      } else {
      }
      %add3A_303 = arith.constant 3 : i32
      %add3A_304 = arith.addi %add3A_295, %add3A_303 : i32
      %lt3A_305 = arith.constant 160 : i32
      %lt3A_306 = arith.cmpi slt, %add3A_304, %lt3A_305 : i32
      %convert_element_type3A_307 = arith.extui %lt3A_306 : i1 to i32
      %cond3A_308 = arith.constant 0 : i32
      %cond3A_309 = arith.cmpi ne, %convert_element_type3A_307, %cond3A_308 : i32
      scf.if %cond3A_309 {
        %add3A_334 = arith.constant 3 : i32
        %add3A_335 = arith.addi %add3A_295, %add3A_334 : i32
        %add3A_336 = arith.addi %mul3A_2, %add3A_335 : i32
        %dma_start3A_337 = arith.constant 2 : i32
        %dma_start3A_338 = arith.constant 0 : i32
        %dma_start3A_339 = tpu.memref_slice %arg7[%dma_start3A_337, %dma_start3A_338] : memref<4x128xi32, #tpu.memory_space<vmem>> -> memref<1x128xi32, #tpu.memory_space<vmem>>
        %dma_start3A_340 = tpu.memref_squeeze %dma_start3A_339 : memref<1x128xi32, #tpu.memory_space<vmem>> -> memref<128xi32, #tpu.memory_space<vmem>>
        %dma_start3A_341 = arith.constant 0 : i32
        %dma_start3A_342 = tpu.memref_slice %arg4[%add3A_336, %dma_start3A_341] : memref<2560x128xi32, #tpu.memory_space<hbm>> -> memref<1x128xi32, #tpu.memory_space<hbm>>
        %dma_start3A_343 = tpu.memref_squeeze %dma_start3A_342 : memref<1x128xi32, #tpu.memory_space<hbm>> -> memref<128xi32, #tpu.memory_space<hbm>>
        %dma_start3A_344 = arith.constant 0 : i32
        %dma_start3A_345 = tpu.memref_slice %arg7[%dma_start3A_337, %dma_start3A_344] : memref<4x128xi32, #tpu.memory_space<vmem>> -> memref<1x128xi32, #tpu.memory_space<vmem>>
        %dma_start3A_346 = tpu.memref_squeeze %dma_start3A_345 : memref<1x128xi32, #tpu.memory_space<vmem>> -> memref<128xi32, #tpu.memory_space<vmem>>
        %dma_start3A_347 = arith.constant 0 : i32
        %dma_start3A_348 = tpu.memref_slice %arg4[%add3A_336, %dma_start3A_347] : memref<2560x128xi32, #tpu.memory_space<hbm>> -> memref<1x128xi32, #tpu.memory_space<hbm>>
        %dma_start3A_349 = tpu.memref_squeeze %dma_start3A_348 : memref<1x128xi32, #tpu.memory_space<hbm>> -> memref<128xi32, #tpu.memory_space<hbm>>
        tpu.enqueue_dma source(%dma_start3A_349 : memref<128xi32, #tpu.memory_space<hbm>>) target(%dma_start3A_346 : memref<128xi32, #tpu.memory_space<vmem>>) target_semaphore(%arg11 : memref<!tpu.dma_semaphore, #tpu.memory_space<semaphore_mem>>)
        %add3A_350 = arith.addi %mul3A_2, %add3A_335 : i32
        %dma_start3A_351 = arith.constant 2 : i32
        %dma_start3A_352 = arith.constant 0 : i32
        %dma_start3A_353 = tpu.memref_slice %arg8[%dma_start3A_351, %dma_start3A_352] : memref<4x128xi32, #tpu.memory_space<vmem>> -> memref<1x128xi32, #tpu.memory_space<vmem>>
        %dma_start3A_354 = tpu.memref_squeeze %dma_start3A_353 : memref<1x128xi32, #tpu.memory_space<vmem>> -> memref<128xi32, #tpu.memory_space<vmem>>
        %dma_start3A_355 = arith.constant 0 : i32
        %dma_start3A_356 = tpu.memref_slice %arg5[%add3A_350, %dma_start3A_355] : memref<2560x128xi32, #tpu.memory_space<hbm>> -> memref<1x128xi32, #tpu.memory_space<hbm>>
        %dma_start3A_357 = tpu.memref_squeeze %dma_start3A_356 : memref<1x128xi32, #tpu.memory_space<hbm>> -> memref<128xi32, #tpu.memory_space<hbm>>
        %dma_start3A_358 = arith.constant 0 : i32
        %dma_start3A_359 = tpu.memref_slice %arg8[%dma_start3A_351, %dma_start3A_358] : memref<4x128xi32, #tpu.memory_space<vmem>> -> memref<1x128xi32, #tpu.memory_space<vmem>>
        %dma_start3A_360 = tpu.memref_squeeze %dma_start3A_359 : memref<1x128xi32, #tpu.memory_space<vmem>> -> memref<128xi32, #tpu.memory_space<vmem>>
        %dma_start3A_361 = arith.constant 0 : i32
        %dma_start3A_362 = tpu.memref_slice %arg5[%add3A_350, %dma_start3A_361] : memref<2560x128xi32, #tpu.memory_space<hbm>> -> memref<1x128xi32, #tpu.memory_space<hbm>>
        %dma_start3A_363 = tpu.memref_squeeze %dma_start3A_362 : memref<1x128xi32, #tpu.memory_space<hbm>> -> memref<128xi32, #tpu.memory_space<hbm>>
        tpu.enqueue_dma source(%dma_start3A_363 : memref<128xi32, #tpu.memory_space<hbm>>) target(%dma_start3A_360 : memref<128xi32, #tpu.memory_space<vmem>>) target_semaphore(%arg11 : memref<!tpu.dma_semaphore, #tpu.memory_space<semaphore_mem>>)
      } else {
      }
      %dma_wait3A_310 = arith.constant 3 : i32
      %dma_wait3A_311 = arith.constant 1 : i32
      %dma_wait3A_312 = arith.constant 0 : i32
      %dma_wait3A_313 = arith.constant 0 : i32
      %dma_wait3A_314 = tpu.memref_slice %arg9[%dma_wait3A_311, %dma_wait3A_312, %dma_wait3A_313] : memref<2x128x128xf32, #tpu.memory_space<vmem>> -> memref<1x128x128xf32, #tpu.memory_space<vmem>>
      %dma_wait3A_315 = tpu.memref_squeeze %dma_wait3A_314 : memref<1x128x128xf32, #tpu.memory_space<vmem>> -> memref<128x128xf32, #tpu.memory_space<vmem>>
      %dma_wait3A_316 = arith.constant 0 : i32
      %dma_wait3A_317 = tpu.memref_slice %arg7[%dma_wait3A_310, %dma_wait3A_316] : memref<4x128xi32, #tpu.memory_space<vmem>> -> memref<1x128xi32, #tpu.memory_space<vmem>>
      %dma_wait3A_318 = tpu.memref_squeeze %dma_wait3A_317 : memref<1x128xi32, #tpu.memory_space<vmem>> -> memref<128xi32, #tpu.memory_space<vmem>>
      %dma_wait3A_319 = arith.constant 0 : i32
      %dma_wait3A_320 = arith.constant 0 : i32
      %dma_wait3A_321 = tpu.memref_slice %arg2[%dma_wait3A_319, %dma_wait3A_320] : memref<10112x128xf32, #tpu.memory_space<hbm>> -> memref<10112x128xf32, #tpu.memory_space<hbm>>
      tpu.wait_indirect_dma semaphore(%arg14 : memref<!tpu.dma_semaphore, #tpu.memory_space<semaphore_mem>>) src(%dma_wait3A_321 : memref<10112x128xf32, #tpu.memory_space<hbm>>) dst(%dma_wait3A_315 : memref<128x128xf32, #tpu.memory_space<vmem>>)
      %dma_start3A_322 = arith.constant 1 : i32
      %dma_start3A_323 = arith.constant 3 : i32
      %dma_start3A_324 = arith.constant 0 : i32
      %dma_start3A_325 = arith.constant 0 : i32
      %dma_start3A_326 = tpu.memref_slice %arg9[%dma_start3A_322, %dma_start3A_324, %dma_start3A_325] : memref<2x128x128xf32, #tpu.memory_space<vmem>> -> memref<1x128x128xf32, #tpu.memory_space<vmem>>
      %dma_start3A_327 = tpu.memref_squeeze %dma_start3A_326 : memref<1x128x128xf32, #tpu.memory_space<vmem>> -> memref<128x128xf32, #tpu.memory_space<vmem>>
      %dma_start3A_328 = arith.constant 0 : i32
      %dma_start3A_329 = tpu.memref_slice %arg8[%dma_start3A_323, %dma_start3A_328] : memref<4x128xi32, #tpu.memory_space<vmem>> -> memref<1x128xi32, #tpu.memory_space<vmem>>
      %dma_start3A_330 = tpu.memref_squeeze %dma_start3A_329 : memref<1x128xi32, #tpu.memory_space<vmem>> -> memref<128xi32, #tpu.memory_space<vmem>>
      %dma_start3A_331 = arith.constant 0 : i32
      %dma_start3A_332 = arith.constant 0 : i32
      %dma_start3A_333 = tpu.memref_slice %arg10[%dma_start3A_331, %dma_start3A_332] : memref<10112x128xf32, #tpu.memory_space<vmem_shared>> -> memref<10112x128xf32, #tpu.memory_space<vmem_shared>>
      tpu.enqueue_indirect_dma source(%dma_start3A_327 : memref<128x128xf32, #tpu.memory_space<vmem>>) target(%dma_start3A_333 : memref<10112x128xf32, #tpu.memory_space<vmem_shared>>) offsets(%dma_start3A_330 : memref<128xi32, #tpu.memory_space<vmem>>) semaphore(%arg16 : memref<!tpu.dma_semaphore, #tpu.memory_space<semaphore_mem>>) {add = true}
    }
    %scan3A_136 = arith.constant 40 : i32
    %dma_wait3A_137 = arith.constant 0 : i32
    %dma_wait3A_138 = arith.constant 0 : i32
    %dma_wait3A_139 = arith.constant 0 : i32
    %dma_wait3A_140 = tpu.memref_slice %arg9[%dma_wait3A_137, %dma_wait3A_138, %dma_wait3A_139] : memref<2x128x128xf32, #tpu.memory_space<vmem>> -> memref<1x128x128xf32, #tpu.memory_space<vmem>>
    %dma_wait3A_141 = tpu.memref_squeeze %dma_wait3A_140 : memref<1x128x128xf32, #tpu.memory_space<vmem>> -> memref<128x128xf32, #tpu.memory_space<vmem>>
    %dma_wait3A_142 = arith.constant 0 : i32
    %dma_wait3A_143 = arith.constant 0 : i32
    %dma_wait3A_144 = tpu.memref_slice %arg10[%dma_wait3A_142, %dma_wait3A_143] : memref<10112x128xf32, #tpu.memory_space<vmem_shared>> -> memref<128x128xf32, #tpu.memory_space<vmem_shared>>
    %dma_wait3A_145 = arith.constant 0 : i32
    %dma_wait3A_146 = arith.constant 0 : i32
    %dma_wait3A_147 = tpu.memref_slice %arg10[%dma_wait3A_145, %dma_wait3A_146] : memref<10112x128xf32, #tpu.memory_space<vmem_shared>> -> memref<128x128xf32, #tpu.memory_space<vmem_shared>>
    %dma_wait3A_148 = arith.constant 0 : i32
    %dma_wait3A_149 = arith.constant 0 : i32
    %dma_wait3A_150 = tpu.memref_slice %arg9[%dma_wait3A_137, %dma_wait3A_148, %dma_wait3A_149] : memref<2x128x128xf32, #tpu.memory_space<vmem>> -> memref<1x128x128xf32, #tpu.memory_space<vmem>>
    %dma_wait3A_151 = tpu.memref_squeeze %dma_wait3A_150 : memref<1x128x128xf32, #tpu.memory_space<vmem>> -> memref<128x128xf32, #tpu.memory_space<vmem>>
    tpu.wait_dma2 semaphore(%arg15 : memref<!tpu.dma_semaphore, #tpu.memory_space<semaphore_mem>>) src(%dma_wait3A_151 : memref<128x128xf32, #tpu.memory_space<vmem>>) dst(%dma_wait3A_147 : memref<128x128xf32, #tpu.memory_space<vmem_shared>>)
    %dma_wait3A_152 = arith.constant 1 : i32
    %dma_wait3A_153 = arith.constant 0 : i32
    %dma_wait3A_154 = arith.constant 0 : i32
    %dma_wait3A_155 = tpu.memref_slice %arg9[%dma_wait3A_152, %dma_wait3A_153, %dma_wait3A_154] : memref<2x128x128xf32, #tpu.memory_space<vmem>> -> memref<1x128x128xf32, #tpu.memory_space<vmem>>
    %dma_wait3A_156 = tpu.memref_squeeze %dma_wait3A_155 : memref<1x128x128xf32, #tpu.memory_space<vmem>> -> memref<128x128xf32, #tpu.memory_space<vmem>>
    %dma_wait3A_157 = arith.constant 0 : i32
    %dma_wait3A_158 = arith.constant 0 : i32
    %dma_wait3A_159 = tpu.memref_slice %arg10[%dma_wait3A_157, %dma_wait3A_158] : memref<10112x128xf32, #tpu.memory_space<vmem_shared>> -> memref<128x128xf32, #tpu.memory_space<vmem_shared>>
    %dma_wait3A_160 = arith.constant 0 : i32
    %dma_wait3A_161 = arith.constant 0 : i32
    %dma_wait3A_162 = tpu.memref_slice %arg10[%dma_wait3A_160, %dma_wait3A_161] : memref<10112x128xf32, #tpu.memory_space<vmem_shared>> -> memref<128x128xf32, #tpu.memory_space<vmem_shared>>
    %dma_wait3A_163 = arith.constant 0 : i32
    %dma_wait3A_164 = arith.constant 0 : i32
    %dma_wait3A_165 = tpu.memref_slice %arg9[%dma_wait3A_152, %dma_wait3A_163, %dma_wait3A_164] : memref<2x128x128xf32, #tpu.memory_space<vmem>> -> memref<1x128x128xf32, #tpu.memory_space<vmem>>
    %dma_wait3A_166 = tpu.memref_squeeze %dma_wait3A_165 : memref<1x128x128xf32, #tpu.memory_space<vmem>> -> memref<128x128xf32, #tpu.memory_space<vmem>>
    tpu.wait_dma2 semaphore(%arg16 : memref<!tpu.dma_semaphore, #tpu.memory_space<semaphore_mem>>) src(%dma_wait3A_166 : memref<128x128xf32, #tpu.memory_space<vmem>>) dst(%dma_wait3A_162 : memref<128x128xf32, #tpu.memory_space<vmem_shared>>)
    %barrier3A_167 = arith.constant 0 : index
    tpu.barrier barrier_id(%barrier3A_167)
    "tpu.region"() ({
      %run_scoped3A = tpu.sem_alloc : memref<!tpu.dma_semaphore, #tpu.memory_space<semaphore_mem>>
      %dma_start3A_168 = arith.constant 0 : i32
      %dma_start3A_169 = tpu.memref_slice %arg6[%mul3A_0, %dma_start3A_168] : memref<10112x128xf32, #tpu.memory_space<hbm>> -> memref<632x128xf32, #tpu.memory_space<hbm>>
      %dma_start3A_170 = arith.constant 0 : i32
      %dma_start3A_171 = tpu.memref_slice %arg10[%mul3A_0, %dma_start3A_170] : memref<10112x128xf32, #tpu.memory_space<vmem_shared>> -> memref<632x128xf32, #tpu.memory_space<vmem_shared>>
      tpu.enqueue_dma source(%dma_start3A_171 : memref<632x128xf32, #tpu.memory_space<vmem_shared>>) target(%dma_start3A_169 : memref<632x128xf32, #tpu.memory_space<hbm>>) target_semaphore(%run_scoped3A : memref<!tpu.dma_semaphore, #tpu.memory_space<semaphore_mem>>)
      %dma_wait3A_172 = arith.constant 0 : i32
      %dma_wait3A_173 = tpu.memref_slice %arg6[%mul3A_0, %dma_wait3A_172] : memref<10112x128xf32, #tpu.memory_space<hbm>> -> memref<632x128xf32, #tpu.memory_space<hbm>>
      %dma_wait3A_174 = arith.constant 0 : i32
      %dma_wait3A_175 = tpu.memref_slice %arg10[%mul3A_0, %dma_wait3A_174] : memref<10112x128xf32, #tpu.memory_space<vmem_shared>> -> memref<632x128xf32, #tpu.memory_space<vmem_shared>>
      tpu.wait_dma2 semaphore(%run_scoped3A : memref<!tpu.dma_semaphore, #tpu.memory_space<semaphore_mem>>) src(%dma_wait3A_175 : memref<632x128xf32, #tpu.memory_space<vmem_shared>>) dst(%dma_wait3A_173 : memref<632x128xf32, #tpu.memory_space<hbm>>)
      tpu.yield
    }) : () -> ()
    return
  }
}

module attributes {stable_mosaic.version = 14 : i64} {
  func.func @_prep_body(%arg0: i32, %arg1: memref<128x128xf32, #tpu.memory_space<vmem>>, %arg2: memref<128x1xf32, #tpu.memory_space<vmem>>, %arg3: memref<128x1xf32, #tpu.memory_space<vmem>>, %arg4: memref<128x128xf32, #tpu.memory_space<vmem>>, %arg5: memref<128x128xf32, #tpu.memory_space<vmem>>, %arg6: memref<128x128xf32, #tpu.memory_space<vmem>>) attributes {dimension_semantics = [#tpu.dimension_semantics<arbitrary>], iteration_bounds = array<i64: 79>, scalar_prefetch = 0 : i64, scratch_operands = 0 : i64, tpu.core_type = #tpu.core_type<tc>, window_params = [{transform_indices = @transform_0, window_bounds = array<i64: 128, 128>}, {transform_indices = @transform_1, window_bounds = array<i64: 128, 1>}, {transform_indices = @transform_2, window_bounds = array<i64: 128, 1>}, {pipeline_mode = #tpu.pipeline_mode<synchronous>, transform_indices = @transform_3, window_bounds = array<i64: 128, 128>}, {transform_indices = @transform_4, window_bounds = array<i64: 128, 128>}, {transform_indices = @transform_5, window_bounds = array<i64: 128, 128>}]} {
    %get3A = arith.constant 0 : index
    %get3A_0 = arith.constant 0 : index
    %get3A_1 = vector.load %arg2[%get3A, %get3A_0] : memref<128x1xf32, #tpu.memory_space<vmem>>, vector<128x1xf32>
    %get3A_2 = arith.constant 0 : index
    %get3A_3 = arith.constant 0 : index
    %get3A_4 = vector.load %arg3[%get3A_2, %get3A_3] : memref<128x1xf32, #tpu.memory_space<vmem>>, vector<128x1xf32>
    %add3A = arith.addf %get3A_1, %get3A_4 : vector<128x1xf32>
    %add3A_5 = arith.constant 1.000000e+00 : f32
    %add3A_6 = vector.broadcast %add3A_5 : f32 to vector<128x1xf32>
    %add3A_7 = arith.addf %add3A, %add3A_6 : vector<128x1xf32>
    %max3A = arith.constant 9.99999996E-13 : f32
    %max3A_8 = vector.broadcast %max3A : f32 to vector<128x1xf32>
    %max3A_9 = arith.maximumf %add3A_7, %max3A_8 : vector<128x1xf32>
    %rsqrt3A = math.rsqrt %max3A_9 : vector<128x1xf32>
    %broadcast_in_dim3A = vector.shape_cast %rsqrt3A : vector<128x1xf32> to vector<128x1xf32>
    %broadcast_in_dim3A_10 = vector.broadcast %broadcast_in_dim3A : vector<128x1xf32> to vector<128x128xf32>
    %swap3A = arith.constant 0 : index
    %swap3A_11 = arith.constant 0 : index
    %swap3A_12 = vector.load %arg6[%swap3A, %swap3A_11] : memref<128x128xf32, #tpu.memory_space<vmem>>, vector<128x128xf32>
    tpu.vector_store %arg6[%swap3A, %swap3A_11], %broadcast_in_dim3A_10 {strides = array<i32>} : memref<128x128xf32, #tpu.memory_space<vmem>>, vector<128x128xf32>,
    %get3A_13 = arith.constant 0 : index
    %get3A_14 = arith.constant 0 : index
    %get3A_15 = vector.load %arg1[%get3A_13, %get3A_14] : memref<128x128xf32, #tpu.memory_space<vmem>>, vector<128x128xf32>
    %get3A_16 = arith.constant 0 : index
    %get3A_17 = arith.constant 0 : index
    %get3A_18 = vector.load %arg4[%get3A_16, %get3A_17] : memref<128x128xf32, #tpu.memory_space<vmem>>, vector<128x128xf32>
    %dot_general3A = arith.constant dense<0.000000e+00> : vector<128x128xf32>
    %dot_general3A_19 = tpu.matmul %get3A_15, %get3A_18, %dot_general3A {dimension_numbers = #tpu.dot_dimension_numbers<[1], [0], [0], [1], [0, 0, 1, 1], [], []>, transpose_lhs_hint = false} : vector<128x128xf32>, vector<128x128xf32>, vector<128x128xf32> -> vector<128x128xf32>
    %mul3A = vector.broadcast %rsqrt3A : vector<128x1xf32> to vector<128x128xf32>
    %mul3A_20 = arith.mulf %dot_general3A_19, %mul3A : vector<128x128xf32>
    %swap3A_21 = arith.constant 0 : index
    %swap3A_22 = arith.constant 0 : index
    %swap3A_23 = vector.load %arg5[%swap3A_21, %swap3A_22] : memref<128x128xf32, #tpu.memory_space<vmem>>, vector<128x128xf32>
    tpu.vector_store %arg5[%swap3A_21, %swap3A_22], %mul3A_20 {strides = array<i32>} : memref<128x128xf32, #tpu.memory_space<vmem>>, vector<128x128xf32>,
    return
  }
  func.func @transform_0(%arg0: i32) -> (i32, i32) {
    %c0_i32 = arith.constant 0 : i32
    %c0_i32_0 = arith.constant 0 : i32
    return %arg0, %c0_i32 : i32, i32
  }
  func.func @transform_1(%arg0: i32) -> (i32, i32) {
    %c0_i32 = arith.constant 0 : i32
    %c0_i32_0 = arith.constant 0 : i32
    return %arg0, %c0_i32 : i32, i32
  }
  func.func @transform_2(%arg0: i32) -> (i32, i32) {
    %c0_i32 = arith.constant 0 : i32
    %c0_i32_0 = arith.constant 0 : i32
    return %arg0, %c0_i32 : i32, i32
  }
  func.func @transform_3(%arg0: i32) -> (i32, i32) {
    %c0_i32 = arith.constant 0 : i32
    %c0_i32_0 = arith.constant 0 : i32
    %c0_i32_1 = arith.constant 0 : i32
    return %c0_i32, %c0_i32_0 : i32, i32
  }
  func.func @transform_4(%arg0: i32) -> (i32, i32) {
    %c0_i32 = arith.constant 0 : i32
    %c0_i32_0 = arith.constant 0 : i32
    return %arg0, %c0_i32 : i32, i32
  }
  func.func @transform_5(%arg0: i32) -> (i32, i32) {
    %c0_i32 = arith.constant 0 : i32
    %c0_i32_0 = arith.constant 0 : i32
    return %arg0, %c0_i32 : i32, i32
  }
}

module attributes {stable_mosaic.version = 14 : i64} {
  func.func @_mid_body(%arg0: i32, %arg1: memref<128x128xf32, #tpu.memory_space<vmem>>, %arg2: memref<128x128xf32, #tpu.memory_space<vmem>>, %arg3: memref<128x128xf32, #tpu.memory_space<vmem>>, %arg4: memref<1x128xf32, #tpu.memory_space<vmem>>, %arg5: memref<128x128xf32, #tpu.memory_space<vmem>>, %arg6: memref<128x128xf32, #tpu.memory_space<vmem>>) attributes {dimension_semantics = [#tpu.dimension_semantics<arbitrary>], iteration_bounds = array<i64: 79>, scalar_prefetch = 0 : i64, scratch_operands = 0 : i64, tpu.core_type = #tpu.core_type<tc>, window_params = [{transform_indices = @transform_0, window_bounds = array<i64: 128, 128>}, {transform_indices = @transform_1, window_bounds = array<i64: 128, 128>}, {transform_indices = @transform_2, window_bounds = array<i64: 128, 128>}, {pipeline_mode = #tpu.pipeline_mode<synchronous>, transform_indices = @transform_3, window_bounds = array<i64: 1, 128>}, {pipeline_mode = #tpu.pipeline_mode<synchronous>, transform_indices = @transform_4, window_bounds = array<i64: 128, 128>}, {transform_indices = @transform_5, window_bounds = array<i64: 128, 128>}]} {
    %get3A = arith.constant 0 : index
    %get3A_0 = arith.constant 0 : index
    %get3A_1 = vector.load %arg1[%get3A, %get3A_0] : memref<128x128xf32, #tpu.memory_space<vmem>>, vector<128x128xf32>
    %get3A_2 = arith.constant 0 : index
    %get3A_3 = arith.constant 0 : index
    %get3A_4 = vector.load %arg2[%get3A_2, %get3A_3] : memref<128x128xf32, #tpu.memory_space<vmem>>, vector<128x128xf32>
    %add3A = arith.addf %get3A_1, %get3A_4 : vector<128x128xf32>
    %get3A_5 = arith.constant 0 : index
    %get3A_6 = arith.constant 0 : index
    %get3A_7 = vector.load %arg3[%get3A_5, %get3A_6] : memref<128x128xf32, #tpu.memory_space<vmem>>, vector<128x128xf32>
    %mul3A = arith.mulf %add3A, %get3A_7 : vector<128x128xf32>
    %get3A_8 = arith.constant 0 : index
    %get3A_9 = arith.constant 0 : index
    %get3A_10 = vector.load %arg4[%get3A_8, %get3A_9] : memref<1x128xf32, #tpu.memory_space<vmem>>, vector<1x128xf32>
    %add3A_11 = vector.broadcast %get3A_10 : vector<1x128xf32> to vector<128x128xf32>
    %add3A_12 = arith.addf %mul3A, %add3A_11 : vector<128x128xf32>
    %ge3A = arith.constant 0.000000e+00 : f32
    %ge3A_13 = vector.broadcast %ge3A : f32 to vector<128x128xf32>
    %ge3A_14 = arith.cmpf oge, %add3A_12, %ge3A_13 : vector<128x128xf32>
    %mul3A_15 = arith.constant 0.00999999977 : f32
    %mul3A_16 = vector.broadcast %mul3A_15 : f32 to vector<128x128xf32>
    %mul3A_17 = arith.mulf %mul3A_16, %add3A_12 : vector<128x128xf32>
    %select_n3A = arith.select %ge3A_14, %add3A_12, %mul3A_17 : vector<128x128xi1>, vector<128x128xf32>
    %get3A_18 = arith.constant 0 : index
    %get3A_19 = arith.constant 0 : index
    %get3A_20 = vector.load %arg5[%get3A_18, %get3A_19] : memref<128x128xf32, #tpu.memory_space<vmem>>, vector<128x128xf32>
    %dot_general3A = arith.constant dense<0.000000e+00> : vector<128x128xf32>
    %dot_general3A_21 = tpu.matmul %select_n3A, %get3A_20, %dot_general3A {dimension_numbers = #tpu.dot_dimension_numbers<[1], [0], [0], [1], [0, 0, 1, 1], [], []>, transpose_lhs_hint = false} : vector<128x128xf32>, vector<128x128xf32>, vector<128x128xf32> -> vector<128x128xf32>
    %get3A_22 = arith.constant 0 : index
    %get3A_23 = arith.constant 0 : index
    %get3A_24 = vector.load %arg3[%get3A_22, %get3A_23] : memref<128x128xf32, #tpu.memory_space<vmem>>, vector<128x128xf32>
    %mul3A_25 = arith.mulf %dot_general3A_21, %get3A_24 : vector<128x128xf32>
    %swap3A = arith.constant 0 : index
    %swap3A_26 = arith.constant 0 : index
    %swap3A_27 = vector.load %arg6[%swap3A, %swap3A_26] : memref<128x128xf32, #tpu.memory_space<vmem>>, vector<128x128xf32>
    tpu.vector_store %arg6[%swap3A, %swap3A_26], %mul3A_25 {strides = array<i32>} : memref<128x128xf32, #tpu.memory_space<vmem>>, vector<128x128xf32>,
    return
  }
  func.func @transform_0(%arg0: i32) -> (i32, i32) {
    %c0_i32 = arith.constant 0 : i32
    %c0_i32_0 = arith.constant 0 : i32
    return %arg0, %c0_i32 : i32, i32
  }
  func.func @transform_1(%arg0: i32) -> (i32, i32) {
    %c0_i32 = arith.constant 0 : i32
    %c0_i32_0 = arith.constant 0 : i32
    return %arg0, %c0_i32 : i32, i32
  }
  func.func @transform_2(%arg0: i32) -> (i32, i32) {
    %c0_i32 = arith.constant 0 : i32
    %c0_i32_0 = arith.constant 0 : i32
    return %arg0, %c0_i32 : i32, i32
  }
  func.func @transform_3(%arg0: i32) -> (i32, i32) {
    %c0_i32 = arith.constant 0 : i32
    %c0_i32_0 = arith.constant 0 : i32
    %c0_i32_1 = arith.constant 0 : i32
    return %c0_i32, %c0_i32_0 : i32, i32
  }
  func.func @transform_4(%arg0: i32) -> (i32, i32) {
    %c0_i32 = arith.constant 0 : i32
    %c0_i32_0 = arith.constant 0 : i32
    %c0_i32_1 = arith.constant 0 : i32
    return %c0_i32, %c0_i32_0 : i32, i32
  }
  func.func @transform_5(%arg0: i32) -> (i32, i32) {
    %c0_i32 = arith.constant 0 : i32
    %c0_i32_0 = arith.constant 0 : i32
    return %arg0, %c0_i32 : i32, i32
  }
}

module attributes {stable_mosaic.version = 14 : i64} {
  func.func @_final_body(%arg0: i32, %arg1: memref<128x128xf32, #tpu.memory_space<vmem>>, %arg2: memref<128x128xf32, #tpu.memory_space<vmem>>, %arg3: memref<128x128xf32, #tpu.memory_space<vmem>>, %arg4: memref<1x128xf32, #tpu.memory_space<vmem>>, %arg5: memref<128x1xi32, #tpu.memory_space<vmem>>, %arg6: memref<64x16xf32, #tpu.memory_space<vmem>>, %arg7: memref<128x128xf32, #tpu.memory_space<vmem>>, %arg8: memref<16x128xf32, #tpu.memory_space<vmem>>, %arg9: memref<1x128xf32, #tpu.memory_space<vmem>>, %arg10: memref<128x64xf32, #tpu.memory_space<vmem>>, %arg11: memref<1x64xf32, #tpu.memory_space<vmem>>, %arg12: memref<64x1xf32, #tpu.memory_space<vmem>>, %arg13: memref<1x1xf32, #tpu.memory_space<vmem>>, %arg14: memref<64x1xf32, #tpu.memory_space<vmem>>, %arg15: memref<64x128xf32, #tpu.memory_space<vmem>>, %arg16: memref<64x1xf32, #tpu.memory_space<vmem>>) attributes {dimension_semantics = [#tpu.dimension_semantics<arbitrary>], iteration_bounds = array<i64: 79>, scalar_prefetch = 0 : i64, scratch_operands = 2 : i64, tpu.core_type = #tpu.core_type<tc>, window_params = [{transform_indices = @transform_0, window_bounds = array<i64: 128, 128>}, {transform_indices = @transform_1, window_bounds = array<i64: 128, 128>}, {transform_indices = @transform_2, window_bounds = array<i64: 128, 128>}, {pipeline_mode = #tpu.pipeline_mode<synchronous>, transform_indices = @transform_3, window_bounds = array<i64: 1, 128>}, {transform_indices = @transform_4, window_bounds = array<i64: 128, 1>}, {pipeline_mode = #tpu.pipeline_mode<synchronous>, transform_indices = @transform_5, window_bounds = array<i64: 64, 16>}, {pipeline_mode = #tpu.pipeline_mode<synchronous>, transform_indices = @transform_6, window_bounds = array<i64: 128, 128>}, {pipeline_mode = #tpu.pipeline_mode<synchronous>, transform_indices = @transform_7, window_bounds = array<i64: 16, 128>}, {pipeline_mode = #tpu.pipeline_mode<synchronous>, transform_indices = @transform_8, window_bounds = array<i64: 1, 128>}, {pipeline_mode = #tpu.pipeline_mode<synchronous>, transform_indices = @transform_9, window_bounds = array<i64: 128, 64>}, {pipeline_mode = #tpu.pipeline_mode<synchronous>, transform_indices = @transform_10, window_bounds = array<i64: 1, 64>}, {pipeline_mode = #tpu.pipeline_mode<synchronous>, transform_indices = @transform_11, window_bounds = array<i64: 64, 1>}, {pipeline_mode = #tpu.pipeline_mode<synchronous>, transform_indices = @transform_12, window_bounds = array<i64: 1, 1>}, {pipeline_mode = #tpu.pipeline_mode<synchronous>, transform_indices = @transform_13, window_bounds = array<i64: 64, 1>}]} {
    %eq3A = arith.constant 0 : i32
    %eq3A_0 = arith.cmpi eq, %arg0, %eq3A : i32
    %convert_element_type3A = arith.extui %eq3A_0 : i1 to i32
    %cond3A = arith.constant 0 : i32
    %cond3A_1 = arith.cmpi ne, %convert_element_type3A, %cond3A : i32
    scf.if %cond3A_1 {
      %broadcast_in_dim3A_49 = arith.constant 0.000000e+00 : f32
      %broadcast_in_dim3A_50 = vector.broadcast %broadcast_in_dim3A_49 : f32 to vector<64x128xf32>
      %swap3A_51 = arith.constant 0 : index
      %swap3A_52 = arith.constant 0 : index
      %swap3A_53 = vector.load %arg15[%swap3A_51, %swap3A_52] : memref<64x128xf32, #tpu.memory_space<vmem>>, vector<64x128xf32>
      tpu.vector_store %arg15[%swap3A_51, %swap3A_52], %broadcast_in_dim3A_50 {strides = array<i32>} : memref<64x128xf32, #tpu.memory_space<vmem>>, vector<64x128xf32>,
      %broadcast_in_dim3A_54 = arith.constant 0.000000e+00 : f32
      %broadcast_in_dim3A_55 = vector.broadcast %broadcast_in_dim3A_54 : f32 to vector<64x1xf32>
      %swap3A_56 = arith.constant 0 : index
      %swap3A_57 = arith.constant 0 : index
      %swap3A_58 = vector.load %arg16[%swap3A_56, %swap3A_57] : memref<64x1xf32, #tpu.memory_space<vmem>>, vector<64x1xf32>
      tpu.vector_store %arg16[%swap3A_56, %swap3A_57], %broadcast_in_dim3A_55 {strides = array<i32>} : memref<64x1xf32, #tpu.memory_space<vmem>>, vector<64x1xf32>,
    } else {
    }
    %get3A = arith.constant 0 : index
    %get3A_2 = arith.constant 0 : index
    %get3A_3 = vector.load %arg1[%get3A, %get3A_2] : memref<128x128xf32, #tpu.memory_space<vmem>>, vector<128x128xf32>
    %get3A_4 = arith.constant 0 : index
    %get3A_5 = arith.constant 0 : index
    %get3A_6 = vector.load %arg2[%get3A_4, %get3A_5] : memref<128x128xf32, #tpu.memory_space<vmem>>, vector<128x128xf32>
    %add3A = arith.addf %get3A_3, %get3A_6 : vector<128x128xf32>
    %get3A_7 = arith.constant 0 : index
    %get3A_8 = arith.constant 0 : index
    %get3A_9 = vector.load %arg3[%get3A_7, %get3A_8] : memref<128x128xf32, #tpu.memory_space<vmem>>, vector<128x128xf32>
    %mul3A = arith.mulf %add3A, %get3A_9 : vector<128x128xf32>
    %get3A_10 = arith.constant 0 : index
    %get3A_11 = arith.constant 0 : index
    %get3A_12 = vector.load %arg4[%get3A_10, %get3A_11] : memref<1x128xf32, #tpu.memory_space<vmem>>, vector<1x128xf32>
    %add3A_13 = vector.broadcast %get3A_12 : vector<1x128xf32> to vector<128x128xf32>
    %add3A_14 = arith.addf %mul3A, %add3A_13 : vector<128x128xf32>
    %ge3A = arith.constant 0.000000e+00 : f32
    %ge3A_15 = vector.broadcast %ge3A : f32 to vector<128x128xf32>
    %ge3A_16 = arith.cmpf oge, %add3A_14, %ge3A_15 : vector<128x128xf32>
    %mul3A_17 = arith.constant 0.00999999977 : f32
    %mul3A_18 = vector.broadcast %mul3A_17 : f32 to vector<128x128xf32>
    %mul3A_19 = arith.mulf %mul3A_18, %add3A_14 : vector<128x128xf32>
    %select_n3A = arith.select %ge3A_16, %add3A_14, %mul3A_19 : vector<128x128xi1>, vector<128x128xf32>
    %get3A_20 = arith.constant 0 : index
    %get3A_21 = arith.constant 0 : index
    %get3A_22 = vector.load %arg5[%get3A_20, %get3A_21] : memref<128x1xi32, #tpu.memory_space<vmem>>, vector<128x1xi32>
    %iota3A = tpu.iota {dimensions = array<i32: 1>} : vector<128x64xi32>
    %eq3A_23 = vector.broadcast %get3A_22 : vector<128x1xi32> to vector<128x64xi32>
    %eq3A_24 = arith.cmpi eq, %eq3A_23, %iota3A : vector<128x64xi32>
    %convert_element_type3A_25 = arith.extui %eq3A_24 : vector<128x64xi1> to vector<128x64xi32>
    %convert_element_type3A_26 = arith.sitofp %convert_element_type3A_25 : vector<128x64xi32> to vector<128x64xf32>
    %get3A_27 = arith.constant 0 : index
    %get3A_28 = arith.constant 0 : index
    %get3A_29 = vector.load %arg15[%get3A_27, %get3A_28] : memref<64x128xf32, #tpu.memory_space<vmem>>, vector<64x128xf32>
    %dot_general3A = arith.constant dense<0.000000e+00> : vector<64x128xf32>
    %dot_general3A_30 = tpu.matmul %convert_element_type3A_26, %select_n3A, %dot_general3A {dimension_numbers = #tpu.dot_dimension_numbers<[0], [0], [1], [1], [0, 1, 1, 1], [], []>, transpose_lhs_hint = false} : vector<128x64xf32>, vector<128x128xf32>, vector<64x128xf32> -> vector<64x128xf32>
    %add3A_31 = arith.addf %get3A_29, %dot_general3A_30 : vector<64x128xf32>
    %swap3A = arith.constant 0 : index
    %swap3A_32 = arith.constant 0 : index
    %swap3A_33 = vector.load %arg15[%swap3A, %swap3A_32] : memref<64x128xf32, #tpu.memory_space<vmem>>, vector<64x128xf32>
    tpu.vector_store %arg15[%swap3A, %swap3A_32], %add3A_31 {strides = array<i32>} : memref<64x128xf32, #tpu.memory_space<vmem>>, vector<64x128xf32>,
    %get3A_34 = arith.constant 0 : index
    %get3A_35 = arith.constant 0 : index
    %get3A_36 = vector.load %arg16[%get3A_34, %get3A_35] : memref<64x1xf32, #tpu.memory_space<vmem>>, vector<64x1xf32>
    %broadcast_in_dim3A = arith.constant 1.000000e+00 : f32
    %broadcast_in_dim3A_37 = vector.broadcast %broadcast_in_dim3A : f32 to vector<128x1xf32>
    %dot_general3A_38 = arith.constant dense<0.000000e+00> : vector<64x1xf32>
    %dot_general3A_39 = tpu.matmul %convert_element_type3A_26, %broadcast_in_dim3A_37, %dot_general3A_38 {dimension_numbers = #tpu.dot_dimension_numbers<[0], [0], [1], [1], [0, 1, 1, 1], [], []>, transpose_lhs_hint = false} : vector<128x64xf32>, vector<128x1xf32>, vector<64x1xf32> -> vector<64x1xf32>
    %add3A_40 = arith.addf %get3A_36, %dot_general3A_39 : vector<64x1xf32>
    %swap3A_41 = arith.constant 0 : index
    %swap3A_42 = arith.constant 0 : index
    %swap3A_43 = vector.load %arg16[%swap3A_41, %swap3A_42] : memref<64x1xf32, #tpu.memory_space<vmem>>, vector<64x1xf32>
    tpu.vector_store %arg16[%swap3A_41, %swap3A_42], %add3A_40 {strides = array<i32>} : memref<64x1xf32, #tpu.memory_space<vmem>>, vector<64x1xf32>,
    %eq3A_44 = arith.constant 78 : i32
    %eq3A_45 = arith.cmpi eq, %arg0, %eq3A_44 : i32
    %convert_element_type3A_46 = arith.extui %eq3A_45 : i1 to i32
    %cond3A_47 = arith.constant 0 : i32
    %cond3A_48 = arith.cmpi ne, %convert_element_type3A_46, %cond3A_47 : i32
    scf.if %cond3A_48 {
      %get3A_49 = arith.constant 0 : index
      %get3A_50 = arith.constant 0 : index
      %get3A_51 = vector.load %arg15[%get3A_49, %get3A_50] : memref<64x128xf32, #tpu.memory_space<vmem>>, vector<64x128xf32>
      %get3A_52 = arith.constant 0 : index
      %get3A_53 = arith.constant 0 : index
      %get3A_54 = vector.load %arg16[%get3A_52, %get3A_53] : memref<64x1xf32, #tpu.memory_space<vmem>>, vector<64x1xf32>
      %max3A = arith.constant 1.000000e+00 : f32
      %max3A_55 = vector.broadcast %max3A : f32 to vector<64x1xf32>
      %max3A_56 = arith.maximumf %get3A_54, %max3A_55 : vector<64x1xf32>
      %div3A = vector.broadcast %max3A_56 : vector<64x1xf32> to vector<64x128xf32>
      %div3A_57 = arith.divf %get3A_51, %div3A : vector<64x128xf32>
      %get3A_58 = arith.constant 0 : index
      %get3A_59 = arith.constant 0 : index
      %get3A_60 = vector.load %arg7[%get3A_58, %get3A_59] : memref<128x128xf32, #tpu.memory_space<vmem>>, vector<128x128xf32>
      %dot_general3A_61 = arith.constant dense<0.000000e+00> : vector<64x128xf32>
      %dot_general3A_62 = tpu.matmul %div3A_57, %get3A_60, %dot_general3A_61 {dimension_numbers = #tpu.dot_dimension_numbers<[1], [0], [0], [1], [0, 0, 1, 1], [], []>, transpose_lhs_hint = false} : vector<64x128xf32>, vector<128x128xf32>, vector<64x128xf32> -> vector<64x128xf32>
      %get3A_63 = arith.constant 0 : index
      %get3A_64 = arith.constant 0 : index
      %get3A_65 = vector.load %arg6[%get3A_63, %get3A_64] : memref<64x16xf32, #tpu.memory_space<vmem>>, vector<64x16xf32>
      %get3A_66 = arith.constant 0 : index
      %get3A_67 = arith.constant 0 : index
      %get3A_68 = vector.load %arg8[%get3A_66, %get3A_67] : memref<16x128xf32, #tpu.memory_space<vmem>>, vector<16x128xf32>
      %dot_general3A_69 = arith.constant dense<0.000000e+00> : vector<64x128xf32>
      %dot_general3A_70 = tpu.matmul %get3A_65, %get3A_68, %dot_general3A_69 {dimension_numbers = #tpu.dot_dimension_numbers<[1], [0], [0], [1], [0, 0, 1, 1], [], []>, transpose_lhs_hint = false} : vector<64x16xf32>, vector<16x128xf32>, vector<64x128xf32> -> vector<64x128xf32>
      %add3A_71 = arith.addf %dot_general3A_62, %dot_general3A_70 : vector<64x128xf32>
      %get3A_72 = arith.constant 0 : index
      %get3A_73 = arith.constant 0 : index
      %get3A_74 = vector.load %arg9[%get3A_72, %get3A_73] : memref<1x128xf32, #tpu.memory_space<vmem>>, vector<1x128xf32>
      %add3A_75 = vector.broadcast %get3A_74 : vector<1x128xf32> to vector<64x128xf32>
      %add3A_76 = arith.addf %add3A_71, %add3A_75 : vector<64x128xf32>
      %ge3A_77 = arith.constant 0.000000e+00 : f32
      %ge3A_78 = vector.broadcast %ge3A_77 : f32 to vector<64x128xf32>
      %ge3A_79 = arith.cmpf oge, %add3A_76, %ge3A_78 : vector<64x128xf32>
      %mul3A_80 = arith.constant 0.00999999977 : f32
      %mul3A_81 = vector.broadcast %mul3A_80 : f32 to vector<64x128xf32>
      %mul3A_82 = arith.mulf %mul3A_81, %add3A_76 : vector<64x128xf32>
      %select_n3A_83 = arith.select %ge3A_79, %add3A_76, %mul3A_82 : vector<64x128xi1>, vector<64x128xf32>
      %get3A_84 = arith.constant 0 : index
      %get3A_85 = arith.constant 0 : index
      %get3A_86 = vector.load %arg10[%get3A_84, %get3A_85] : memref<128x64xf32, #tpu.memory_space<vmem>>, vector<128x64xf32>
      %dot_general3A_87 = arith.constant dense<0.000000e+00> : vector<64x64xf32>
      %dot_general3A_88 = tpu.matmul %select_n3A_83, %get3A_86, %dot_general3A_87 {dimension_numbers = #tpu.dot_dimension_numbers<[1], [0], [0], [1], [0, 0, 1, 1], [], []>, transpose_lhs_hint = false} : vector<64x128xf32>, vector<128x64xf32>, vector<64x64xf32> -> vector<64x64xf32>
      %get3A_89 = arith.constant 0 : index
      %get3A_90 = arith.constant 0 : index
      %get3A_91 = vector.load %arg11[%get3A_89, %get3A_90] : memref<1x64xf32, #tpu.memory_space<vmem>>, vector<1x64xf32>
      %add3A_92 = vector.broadcast %get3A_91 : vector<1x64xf32> to vector<64x64xf32>
      %add3A_93 = arith.addf %dot_general3A_88, %add3A_92 : vector<64x64xf32>
      %ge3A_94 = arith.constant 0.000000e+00 : f32
      %ge3A_95 = vector.broadcast %ge3A_94 : f32 to vector<64x64xf32>
      %ge3A_96 = arith.cmpf oge, %add3A_93, %ge3A_95 : vector<64x64xf32>
      %mul3A_97 = arith.constant 0.00999999977 : f32
      %mul3A_98 = vector.broadcast %mul3A_97 : f32 to vector<64x64xf32>
      %mul3A_99 = arith.mulf %mul3A_98, %add3A_93 : vector<64x64xf32>
      %select_n3A_100 = arith.select %ge3A_96, %add3A_93, %mul3A_99 : vector<64x64xi1>, vector<64x64xf32>
      %get3A_101 = arith.constant 0 : index
      %get3A_102 = arith.constant 0 : index
      %get3A_103 = vector.load %arg12[%get3A_101, %get3A_102] : memref<64x1xf32, #tpu.memory_space<vmem>>, vector<64x1xf32>
      %dot_general3A_104 = arith.constant dense<0.000000e+00> : vector<64x1xf32>
      %dot_general3A_105 = tpu.matmul %select_n3A_100, %get3A_103, %dot_general3A_104 {dimension_numbers = #tpu.dot_dimension_numbers<[1], [0], [0], [1], [0, 0, 1, 1], [], []>, transpose_lhs_hint = false} : vector<64x64xf32>, vector<64x1xf32>, vector<64x1xf32> -> vector<64x1xf32>
      %get3A_106 = arith.constant 0 : index
      %get3A_107 = arith.constant 0 : index
      %get3A_108 = vector.load %arg13[%get3A_106, %get3A_107] : memref<1x1xf32, #tpu.memory_space<vmem>>, vector<1x1xf32>
      %add3A_109 = vector.broadcast %get3A_108 : vector<1x1xf32> to vector<64x1xf32>
      %add3A_110 = arith.addf %dot_general3A_105, %add3A_109 : vector<64x1xf32>
      %ge3A_111 = arith.constant 0.000000e+00 : f32
      %ge3A_112 = vector.broadcast %ge3A_111 : f32 to vector<64x1xf32>
      %ge3A_113 = arith.cmpf oge, %add3A_110, %ge3A_112 : vector<64x1xf32>
      %mul3A_114 = arith.constant 0.00999999977 : f32
      %mul3A_115 = vector.broadcast %mul3A_114 : f32 to vector<64x1xf32>
      %mul3A_116 = arith.mulf %mul3A_115, %add3A_110 : vector<64x1xf32>
      %select_n3A_117 = arith.select %ge3A_113, %add3A_110, %mul3A_116 : vector<64x1xi1>, vector<64x1xf32>
      %swap3A_118 = arith.constant 0 : index
      %swap3A_119 = arith.constant 0 : index
      %swap3A_120 = vector.load %arg14[%swap3A_118, %swap3A_119] : memref<64x1xf32, #tpu.memory_space<vmem>>, vector<64x1xf32>
      tpu.vector_store %arg14[%swap3A_118, %swap3A_119], %select_n3A_117 {strides = array<i32>} : memref<64x1xf32, #tpu.memory_space<vmem>>, vector<64x1xf32>,
    } else {
    }
    return
  }
  func.func @transform_0(%arg0: i32) -> (i32, i32) {
    %c0_i32 = arith.constant 0 : i32
    %c0_i32_0 = arith.constant 0 : i32
    return %arg0, %c0_i32 : i32, i32
  }
  func.func @transform_1(%arg0: i32) -> (i32, i32) {
    %c0_i32 = arith.constant 0 : i32
    %c0_i32_0 = arith.constant 0 : i32
    return %arg0, %c0_i32 : i32, i32
  }
  func.func @transform_2(%arg0: i32) -> (i32, i32) {
    %c0_i32 = arith.constant 0 : i32
    %c0_i32_0 = arith.constant 0 : i32
    return %arg0, %c0_i32 : i32, i32
  }
  func.func @transform_3(%arg0: i32) -> (i32, i32) {
    %c0_i32 = arith.constant 0 : i32
    %c0_i32_0 = arith.constant 0 : i32
    %c0_i32_1 = arith.constant 0 : i32
    return %c0_i32, %c0_i32_0 : i32, i32
  }
  func.func @transform_4(%arg0: i32) -> (i32, i32) {
    %c0_i32 = arith.constant 0 : i32
    %c0_i32_0 = arith.constant 0 : i32
    return %arg0, %c0_i32 : i32, i32
  }
  func.func @transform_5(%arg0: i32) -> (i32, i32) {
    %c0_i32 = arith.constant 0 : i32
    %c0_i32_0 = arith.constant 0 : i32
    %c0_i32_1 = arith.constant 0 : i32
    return %c0_i32, %c0_i32_0 : i32, i32
  }
  func.func @transform_6(%arg0: i32) -> (i32, i32) {
    %c0_i32 = arith.constant 0 : i32
    %c0_i32_0 = arith.constant 0 : i32
    %c0_i32_1 = arith.constant 0 : i32
    return %c0_i32, %c0_i32_0 : i32, i32
  }
  func.func @transform_7(%arg0: i32) -> (i32, i32) {
    %c0_i32 = arith.constant 0 : i32
    %c0_i32_0 = arith.constant 0 : i32
    %c0_i32_1 = arith.constant 0 : i32
    return %c0_i32, %c0_i32_0 : i32, i32
  }
  func.func @transform_8(%arg0: i32) -> (i32, i32) {
    %c0_i32 = arith.constant 0 : i32
    %c0_i32_0 = arith.constant 0 : i32
    %c0_i32_1 = arith.constant 0 : i32
    return %c0_i32, %c0_i32_0 : i32, i32
  }
  func.func @transform_9(%arg0: i32) -> (i32, i32) {
    %c0_i32 = arith.constant 0 : i32
    %c0_i32_0 = arith.constant 0 : i32
    %c0_i32_1 = arith.constant 0 : i32
    return %c0_i32, %c0_i32_0 : i32, i32
  }
  func.func @transform_10(%arg0: i32) -> (i32, i32) {
    %c0_i32 = arith.constant 0 : i32
    %c0_i32_0 = arith.constant 0 : i32
    %c0_i32_1 = arith.constant 0 : i32
    return %c0_i32, %c0_i32_0 : i32, i32
  }
  func.func @transform_11(%arg0: i32) -> (i32, i32) {
    %c0_i32 = arith.constant 0 : i32
    %c0_i32_0 = arith.constant 0 : i32
    %c0_i32_1 = arith.constant 0 : i32
    return %c0_i32, %c0_i32_0 : i32, i32
  }
  func.func @transform_12(%arg0: i32) -> (i32, i32) {
    %c0_i32 = arith.constant 0 : i32
    %c0_i32_0 = arith.constant 0 : i32
    %c0_i32_1 = arith.constant 0 : i32
    return %c0_i32, %c0_i32_0 : i32, i32
  }
  func.func @transform_13(%arg0: i32) -> (i32, i32) {
    %c0_i32 = arith.constant 0 : i32
    %c0_i32_0 = arith.constant 0 : i32
    %c0_i32_1 = arith.constant 0 : i32
    return %c0_i32, %c0_i32_0 : i32, i32
  }
}

</mosaic_0001>

<sc_bundles>
// kernel: kernel.11.cloned.1.call-start
scs
__scs_entry_jumppad:
0x0: {  	(pc) =	sbr.rel $0x88, $3  }
0x1: {  	(tag) =	ssettag $0x0;
	lr =	simm.s32 $0x1  }
0x2: {  	[smem:$0x3F93] =	sst lr;
	_ =	strace $0xD0000000  }
0x3: {  	_ = 	snop  }
0x4: {  	_ = 	snop  }
0x5: {  	_ = 	snop  }
0x6: {  	_ = 	snop  }
0x7: {  	_ = 	snop  }
__scs_overlays_trampoline_lowered:
0x8: {  	[smem:$0x3FA2] =	sst s0  }
0x9: {  	[smem:$0x3FA3] =	sst s1  }
0xa: {  	[smem:$0x3FA4] =	sst s2  }
0xb: {  	[smem:$0x3FA5] =	sst s3  }
0xc: {  	[smem:$0x3FA6] =	sst s4  }
0xd: {  	[smem:$0x3FA7] =	sst s5  }
0xe: {  	[smem:$0x3FA8] =	sst s6  }
0xf: {  	[smem:$0x3FA9] =	sst s7  }
0x10: {  	[smem:$0x3FAA] =	sst s8  }
0x11: {  	[smem:$0x3FAB] =	sst s9;
	s0 =	simm.s32 @!p0 $0x0  }
0x12: {  	s1 =	sld [smem:$0x3F91];
	s0 =	simm.s32 @p0 $0x1  }
0x13: {  	[smem:$0x3FAC] =	sst s0;
	s0 =	simm.s32 @!p1 $0x0  }
0x14: {  	s2 =	sld [smem:$0x3F90];
	s0 =	simm.s32 @p1 $0x1  }
0x15: {  	[smem:$0x3FAD] =	sst s0;
	s0 =	simm.s32 @!p2 $0x0  }
0x16: {  	s3 =	sld [smem:$0x3FDB];
	s0 =	simm.s32 @p2 $0x1  }
0x17: {  	s4 =	simm.s32 $0x1BF5;
	[smem:$0x3FAF] =	sst s0  }
0x18: {  	s0 =	sld [smem:$0x3F92];
	_ =	swait.ge [sflag:s4], $0x0  }
0x19: {  	s7 =	sld [smem:$0x3F93]  }
0x1a: {  	s8 =	sadd.s32 $0xFFFFE003, lr  }
0x1b: {  	s9 =	sadd.s32 $0xFFFFFEF7, lr;
	s5 =	simm.s32 $0xFFFFFFFF;
	p2 =	slt.u32 s8, $0xFFFFF086  }
0x1c: {  	p1 =	slt.u32 s9, $0xF7A;
	s5 =	simm.s32 @!p2 $0x0  }
0x1d: {  	s5 =	simm.s32 @p1 $0x1;
	p0 =	seq.s32 s7, s2  }
0x1e: {  	s7 =	smul.u32 @!p0 $0xF7A, s2;
	p2 =	seq.s32 @!p0 s5, $0x0  }
0x1f: {  	s9 =	smul.u32 $0xF7A, s1;
	s8 =	simm.s32 @!p0 $0x1BF5;
	p2 =	por !p2, p0  }
0x20: {  	[sflag:s8] =	ssyncset.s32 @!p0 $0xFFFFF086;
	s6 =	sadd.s32 @!p0 s3, s7;
	s7 =	simm.s32 @!p0 $0x108  }
0x21: {  	s3 =	sadd.s32 s3, s9;
	s6 =	sadd.s32 @!p0 $0x88, s6;
	s7 =	simm.s32 @p2 $0x1082  }
0x22: {  	[simem:s7], [sflag:s8] =	dma.local @!p0 [hbm:s6], $0xF7A  }
0x23: {  	s9 =	sor.u32 $0xD0000000, s2;
	s6 =	simm.s32 $0x108;
	_ =	swait.ge @!p0 [sflag:s8], $0x0  }
0x24: {  	s3 =	sadd.s32 $0x88, s3;
	s6 =	simm.s32 @!p1 $0x1082;
	[sflag:s4] =	ssyncset.s32 $0xFFFFF086  }
0x25: {  	[simem:s6], [sflag:s4] =	dma.local [hbm:s3], $0xF7A  }
0x26: {  	[smem:$0x3F93] =	sst s1;
	(tag) =	ssettag s2;
	_ =	strace s9  }
0x27: {  	s1 =	sld [smem:$0x3FA3]  }
0x28: {  	s2 =	sld [smem:$0x3FA4]  }
0x29: {  	s4 =	sld [smem:$0x3FA6]  }
0x2a: {  	p0 =	seq.s32 s5, $0x0;
	s5 =	sld [smem:$0x3FA7]  }
0x2b: {  	s6 =	sld [smem:$0x3FA8]  }
0x2c: {  	s7 =	sld [smem:$0x3FA9]  }
0x2d: {  	s3 =	simm.s32 $0x108;
	s8 =	sld [smem:$0x3FAA]  }
0x2e: {  	s3 =	simm.s32 @!p0 $0x1082;
	s9 =	sld [smem:$0x3FAB]  }
0x2f: {  	lr =	sadd.s32 s0, s3;
	s0 =	sld [smem:$0x3FA2]  }
0x30: {  	s3 =	sld [smem:$0x3FA5]  }
0x31: {  	[smem:$0x3FAE] =	sst s10  }
0x32: {  	s10 =	sld [smem:$0x3FAC];
	_ =	sdelay $0x3  }
0x33: {  	p0 =	seq.s32 s10, $0x1;
	s10 =	sld [smem:$0x3FAE];
	_ =	sdelay $0x3  }
0x34: {  	[smem:$0x3FAE] =	sst s10  }
0x35: {  	s10 =	sld [smem:$0x3FAD];
	_ =	sdelay $0x3  }
0x36: {  	p1 =	seq.s32 s10, $0x1;
	s10 =	sld [smem:$0x3FAE];
	_ =	sdelay $0x3  }
0x37: {  	[smem:$0x3FAE] =	sst s10  }
0x38: {  	s10 =	sld [smem:$0x3FAF]  }
0x39: {  	_ = 	snop;
	(pc) =	sbr.ind lr, $3  }
0x3a: {  	_ = 	snop  }
0x3b: {  	_ = 	snop  }
0x3c: {  	p2 =	seq.s32 s10, $0x1;
	s10 =	sld [smem:$0x3FAE]  }
0x3d: {  	_ =	shalt  }
0x3e: {  	_ =	shalt  }
0x3f: {  	_ =	shalt  }
0x40: {  	_ =	shalt  }
0x41: {  	_ =	shalt  }
0x42: {  	_ =	shalt  }
0x43: {  	_ =	shalt  }
0x44: {  	_ =	shalt  }
0x45: {  	_ =	shalt  }
0x46: {  	_ =	shalt  }
0x47: {  	_ =	shalt  }
0x48: {  	_ =	shalt  }
0x49: {  	_ =	shalt  }
0x4a: {  	_ =	shalt  }
0x4b: {  	_ =	shalt  }
0x4c: {  	_ =	shalt  }
0x4d: {  	_ =	shalt  }
0x4e: {  	_ =	shalt  }
0x4f: {  	_ =	shalt  }
0x50: {  	_ =	shalt  }
0x51: {  	_ =	shalt  }
0x52: {  	_ =	shalt  }
0x53: {  	_ =	shalt  }
0x54: {  	_ =	shalt  }
0x55: {  	_ =	shalt  }
0x56: {  	_ =	shalt  }
0x57: {  	_ =	shalt  }
0x58: {  	_ =	shalt  }
0x59: {  	_ =	shalt  }
0x5a: {  	_ =	shalt  }
0x5b: {  	_ =	shalt  }
0x5c: {  	_ =	shalt  }
0x5d: {  	_ =	shalt  }
0x5e: {  	_ =	shalt  }
0x5f: {  	_ =	shalt  }
0x60: {  	_ =	shalt  }
0x61: {  	_ =	shalt  }
0x62: {  	_ =	shalt  }
0x63: {  	_ =	shalt  }
0x64: {  	_ =	shalt  }
0x65: {  	_ =	shalt  }
0x66: {  	_ =	shalt  }
0x67: {  	_ =	shalt  }
0x68: {  	_ =	shalt  }
0x69: {  	_ =	shalt  }
0x6a: {  	_ =	shalt  }
0x6b: {  	_ =	shalt  }
0x6c: {  	_ =	shalt  }
0x6d: {  	_ =	shalt  }
0x6e: {  	_ =	shalt  }
0x6f: {  	_ =	shalt  }
0x70: {  	_ =	shalt  }
0x71: {  	_ =	shalt  }
0x72: {  	_ =	shalt  }
0x73: {  	_ =	shalt  }
0x74: {  	_ =	shalt  }
0x75: {  	_ =	shalt  }
0x76: {  	_ =	shalt  }
0x77: {  	_ =	shalt  }
0x78: {  	_ =	shalt  }
0x79: {  	_ =	shalt  }
0x7a: {  	_ =	shalt  }
0x7b: {  	_ =	shalt  }
0x7c: {  	_ =	shalt  }
0x7d: {  	_ =	shalt  }
0x7e: {  	_ =	shalt  }
0x7f: {  	_ =	shalt  }
0x80: {  	_ =	shalt  }
0x81: {  	_ =	shalt  }
0x82: {  	_ =	shalt  }
0x83: {  	_ =	shalt  }
0x84: {  	_ =	shalt  }
0x85: {  	_ =	shalt  }
0x86: {  	_ =	shalt  }
0x87: {  	_ =	shalt  }
.Lfunc_end0:
.L_simem_size_0:
called_computation.1_lowered:
.L_overlay_start_0:
0x88: {  	s0 =	sld [smem:$0x3FD9]  }
0x89: {  	s1 =	sld [smem:$0x3FFE];
	_ =	sdelay $0x3  }
0x8a: {  	s0 =	sadd.s32 s1, s0  }
0x8b: {  	[smem:$0x3FBA] =	sst s0  }
0x8c: {  	_ = 	snop  }
0x8d: {  	(tm) =	ssettm $0x1  }
0x8e: {  	s15 =	sld [smem:$0x3FFB];
	_ =	sdelay $0x3  }
0x8f: {  	_ =	strace s15  }
0x90: {  	s0 =	sld [smem:$0x3FFC];
	_ =	sdelay $0x3  }
0x91: {  	_ =	strace s0  }
0x92: {  	s0 =	sld [smem:$0x3FFD];
	_ =	sdelay $0x3  }
0x93: {  	_ =	strace s0  }
0x94: {  	_ =	strace $0x8FFFFFFF  }
0x95: {  	s16 =	sld [smem:$0x3FDB];
	_ =	sdelay $0x1  }
0x96: {  	s17 =	simm.s32 $_scs_section_size  }
0x97: {  	s2 =	simm.s32 $_size__tile_overlayer_lowered;
	s3 =	simm.s32 $_tile_overlayer_lowered  }
0x98: {  	s20 =	simm.s32 $0x1BFF;
	s19 =	sshll.u32 s3, $0x1;
	s0 =	sadd.s32 s17, s16  }
0x99: {  	s4 =	simm.s32 $0x0;
	s18 =	sshll.u32 s2, $0x1;
	s2 =	sadd.s32 s19, s0  }
0x9a: {  	[timem:s4], [sflag:s20] =	dma.local [hbm:s2], s18  }
0x9b: {  	_ =	swait.ge [sflag:s20], s18  }
0x9c: {  	s1 =	ssub.s32 $0x0, s18;
	[sflag:s20] =	ssyncset.done $0x0  }
0x9d: {  	[sflag:s20] =	ssyncadd.s32 s1;
	_ =	sdelay $0x1  }
0x9e: {  	s21 =	simm.s32 $0x1B8B  }
0x9f: {  	_ =	swait.ge [sflag:s21], $0x1  }
0xa0: {  	[sflag:s21] =	ssyncset.done $0x0  }
0xa1: {  	s23 =	simm.s32 $0x1B8E;
	s22 =	sld [smem:$0x3FFE];
	[sflag:s21] =	ssyncadd.s32 $0xFFFFFFFF  }
0xa2: {  	s24 =	simm.s32 $execute0_lowered;
	[smem:$0x3FD2] =	sst s23  }
0xa3: {  	s2 =	sshll.u32 s24, $0x1;
	_ =	strace $0x80000049;
	[dreg:$0x1] =	wrdreg $0xFFFFFFFF  }
0xa4: {  	s25 =	simm.s32 $_size_execute0_lowered;
	s0 =	sadd.s32 s0, s2;
	[dreg:$0x0] =	wrdreg $0x0  }
0xa5: {  	s2 =	sshll.u32 s25, $0x1;
	[dreg:$0x2] =	wrdreg s0  }
0xa6: {  	[dreg:$0x3] =	wrdreg s2  }
0xa7: {  	[dreg:$0x4] =	wrdreg $0xC0  }
0xa8: {  	_ =	task [dreg:s4], $0x5FFFF  }
0xa9: {  	[dreg:$0x1] =	wrdreg $0xFFFFFFFF  }
0xaa: {  	[dreg:$0x0] =	wrdreg $0x60  }
0xab: {  	[dreg:$0x2] =	wrdreg s22  }
0xac: {  	[dreg:$0x3] =	wrdreg $0x84000  }
0xad: {  	[dreg:$0x4] =	wrdreg $0x9  }
0xae: {  	_ =	task.clear_ibuf [dreg:s4], $0x5FFFF;
	_ =	strace $0x90000049  }
0xaf: {  	s26 =	simm.s32 $0x9;
	_ =	strace $0x8000004B  }
0xb0: {  	_ =	swait.ge [sflag:s26], $0x1  }
0xb1: {  	[sflag:s26] =	ssyncadd.s32 $0xFFFFFFFF  }
0xb2: {  	_ =	strace $0x9000004B  }
0xb3: {  	_ =	sfence  }
0xb4: {  	s28 =	sld [smem:$0x0];
	_ =	sdelay $0x1  }
0xb5: {  	s29 =	srdreg.scid  }
0xb6: {  	s30 =	sshll.u32 s29, $0xD;
	s31 =	sshrl.u32 s29, $0x2  }
0xb7: {  	s1 =	sand.u32 $0x1, s29;
	s2 =	sand.u32 $0x4000, s30;
	s0 =	sadd.s32 s31, s28  }
0xb8: {  	s1 =	sor.u32 s2, s1;
	s0 =	sshll.u32 s0, $0x11  }
0xb9: {  	s0 =	sor.u32 s0, s1  }
0xba: {  	s0 =	sadd.s32 $0x8F2B, s0  }
0xbb: {  	[sflag:s0] =	ssyncadd.remote.s32 $0x1  }
0xbc: {  	_ =	sfence.sel $0xFFFF  }
0xbd: {  	[dreg:$0x0] =	wrdreg $0xFFFFFFFF;
	(pc) =	sbr.abs _section_cstart, $3  }
0xbe: {  	[dreg:$0x1] =	wrdreg $0xFFFFFFFF  }
0xbf: {  	_ =	task.clear_ibuf [dreg:s4], $0x2FFFF;
	_ =	strace $0x9FFFFFFF  }
0xc0: {  	(tm) =	ssettm $0x7FFFFFFF  }
0xc1: {  	_ =	shalt  }
tec
execute0_lowered:
.L_overlay_start_1:
0x0: {  	(tag) =	ssettag $0x1  }
0x1: {  	s25 =	rddreg [dreg:$0x0];
	s0 =	stileid.u32  }
0x2: {  	s3 =	rddreg [dreg:$0x1];
	s6 =	simm.s32 $0x0;
	s4 =	smul.u32 $0x4F000, s0  }
0x3: {  	[smem:$0x7FF] =	sst s6;
	s1 =	smul.u32 $0x2780, s0  }
0x4: {  	s20 =	sshll.u32 s0, $0x6;
	_ =	strace $0x8000004A;
	s4 =	sshrl.u32 s4, $0x2  }
0x5: {  	s21 =	sor.u32 $0x1C07, s20;
	[dreg:$0x3] =	wrdreg s1;
	s7 =	sadd.s32 s4, s3  }
0x6: {  	s5 =	sadd.s32 s1, s25;
	[dreg:$0x4] =	wrdreg s21;
	s2 =	sshrl.u32 s7, $0x3  }
0x7: {  	s9 =	simm.s32 $0x7;
	s8 =	sadd.s32 $0x57600, s5;
	[dreg:$0x5] =	wrdreg s2  }
0x8: {  	[spmem:s2], [sflag:s21] =	dma.local [hbm:s8], $0x2780  }
0x9: {  	_ =	swait.ge [sflag:s9], $0x2780  }
0xa: {  	s7 =	smul.u32 $0xA00, s0;
	[sflag:s9] =	ssyncset.done $0x0  }
0xb: {  	s8 =	sadd.s32 $0x25E00, s25;
	[sflag:s9] =	ssyncadd.s32 $0xFFFFD880  }
0xc: {  	s10 =	sadd.s32 s8, s7;
	s9 =	sadd.s32 $0xCE00, s25;
	[bflag:$0x0] =	sbarrier.arrive $0xFFFF  }
0xd: {  	[tilespmem:s6], [sflag:$0x1] =	stream.linear.gather [hbm4b:s10+s6], $0x80, $0x38;
	[tilespmem:$0x1C000] =	vst v63  }
0xe: {  	s11 =	simm.s32 $0x200;
	s12 =	sor.u32 $0x10, s7;
	s22 =	sadd.s32 s9, s7  }
0xf: {  	[tilespmem:s11], [sflag:$0x1] =	stream.linear.gather [hbm4b:s22+s6], $0x80, $0x38;
	[tilespmem:$0x1C000] =	vst v63  }
0x10: {  	s13 =	sadd.s32 s8, s12;
	s10 =	simm.s32 $0x80  }
0x11: {  	[tilespmem:s10], [sflag:$0x2] =	stream.linear.gather [hbm4b:s13+s6], $0x80, $0x38;
	[tilespmem:$0x1C000] =	vst v63  }
0x12: {  	s23 =	sadd.s32 s9, s12;
	s12 =	simm.s32 $0x280;
	s13 =	simm.s32 $0x1  }
0x13: {  	[tilespmem:s12], [sflag:$0x2] =	stream.linear.gather [hbm4b:s23+s6], $0x80, $0x38;
	[tilespmem:$0x1C000] =	vst v63  }
0x14: {  	_ =	swait.ge [sflag:s13], $0x80  }
0x15: {  	[sflag:s13] =	ssyncset.done $0x0  }
0x16: {  	[sflag:s13] =	ssyncadd.s32 $0xFFFFFF80  }
0x17: {  	_ =	swait.ge [sflag:s13], $0x80  }
0x18: {  	s15 =	simm.s32 $0x400;
	[sflag:s13] =	ssyncset.done $0x0  }
0x19: {  	s14 =	sadd.s32 $0x2FE00, s25;
	s17 =	sor.u32 $0x20, s7;
	[sflag:s13] =	ssyncadd.s32 $0xFFFFFF80  }
0x1a: {  	[tilespmem:s15], [sflag:$0x3] =	stream.indirect.gather [hbm4b:s14+s10], $0x80, s6, s10, $0xb8;
	[tilespmem:$0x1C000] =	vst v63  }
0x1b: {  	s16 =	simm.s32 $0x100;
	s18 =	sadd.s32 s8, s17  }
0x1c: {  	[tilespmem:s16], [sflag:$0x1] =	stream.linear.gather [hbm4b:s18+s6], $0x80, $0x38;
	[tilespmem:$0x1C000] =	vst v63  }
0x1d: {  	s24 =	simm.s32 $0x300;
	s17 =	sadd.s32 s9, s17  }
0x1e: {  	[tilespmem:s24], [sflag:$0x1] =	stream.linear.gather [hbm4b:s17+s6], $0x80, $0x38;
	[tilespmem:$0x1C000] =	vst v63  }
0x1f: {  	s17 =	simm.s32 $0x2  }
0x20: {  	_ =	swait.ge [sflag:s17], $0x80  }
0x21: {  	[sflag:s17] =	ssyncset.done $0x0  }
0x22: {  	[sflag:s17] =	ssyncadd.s32 $0xFFFFFF80  }
0x23: {  	_ =	swait.ge [sflag:s17], $0x80  }
0x24: {  	p0 =	por $0x1, $0x1;
	[sflag:s17] =	ssyncset.done $0x0  }
0x25: {  	s19 =	simm.s32 @!p0 $0x6;
	s26 =	sadd.s32 $0x0, s7;
	[sflag:s17] =	ssyncadd.s32 $0xFFFFFF80  }
0x26: {  	s20 =	sand.u32 $0x40, s6;
	s18 =	sand.u32 $0x1FF80, s26;
	_ =	swait.ge @!p0 [sflag:s19], $0x4000  }
0x27: {  	s20 =	sor.u32 s18, s20;
	[sflag:s19] =	ssyncset.done @!p0 $0x0  }
0x28: {  	s18 =	simm.s32 $0x4400;
	s22 =	sor.u32 $0x30, s20;
	[sflag:s19] =	ssyncadd.s32 @!p0 $0xFFFFC000  }
0x29: {  	[tilespmem:s18], [sflag:$0x4] =	stream.indirect.gather [hbm4b:s14+s10], $0x80, s10, s10, $0xb8;
	[tilespmem:$0x1C000] =	vst v63  }
0x2a: {  	s20 =	simm.s32 $0x180;
	s30 =	sadd.s32 s8, s22  }
0x2b: {  	[tilespmem:s20], [sflag:$0x2] =	stream.linear.gather [hbm4b:s30+s6], $0x80, $0x38;
	[tilespmem:$0x1C000] =	vst v63  }
0x2c: {  	s21 =	simm.s32 $0x3;
	s22 =	sadd.s32 s9, s22;
	s19 =	simm.s32 $0x380  }
0x2d: {  	[tilespmem:s19], [sflag:$0x2] =	stream.linear.gather [hbm4b:s22+s6], $0x80, $0x38;
	[tilespmem:$0x1C000] =	vst v63  }
0x2e: {  	_ =	swait.ge [sflag:s21], $0x4000  }
0x2f: {  	[sflag:s21] =	ssyncset.done $0x0  }
0x30: {  	[sflag:s21] =	ssyncadd.s32 $0xFFFFC000  }
0x31: {  	[spmem:s3] =	stream.indirect.scatter.add.f32 [tilespmem:s15], [sflag:$0x5], $0x80, s11, s10, $0xb8;
	[tilespmem:$0x1C000] =	vst v63  }
0x32: {  	_ =	swait.ge [sflag:s13], $0x80  }
0x33: {  	[sflag:s13] =	ssyncset.done $0x0  }
0x34: {  	[sflag:s13] =	ssyncadd.s32 $0xFFFFFF80  }
0x35: {  	_ =	swait.ge [sflag:s13], $0x80  }
0x36: {  	p0 =	por $0x0, $0x0;
	[sflag:s13] =	ssyncset.done $0x0  }
0x37: {  	s28 =	sadd.s32 @!p0 $0x0, s7;
	s22 =	simm.s32 $0x5;
	[sflag:s13] =	ssyncadd.s32 $0xFFFFFF80  }
0x38: {  	s24 =	sxor.u32 @!p0 $0xFFFFFFFF, s6;
	s23 =	sadd.s32 @!p0 $0x40, s28;
	_ =	swait.ge [sflag:s22], $0x4000  }
0x39: {  	s24 =	sand.u32 @!p0 $0x40, s24;
	s23 =	sand.u32 @!p0 $0x1FF80, s23;
	[sflag:s22] =	ssyncset.done $0x0  }
0x3a: {  	s23 =	sor.u32 @!p0 s24, s23;
	[sflag:s22] =	ssyncadd.s32 $0xFFFFC000  }
0x3b: {  	[tilespmem:s15], [sflag:$0x3] =	stream.indirect.gather [hbm4b:s14+s10], $0x80, s16, s10, $0xb8;
	[tilespmem:$0x1C000] =	vst v63  }
0x3c: {  	s26 =	simm.s32 @!p0 $0x0;
	s24 =	sadd.s32 @!p0 s8, s23  }
0x3d: {  	[tilespmem:s26], [sflag:$0x1] =	stream.linear.gather @!p0 [hbm4b:s24+s26], $0x80, $0x38;
	[tilespmem:$0x1C000] =	vst v63  }
0x3e: {  	s23 =	sadd.s32 @!p0 s9, s23;
	s24 =	simm.s32 @!p0 $0x200  }
0x3f: {  	[tilespmem:s24], [sflag:$0x1] =	stream.linear.gather @!p0 [hbm4b:s23+s26], $0x80, $0x38;
	[tilespmem:$0x1C000] =	vst v63  }
0x40: {  	s23 =	simm.s32 $0x4  }
0x41: {  	_ =	swait.ge [sflag:s23], $0x4000  }
0x42: {  	[sflag:s23] =	ssyncset.done $0x0  }
0x43: {  	[sflag:s23] =	ssyncadd.s32 $0xFFFFC000  }
0x44: {  	[spmem:s3] =	stream.indirect.scatter.add.f32 [tilespmem:s18], [sflag:$0x6], $0x80, s12, s10, $0xb8;
	[tilespmem:$0x1C000] =	vst v63  }
0x45: {  	_ =	swait.ge [sflag:s17], $0x80  }
0x46: {  	[sflag:s17] =	ssyncset.done $0x0  }
0x47: {  	[sflag:s17] =	ssyncadd.s32 $0xFFFFFF80  }
0x48: {  	_ =	swait.ge [sflag:s17], $0x80  }
0x49: {  	[sflag:s17] =	ssyncset.done $0x0  }
0x4a: {  	s24 =	simm.s32 $0x6;
	[sflag:s17] =	ssyncadd.s32 $0xFFFFFF80  }
0x4b: {  	_ =	swait.ge [sflag:s24], $0x4000  }
0x4c: {  	[sflag:s24] =	ssyncset.done $0x0  }
0x4d: {  	s29 =	simm.s32 @p0 $0x3;
	[sflag:s24] =	ssyncadd.s32 $0xFFFFC000  }
0x4e: {  	[tilespmem:s18], [sflag:$0x4] =	stream.indirect.gather [hbm4b:s14+s10], $0x80, s20, s10, $0xb8;
	[tilespmem:$0x1C000] =	vst v63  }
0x4f: {  	_ =	swait.ge @p0 [sflag:s29], $0x4000  }
0x50: {  	s31 =	simm.s32 @p0 $0x300;
	[sflag:s29] =	ssyncset.done @p0 $0x0  }
0x51: {  	s30 =	simm.s32 @p0 $0x80;
	[sflag:s29] =	ssyncadd.s32 @p0 $0xFFFFC000;
	s29 =	simm.s32 @p0 $0x400  }
0x52: {  	[spmem:s3] =	stream.indirect.scatter.add.f32 @p0 [tilespmem:s29], [sflag:$0x5], $0x80, s31, s30, $0xb8;
	[tilespmem:$0x1C000] =	vst v63  }
0x53: {  	s29 =	sadd.s32 @!p0 $0x50, s28;
	s30 =	simm.s32 @!p0 $0x50  }
0x54: {  	s29 =	sand.u32 @!p0 $0x1FF80, s29;
	s30 =	sand.u32 @!p0 $0x50, s30  }
0x55: {  	s29 =	sor.u32 @!p0 s30, s29  }
0x56: {  	s0 =	simm.s32 @!p0 $0x80;
	s30 =	sadd.s32 @!p0 s8, s29  }
0x57: {  	[tilespmem:s0], [sflag:$0x2] =	stream.linear.gather @!p0 [hbm4b:s30+s26], $0x80, $0x38;
	[tilespmem:$0x1C000] =	vst v63  }
0x58: {  	s29 =	sadd.s32 @!p0 s9, s29;
	s30 =	simm.s32 @!p0 $0x280  }
0x59: {  	[tilespmem:s30], [sflag:$0x2] =	stream.linear.gather @!p0 [hbm4b:s29+s26], $0x80, $0x38;
	[tilespmem:$0x1C000] =	vst v63  }
0x5a: {  	s29 =	simm.s32 @!p0 $0x3  }
0x5b: {  	_ =	swait.ge @!p0 [sflag:s29], $0x4000  }
0x5c: {  	s31 =	simm.s32 @!p0 $0x300;
	[sflag:s29] =	ssyncset.done @!p0 $0x0  }
0x5d: {  	s30 =	simm.s32 @!p0 $0x1;
	[sflag:s29] =	ssyncadd.s32 @!p0 $0xFFFFC000;
	s29 =	simm.s32 @!p0 $0x400  }
0x5e: {  	[spmem:s3] =	stream.indirect.scatter.add.f32 @!p0 [tilespmem:s29], [sflag:$0x5], $0x80, s31, s0, $0xb8;
	[tilespmem:$0x1C000] =	vst v63  }
0x5f: {  	_ =	swait.ge @!p0 [sflag:s30], $0x80  }
0x60: {  	[sflag:s30] =	ssyncset.done @!p0 $0x0  }
0x61: {  	[sflag:s30] =	ssyncadd.s32 @!p0 $0xFFFFFF80  }
0x62: {  	_ =	swait.ge @!p0 [sflag:s30], $0x80  }
0x63: {  	[sflag:s30] =	ssyncset.done @!p0 $0x0  }
0x64: {  	[sflag:s30] =	ssyncadd.s32 @!p0 $0xFFFFFF80;
	s30 =	simm.s32 @!p0 $0x5  }
0x65: {  	_ =	swait.ge @!p0 [sflag:s30], $0x4000  }
0x66: {  	[sflag:s30] =	ssyncset.done @!p0 $0x0  }
0x67: {  	[sflag:s30] =	ssyncadd.s32 @!p0 $0xFFFFC000  }
0x68: {  	[tilespmem:s29], [sflag:$0x3] =	stream.indirect.gather @!p0 [hbm4b:s14+s0], $0x80, s26, s0, $0xb8;
	[tilespmem:$0x1C000] =	vst v63  }
0x69: {  	s0 =	sadd.s32 @!p0 $0x60, s28;
	s28 =	simm.s32 @!p0 $0x60  }
0x6a: {  	s28 =	sand.u32 @!p0 $0x60, s28;
	s0 =	sand.u32 @!p0 $0x1FF80, s0  }
0x6b: {  	s0 =	sor.u32 @!p0 s28, s0  }
0x6c: {  	s29 =	simm.s32 @!p0 $0x100;
	s28 =	sadd.s32 @!p0 s8, s0  }
0x6d: {  	[tilespmem:s29], [sflag:$0x1] =	stream.linear.gather @!p0 [hbm4b:s28+s26], $0x80, $0x38;
	[tilespmem:$0x1C000] =	vst v63  }
0x6e: {  	s25 =	sadd.s32 $0x7EE00, s25;
	s29 =	sadd.s32 @!p0 s9, s0;
	s28 =	simm.s32 $0x40  }
.LBB2_1:
0x6f: {  	[tilespmem:s31], [sflag:$0x1] =	stream.linear.gather @!p0 [hbm4b:s29+s26], $0x80, $0x38;
	[tilespmem:$0x1C000] =	vst v63  }
0x70: {  	s29 =	smov.u32 s28;
	s28 =	sadd.s32 $0x40, s28;
	_ =	swait.ge [sflag:s23], $0x4000  }
0x71: {  	p1 =	sne.s32 s28, $0xA00;
	[sflag:s23] =	ssyncset.done $0x0  }
0x72: {  	[sflag:s23] =	ssyncadd.s32 $0xFFFFC000  }
0x73: {  	[spmem:s3] =	stream.indirect.scatter.add.f32 [tilespmem:s18], [sflag:$0x6], $0x80, s19, s10, $0xb8;
	[tilespmem:$0x1C000] =	vst v63  }
0x74: {  	_ =	swait.ge [sflag:s17], $0x80  }
0x75: {  	p0 =	seq.s32 s29, $0x0;
	[sflag:s17] =	ssyncset.done $0x0  }
0x76: {  	s0 =	simm.s32 @!p0 $0x6;
	[sflag:s17] =	ssyncadd.s32 $0xFFFFFF80  }
0x77: {  	s26 =	sadd.s32 s29, s7;
	_ =	swait.ge [sflag:s17], $0x80  }
0x78: {  	s30 =	sand.u32 $0x40, s29;
	s26 =	sand.u32 $0x1FF80, s26;
	[sflag:s17] =	ssyncset.done $0x0  }
0x79: {  	s26 =	sor.u32 s26, s30;
	[sflag:s17] =	ssyncadd.s32 $0xFFFFFF80  }
0x7a: {  	s26 =	sor.u32 $0x30, s26;
	_ =	swait.ge @!p0 [sflag:s0], $0x4000  }
0x7b: {  	[sflag:s0] =	ssyncset.done @!p0 $0x0  }
0x7c: {  	[sflag:s0] =	ssyncadd.s32 @!p0 $0xFFFFC000;
	s0 =	sadd.s32 s8, s26;
	s26 =	sadd.s32 s9, s26  }
0x7d: {  	[tilespmem:s18], [sflag:$0x4] =	stream.indirect.gather [hbm4b:s14+s10], $0x80, s10, s10, $0xb8;
	[tilespmem:$0x1C000] =	vst v63  }
0x7e: {  	_ = 	snop  }
0x7f: {  	[tilespmem:s20], [sflag:$0x2] =	stream.linear.gather [hbm4b:s0+s6], $0x80, $0x38;
	[tilespmem:$0x1C000] =	vst v63  }
0x80: {  	_ = 	snop  }
0x81: {  	[tilespmem:s19], [sflag:$0x2] =	stream.linear.gather [hbm4b:s26+s6], $0x80, $0x38;
	[tilespmem:$0x1C000] =	vst v63  }
0x82: {  	_ =	swait.ge [sflag:s21], $0x4000  }
0x83: {  	[sflag:s21] =	ssyncset.done $0x0  }
0x84: {  	[sflag:s21] =	ssyncadd.s32 $0xFFFFC000  }
0x85: {  	[spmem:s3] =	stream.indirect.scatter.add.f32 [tilespmem:s15], [sflag:$0x5], $0x80, s11, s10, $0xb8;
	[tilespmem:$0x1C000] =	vst v63  }
0x86: {  	_ =	swait.ge [sflag:s13], $0x80  }
0x87: {  	[sflag:s13] =	ssyncset.done $0x0  }
0x88: {  	p0 =	seq.s32 s29, $0x9C0;
	[sflag:s13] =	ssyncadd.s32 $0xFFFFFF80  }
0x89: {  	s0 =	sadd.s32 @!p0 s29, s7;
	s26 =	simm.s32 @!p0 $0x0;
	_ =	swait.ge [sflag:s13], $0x80  }
0x8a: {  	s31 =	sxor.u32 @!p0 $0xFFFFFFFF, s29;
	s30 =	sadd.s32 @!p0 $0x40, s0;
	[sflag:s13] =	ssyncset.done $0x0  }
0x8b: {  	s1 =	sadd.s32 @!p0 $0x50, s0;
	s30 =	sand.u32 @!p0 $0x1FF80, s30;
	[sflag:s13] =	ssyncadd.s32 $0xFFFFFF80  }
0x8c: {  	s2 =	sadd.s32 @!p0 $0x60, s29;
	s31 =	sand.u32 @!p0 $0x40, s31;
	_ =	swait.ge [sflag:s22], $0x4000  }
0x8d: {  	s2 =	sand.u32 @!p0 $0x60, s2;
	s30 =	sor.u32 @!p0 s31, s30;
	[sflag:s22] =	ssyncset.done $0x0  }
0x8e: {  	s31 =	sadd.s32 @!p0 s8, s30;
	s30 =	sadd.s32 @!p0 s9, s30;
	[sflag:s22] =	ssyncadd.s32 $0xFFFFC000  }
0x8f: {  	[tilespmem:s15], [sflag:$0x3] =	stream.indirect.gather [hbm4b:s14+s10], $0x80, s16, s10, $0xb8;
	[tilespmem:$0x1C000] =	vst v63  }
0x90: {  	s29 =	sadd.s32 @!p0 $0x50, s29;
	s0 =	sadd.s32 @!p0 $0x60, s0;
	s1 =	sand.u32 @!p0 $0x1FF80, s1  }
0x91: {  	[tilespmem:s26], [sflag:$0x1] =	stream.linear.gather @!p0 [hbm4b:s31+s26], $0x80, $0x38;
	[tilespmem:$0x1C000] =	vst v63  }
0x92: {  	s29 =	sand.u32 @!p0 $0x50, s29;
	s0 =	sand.u32 @!p0 $0x1FF80, s0;
	s31 =	simm.s32 @!p0 $0x200  }
0x93: {  	s1 =	sor.u32 @!p0 s29, s1;
	s0 =	sor.u32 @!p0 s2, s0  }
0x94: {  	[tilespmem:s31], [sflag:$0x1] =	stream.linear.gather @!p0 [hbm4b:s30+s26], $0x80, $0x38;
	[tilespmem:$0x1C000] =	vst v63  }
0x95: {  	s2 =	sadd.s32 @!p0 s8, s1;
	s1 =	sadd.s32 @!p0 s9, s1;
	_ =	swait.ge [sflag:s23], $0x4000  }
0x96: {  	s29 =	sadd.s32 @!p0 s9, s0;
	s30 =	sadd.s32 @!p0 s8, s0;
	[sflag:s23] =	ssyncset.done $0x0  }
0x97: {  	[sflag:s23] =	ssyncadd.s32 $0xFFFFC000  }
0x98: {  	[spmem:s3] =	stream.indirect.scatter.add.f32 [tilespmem:s18], [sflag:$0x6], $0x80, s12, s10, $0xb8;
	[tilespmem:$0x1C000] =	vst v63  }
0x99: {  	_ =	swait.ge [sflag:s17], $0x80  }
0x9a: {  	[sflag:s17] =	ssyncset.done $0x0  }
0x9b: {  	[sflag:s17] =	ssyncadd.s32 $0xFFFFFF80  }
0x9c: {  	_ =	swait.ge [sflag:s17], $0x80  }
0x9d: {  	[sflag:s17] =	ssyncset.done $0x0  }
0x9e: {  	s0 =	simm.s32 @p0 $0x3;
	[sflag:s17] =	ssyncadd.s32 $0xFFFFFF80  }
0x9f: {  	_ =	swait.ge [sflag:s24], $0x4000  }
0xa0: {  	[sflag:s24] =	ssyncset.done $0x0  }
0xa1: {  	s31 =	simm.s32 @p0 $0x400;
	[sflag:s24] =	ssyncadd.s32 $0xFFFFC000  }
0xa2: {  	[tilespmem:s18], [sflag:$0x4] =	stream.indirect.gather [hbm4b:s14+s10], $0x80, s20, s10, $0xb8;
	[tilespmem:$0x1C000] =	vst v63  }
0xa3: {  	_ =	swait.ge @p0 [sflag:s0], $0x4000  }
0xa4: {  	s4 =	simm.s32 @!p0 $0x80;
	[sflag:s0] =	ssyncset.done @p0 $0x0  }
0xa5: {  	s5 =	simm.s32 @p0 $0x300;
	[sflag:s0] =	ssyncadd.s32 @p0 $0xFFFFC000;
	s0 =	simm.s32 @p0 $0x80  }
0xa6: {  	[spmem:s3] =	stream.indirect.scatter.add.f32 @p0 [tilespmem:s31], [sflag:$0x5], $0x80, s5, s0, $0xb8;
	[tilespmem:$0x1C000] =	vst v63  }
0xa7: {  	_ = 	snop  }
0xa8: {  	[tilespmem:s4], [sflag:$0x2] =	stream.linear.gather @!p0 [hbm4b:s2+s26], $0x80, $0x38;
	[tilespmem:$0x1C000] =	vst v63  }
0xa9: {  	s0 =	simm.s32 @!p0 $0x280;
	s5 =	simm.s32 @!p0 $0x1;
	s2 =	simm.s32 @!p0 $0x3  }
0xaa: {  	[tilespmem:s0], [sflag:$0x2] =	stream.linear.gather @!p0 [hbm4b:s1+s26], $0x80, $0x38;
	[tilespmem:$0x1C000] =	vst v63  }
0xab: {  	_ =	swait.ge @!p0 [sflag:s2], $0x4000  }
0xac: {  	[sflag:s2] =	ssyncset.done @!p0 $0x0  }
0xad: {  	s31 =	simm.s32 @!p0 $0x300;
	s0 =	simm.s32 @!p0 $0x400;
	[sflag:s2] =	ssyncadd.s32 @!p0 $0xFFFFC000  }
0xae: {  	[spmem:s3] =	stream.indirect.scatter.add.f32 @!p0 [tilespmem:s0], [sflag:$0x5], $0x80, s31, s4, $0xb8;
	[tilespmem:$0x1C000] =	vst v63  }
0xaf: {  	_ =	swait.ge @!p0 [sflag:s5], $0x80  }
0xb0: {  	[sflag:s5] =	ssyncset.done @!p0 $0x0  }
0xb1: {  	s1 =	simm.s32 @!p0 $0x5;
	[sflag:s5] =	ssyncadd.s32 @!p0 $0xFFFFFF80  }
0xb2: {  	_ =	swait.ge @!p0 [sflag:s5], $0x80  }
0xb3: {  	[sflag:s5] =	ssyncset.done @!p0 $0x0  }
0xb4: {  	[sflag:s5] =	ssyncadd.s32 @!p0 $0xFFFFFF80  }
0xb5: {  	_ =	swait.ge @!p0 [sflag:s1], $0x4000  }
.Ltmp0:
0xb6: {  	s2 =	simm.s32 @!p0 $0x100;
	[sflag:s1] =	ssyncset.done @!p0 $0x0;
	(pc) =	sbr.rel @p1 .LBB2_1-.Ltmp0, $4  }
0xb7: {  	[sflag:s1] =	ssyncadd.s32 @!p0 $0xFFFFC000  }
0xb8: {  	[tilespmem:s0], [sflag:$0x3] =	stream.indirect.gather @!p0 [hbm4b:s14+s4], $0x80, s26, s4, $0xb8;
	[tilespmem:$0x1C000] =	vst v63  }
0xb9: {  	_ = 	snop  }
0xba: {  	[tilespmem:s2], [sflag:$0x1] =	stream.linear.gather @!p0 [hbm4b:s30+s26], $0x80, $0x38;
	[tilespmem:$0x1C000] =	vst v63  }
0xbb: {  	[tilespmem:s31], [sflag:$0x1] =	stream.linear.gather @!p0 [hbm4b:s29+s26], $0x80, $0x38;
	[tilespmem:$0x1C000] =	vst v63  }
0xbc: {  	_ =	swait.ge [sflag:s23], $0x4000  }
0xbd: {  	[sflag:s23] =	ssyncset.done $0x0  }
0xbe: {  	s0 =	simm.s32 $0x5;
	[sflag:s23] =	ssyncadd.s32 $0xFFFFC000  }
0xbf: {  	[spmem:s3] =	stream.indirect.scatter.add.f32 [tilespmem:s18], [sflag:$0x6], $0x80, s19, s10, $0xb8;
	[tilespmem:$0x1C000] =	vst v63  }
0xc0: {  	_ =	swait.ge [sflag:s0], $0x4000  }
0xc1: {  	[sflag:s0] =	ssyncset.done $0x0  }
0xc2: {  	s28 =	simm.s32 $0x6;
	[sflag:s0] =	ssyncadd.s32 $0xFFFFC000  }
0xc3: {  	_ =	swait.ge [sflag:s28], $0x4000  }
0xc4: {  	[sflag:s28] =	ssyncset.done $0x0  }
0xc5: {  	[sflag:s28] =	ssyncadd.s32 $0xFFFFC000  }
0xc6: {  	s29 =	rddreg [dreg:$0x3];
	[bflag:$0x0] =	sbarrier.arrive $0xFFFF  }
0xc7: {  	s1 =	rddreg [dreg:$0x4]  }
0xc8: {  	s30 =	simm.s32 $0x7;
	s0 =	sadd.s32 s25, s29;
	s2 =	rddreg [dreg:$0x5]  }
0xc9: {  	[hbm:s0], [sflag:s1] =	dma.local [spmem:s2], $0x2780  }
0xca: {  	_ =	swait.ge [sflag:s30], $0x2780  }
0xcb: {  	[sflag:s30] =	ssyncset.done $0x0  }
0xcc: {  	[sflag:s30] =	ssyncadd.s32 $0xFFFFD880  }
0xcd: {  	_ =	sfence.sel $0x180000  }
0xce: {  	[bflag:$0x0] =	sbarrier.arrive $0xFFFF  }
0xcf: {  	_ =	strace $0x9000004A  }
0xd0: {  	s31 =	stileid.u32;
	[bflag:$0x2] =	sbarrier.arrive $0xFFFF  }
0xd1: {  	p0 =	sne.s32 s31, $0x0;
	s0 =	rddreg [dreg:$0x2]  }
0xd2: {  	s0 =	sadd.s32 @!p0 $0x100000, s0  }
0xd3: {  	[sflag:s0] =	ssyncadd.tile.s32 @!p0 $0x1;
	_ =	shalt  }
.Lfunc_end2:
_tile_overlayer_lowered:
.L_overlay_start_2:
0xd4: {  	(tag) =	ssettag $0x2  }
0xd5: {  	s0 =	rddreg [dreg:$0x0];
	s2 =	stileid.u32  }
0xd6: {  	s1 =	rddreg [dreg:$0x1];
	p0 =	sne.s32 s2, $0x0  }
0xd7: {  	s3 =	rddreg [dreg:$0x2];
	[bflag:$0x3] =	sbarrier.arrive $0xFFFF;
	s2 =	simm.s32 @!p0 $0x1C07  }
0xd8: {  	[timem:s3], [sflag:s2] =	dma.local @!p0 [hbm:s0], s1  }
0xd9: {  	s0 =	simm.s32 @!p0 $0x7  }
0xda: {  	_ =	swait.ge @!p0 [sflag:s0], s1  }
0xdb: {  	s1 =	ssub.s32 @!p0 $0x0, s1;
	[sflag:s0] =	ssyncset.done @!p0 $0x0  }
0xdc: {  	[sflag:s0] =	ssyncadd.s32 @!p0 s1  }
0xdd: {  	[bflag:$0x3] =	sbarrier.arrive $0xFFFF  }
0xde: {  	_ =	shalt  }

// kernel: kernel.14.cloned.1.call-start
scs
__scs_entry_jumppad:
0x0: {  	(pc) =	sbr.rel $0x88, $3  }
0x1: {  	(tag) =	ssettag $0x0;
	lr =	simm.s32 $0x1  }
0x2: {  	[smem:$0x3F93] =	sst lr;
	_ =	strace $0xD0000000  }
0x3: {  	_ = 	snop  }
0x4: {  	_ = 	snop  }
0x5: {  	_ = 	snop  }
0x6: {  	_ = 	snop  }
0x7: {  	_ = 	snop  }
__scs_overlays_trampoline_lowered:
0x8: {  	[smem:$0x3FA2] =	sst s0  }
0x9: {  	[smem:$0x3FA3] =	sst s1  }
0xa: {  	[smem:$0x3FA4] =	sst s2  }
0xb: {  	[smem:$0x3FA5] =	sst s3  }
0xc: {  	[smem:$0x3FA6] =	sst s4  }
0xd: {  	[smem:$0x3FA7] =	sst s5  }
0xe: {  	[smem:$0x3FA8] =	sst s6  }
0xf: {  	[smem:$0x3FA9] =	sst s7  }
0x10: {  	[smem:$0x3FAA] =	sst s8  }
0x11: {  	[smem:$0x3FAB] =	sst s9;
	s0 =	simm.s32 @!p0 $0x0  }
0x12: {  	s1 =	sld [smem:$0x3F91];
	s0 =	simm.s32 @p0 $0x1  }
0x13: {  	[smem:$0x3FAC] =	sst s0;
	s0 =	simm.s32 @!p1 $0x0  }
0x14: {  	s2 =	sld [smem:$0x3F90];
	s0 =	simm.s32 @p1 $0x1  }
0x15: {  	[smem:$0x3FAD] =	sst s0;
	s0 =	simm.s32 @!p2 $0x0  }
0x16: {  	s3 =	sld [smem:$0x3FDB];
	s0 =	simm.s32 @p2 $0x1  }
0x17: {  	s4 =	simm.s32 $0x1BF5;
	[smem:$0x3FAF] =	sst s0  }
0x18: {  	s0 =	sld [smem:$0x3F92];
	_ =	swait.ge [sflag:s4], $0x0  }
0x19: {  	s7 =	sld [smem:$0x3F93]  }
0x1a: {  	s8 =	sadd.s32 $0xFFFFE003, lr  }
0x1b: {  	s9 =	sadd.s32 $0xFFFFFEF7, lr;
	s5 =	simm.s32 $0xFFFFFFFF;
	p2 =	slt.u32 s8, $0xFFFFF086  }
0x1c: {  	p1 =	slt.u32 s9, $0xF7A;
	s5 =	simm.s32 @!p2 $0x0  }
0x1d: {  	s5 =	simm.s32 @p1 $0x1;
	p0 =	seq.s32 s7, s2  }
0x1e: {  	s7 =	smul.u32 @!p0 $0xF7A, s2;
	p2 =	seq.s32 @!p0 s5, $0x0  }
0x1f: {  	s9 =	smul.u32 $0xF7A, s1;
	s8 =	simm.s32 @!p0 $0x1BF5;
	p2 =	por !p2, p0  }
0x20: {  	[sflag:s8] =	ssyncset.s32 @!p0 $0xFFFFF086;
	s6 =	sadd.s32 @!p0 s3, s7;
	s7 =	simm.s32 @!p0 $0x108  }
0x21: {  	s3 =	sadd.s32 s3, s9;
	s6 =	sadd.s32 @!p0 $0x88, s6;
	s7 =	simm.s32 @p2 $0x1082  }
0x22: {  	[simem:s7], [sflag:s8] =	dma.local @!p0 [hbm:s6], $0xF7A  }
0x23: {  	s9 =	sor.u32 $0xD0000000, s2;
	s6 =	simm.s32 $0x108;
	_ =	swait.ge @!p0 [sflag:s8], $0x0  }
0x24: {  	s3 =	sadd.s32 $0x88, s3;
	s6 =	simm.s32 @!p1 $0x1082;
	[sflag:s4] =	ssyncset.s32 $0xFFFFF086  }
0x25: {  	[simem:s6], [sflag:s4] =	dma.local [hbm:s3], $0xF7A  }
0x26: {  	[smem:$0x3F93] =	sst s1;
	(tag) =	ssettag s2;
	_ =	strace s9  }
0x27: {  	s1 =	sld [smem:$0x3FA3]  }
0x28: {  	s2 =	sld [smem:$0x3FA4]  }
0x29: {  	s4 =	sld [smem:$0x3FA6]  }
0x2a: {  	p0 =	seq.s32 s5, $0x0;
	s5 =	sld [smem:$0x3FA7]  }
0x2b: {  	s6 =	sld [smem:$0x3FA8]  }
0x2c: {  	s7 =	sld [smem:$0x3FA9]  }
0x2d: {  	s3 =	simm.s32 $0x108;
	s8 =	sld [smem:$0x3FAA]  }
0x2e: {  	s3 =	simm.s32 @!p0 $0x1082;
	s9 =	sld [smem:$0x3FAB]  }
0x2f: {  	lr =	sadd.s32 s0, s3;
	s0 =	sld [smem:$0x3FA2]  }
0x30: {  	s3 =	sld [smem:$0x3FA5]  }
0x31: {  	[smem:$0x3FAE] =	sst s10  }
0x32: {  	s10 =	sld [smem:$0x3FAC];
	_ =	sdelay $0x3  }
0x33: {  	p0 =	seq.s32 s10, $0x1;
	s10 =	sld [smem:$0x3FAE];
	_ =	sdelay $0x3  }
0x34: {  	[smem:$0x3FAE] =	sst s10  }
0x35: {  	s10 =	sld [smem:$0x3FAD];
	_ =	sdelay $0x3  }
0x36: {  	p1 =	seq.s32 s10, $0x1;
	s10 =	sld [smem:$0x3FAE];
	_ =	sdelay $0x3  }
0x37: {  	[smem:$0x3FAE] =	sst s10  }
0x38: {  	s10 =	sld [smem:$0x3FAF]  }
0x39: {  	_ = 	snop;
	(pc) =	sbr.ind lr, $3  }
0x3a: {  	_ = 	snop  }
0x3b: {  	_ = 	snop  }
0x3c: {  	p2 =	seq.s32 s10, $0x1;
	s10 =	sld [smem:$0x3FAE]  }
0x3d: {  	_ =	shalt  }
0x3e: {  	_ =	shalt  }
0x3f: {  	_ =	shalt  }
0x40: {  	_ =	shalt  }
0x41: {  	_ =	shalt  }
0x42: {  	_ =	shalt  }
0x43: {  	_ =	shalt  }
0x44: {  	_ =	shalt  }
0x45: {  	_ =	shalt  }
0x46: {  	_ =	shalt  }
0x47: {  	_ =	shalt  }
0x48: {  	_ =	shalt  }
0x49: {  	_ =	shalt  }
0x4a: {  	_ =	shalt  }
0x4b: {  	_ =	shalt  }
0x4c: {  	_ =	shalt  }
0x4d: {  	_ =	shalt  }
0x4e: {  	_ =	shalt  }
0x4f: {  	_ =	shalt  }
0x50: {  	_ =	shalt  }
0x51: {  	_ =	shalt  }
0x52: {  	_ =	shalt  }
0x53: {  	_ =	shalt  }
0x54: {  	_ =	shalt  }
0x55: {  	_ =	shalt  }
0x56: {  	_ =	shalt  }
0x57: {  	_ =	shalt  }
0x58: {  	_ =	shalt  }
0x59: {  	_ =	shalt  }
0x5a: {  	_ =	shalt  }
0x5b: {  	_ =	shalt  }
0x5c: {  	_ =	shalt  }
0x5d: {  	_ =	shalt  }
0x5e: {  	_ =	shalt  }
0x5f: {  	_ =	shalt  }
0x60: {  	_ =	shalt  }
0x61: {  	_ =	shalt  }
0x62: {  	_ =	shalt  }
0x63: {  	_ =	shalt  }
0x64: {  	_ =	shalt  }
0x65: {  	_ =	shalt  }
0x66: {  	_ =	shalt  }
0x67: {  	_ =	shalt  }
0x68: {  	_ =	shalt  }
0x69: {  	_ =	shalt  }
0x6a: {  	_ =	shalt  }
0x6b: {  	_ =	shalt  }
0x6c: {  	_ =	shalt  }
0x6d: {  	_ =	shalt  }
0x6e: {  	_ =	shalt  }
0x6f: {  	_ =	shalt  }
0x70: {  	_ =	shalt  }
0x71: {  	_ =	shalt  }
0x72: {  	_ =	shalt  }
0x73: {  	_ =	shalt  }
0x74: {  	_ =	shalt  }
0x75: {  	_ =	shalt  }
0x76: {  	_ =	shalt  }
0x77: {  	_ =	shalt  }
0x78: {  	_ =	shalt  }
0x79: {  	_ =	shalt  }
0x7a: {  	_ =	shalt  }
0x7b: {  	_ =	shalt  }
0x7c: {  	_ =	shalt  }
0x7d: {  	_ =	shalt  }
0x7e: {  	_ =	shalt  }
0x7f: {  	_ =	shalt  }
0x80: {  	_ =	shalt  }
0x81: {  	_ =	shalt  }
0x82: {  	_ =	shalt  }
0x83: {  	_ =	shalt  }
0x84: {  	_ =	shalt  }
0x85: {  	_ =	shalt  }
0x86: {  	_ =	shalt  }
0x87: {  	_ =	shalt  }
.Lfunc_end0:
.L_simem_size_0:
called_computation.2_lowered:
.L_overlay_start_0:
0x88: {  	s0 =	sld [smem:$0x3FD9]  }
0x89: {  	s1 =	sld [smem:$0x3FFE];
	_ =	sdelay $0x3  }
0x8a: {  	s0 =	sadd.s32 s1, s0  }
0x8b: {  	[smem:$0x3FBA] =	sst s0  }
0x8c: {  	_ = 	snop  }
0x8d: {  	(tm) =	ssettm $0x1  }
0x8e: {  	s15 =	sld [smem:$0x3FFB];
	_ =	sdelay $0x3  }
0x8f: {  	_ =	strace s15  }
0x90: {  	s0 =	sld [smem:$0x3FFC];
	_ =	sdelay $0x3  }
0x91: {  	_ =	strace s0  }
0x92: {  	s0 =	sld [smem:$0x3FFD];
	_ =	sdelay $0x3  }
0x93: {  	_ =	strace s0  }
0x94: {  	_ =	strace $0x8FFFFFFF  }
0x95: {  	s16 =	sld [smem:$0x3FDB];
	_ =	sdelay $0x1  }
0x96: {  	s17 =	simm.s32 $_scs_section_size  }
0x97: {  	s2 =	simm.s32 $_size__tile_overlayer_lowered;
	s3 =	simm.s32 $_tile_overlayer_lowered  }
0x98: {  	s20 =	simm.s32 $0x1BFF;
	s19 =	sshll.u32 s3, $0x1;
	s0 =	sadd.s32 s17, s16  }
0x99: {  	s4 =	simm.s32 $0x0;
	s18 =	sshll.u32 s2, $0x1;
	s2 =	sadd.s32 s19, s0  }
0x9a: {  	[timem:s4], [sflag:s20] =	dma.local [hbm:s2], s18  }
0x9b: {  	_ =	swait.ge [sflag:s20], s18  }
0x9c: {  	s1 =	ssub.s32 $0x0, s18;
	[sflag:s20] =	ssyncset.done $0x0  }
0x9d: {  	[sflag:s20] =	ssyncadd.s32 s1;
	_ =	sdelay $0x1  }
0x9e: {  	s21 =	simm.s32 $0x1B8B  }
0x9f: {  	_ =	swait.ge [sflag:s21], $0x1  }
0xa0: {  	[sflag:s21] =	ssyncset.done $0x0  }
0xa1: {  	s23 =	simm.s32 $0x1B8E;
	s22 =	sld [smem:$0x3FFE];
	[sflag:s21] =	ssyncadd.s32 $0xFFFFFFFF  }
0xa2: {  	s24 =	simm.s32 $execute0_lowered;
	[smem:$0x3FD2] =	sst s23  }
0xa3: {  	s2 =	sshll.u32 s24, $0x1;
	_ =	strace $0x8000004C;
	[dreg:$0x1] =	wrdreg $0xFFFFFFFF  }
0xa4: {  	s25 =	simm.s32 $_size_execute0_lowered;
	s0 =	sadd.s32 s0, s2;
	[dreg:$0x0] =	wrdreg $0x0  }
0xa5: {  	s2 =	sshll.u32 s25, $0x1;
	[dreg:$0x2] =	wrdreg s0  }
0xa6: {  	[dreg:$0x3] =	wrdreg s2  }
0xa7: {  	[dreg:$0x4] =	wrdreg $0xC0  }
0xa8: {  	_ =	task [dreg:s4], $0x5FFFF  }
0xa9: {  	[dreg:$0x1] =	wrdreg $0xFFFFFFFF  }
0xaa: {  	[dreg:$0x0] =	wrdreg $0x60  }
0xab: {  	[dreg:$0x2] =	wrdreg s22  }
0xac: {  	[dreg:$0x3] =	wrdreg $0x84000  }
0xad: {  	[dreg:$0x4] =	wrdreg $0x9  }
0xae: {  	_ =	task.clear_ibuf [dreg:s4], $0x5FFFF;
	_ =	strace $0x9000004C  }
0xaf: {  	s26 =	simm.s32 $0x9;
	_ =	strace $0x8000004E  }
0xb0: {  	_ =	swait.ge [sflag:s26], $0x1  }
0xb1: {  	[sflag:s26] =	ssyncadd.s32 $0xFFFFFFFF  }
0xb2: {  	_ =	strace $0x9000004E  }
0xb3: {  	_ =	sfence  }
0xb4: {  	s28 =	sld [smem:$0x0];
	_ =	sdelay $0x1  }
0xb5: {  	s29 =	srdreg.scid  }
0xb6: {  	s30 =	sshll.u32 s29, $0xD;
	s31 =	sshrl.u32 s29, $0x2  }
0xb7: {  	s1 =	sand.u32 $0x1, s29;
	s2 =	sand.u32 $0x4000, s30;
	s0 =	sadd.s32 s31, s28  }
0xb8: {  	s1 =	sor.u32 s2, s1;
	s0 =	sshll.u32 s0, $0x11  }
0xb9: {  	s0 =	sor.u32 s0, s1  }
0xba: {  	s0 =	sadd.s32 $0x8F2B, s0  }
0xbb: {  	[sflag:s0] =	ssyncadd.remote.s32 $0x1  }
0xbc: {  	_ =	sfence.sel $0xFFFF  }
0xbd: {  	[dreg:$0x0] =	wrdreg $0xFFFFFFFF;
	(pc) =	sbr.abs _section_cstart, $3  }
0xbe: {  	[dreg:$0x1] =	wrdreg $0xFFFFFFFF  }
0xbf: {  	_ =	task.clear_ibuf [dreg:s4], $0x2FFFF;
	_ =	strace $0x9FFFFFFF  }
0xc0: {  	(tm) =	ssettm $0x7FFFFFFF  }
0xc1: {  	_ =	shalt  }
tec
execute0_lowered:
.L_overlay_start_1:
0x0: {  	(tag) =	ssettag $0x1  }
0x1: {  	s25 =	rddreg [dreg:$0x0];
	s0 =	stileid.u32  }
0x2: {  	s3 =	rddreg [dreg:$0x1];
	s6 =	simm.s32 $0x0;
	s4 =	smul.u32 $0x4F000, s0  }
0x3: {  	[smem:$0x7FF] =	sst s6;
	s1 =	smul.u32 $0x2780, s0  }
0x4: {  	s20 =	sshll.u32 s0, $0x6;
	_ =	strace $0x8000004D;
	s4 =	sshrl.u32 s4, $0x2  }
0x5: {  	s21 =	sor.u32 $0x1C07, s20;
	[dreg:$0x3] =	wrdreg s1;
	s7 =	sadd.s32 s4, s3  }
0x6: {  	s5 =	sadd.s32 s1, s25;
	[dreg:$0x4] =	wrdreg s21;
	s2 =	sshrl.u32 s7, $0x3  }
0x7: {  	s9 =	simm.s32 $0x7;
	s8 =	sadd.s32 $0x57600, s5;
	[dreg:$0x5] =	wrdreg s2  }
0x8: {  	[spmem:s2], [sflag:s21] =	dma.local [hbm:s8], $0x2780  }
0x9: {  	_ =	swait.ge [sflag:s9], $0x2780  }
0xa: {  	s7 =	smul.u32 $0xA00, s0;
	[sflag:s9] =	ssyncset.done $0x0  }
0xb: {  	s8 =	sadd.s32 $0x25E00, s25;
	[sflag:s9] =	ssyncadd.s32 $0xFFFFD880  }
0xc: {  	s10 =	sadd.s32 s8, s7;
	s9 =	sadd.s32 $0xCE00, s25;
	[bflag:$0x0] =	sbarrier.arrive $0xFFFF  }
0xd: {  	[tilespmem:s6], [sflag:$0x1] =	stream.linear.gather [hbm4b:s10+s6], $0x80, $0x38;
	[tilespmem:$0x1C000] =	vst v63  }
0xe: {  	s11 =	simm.s32 $0x200;
	s12 =	sor.u32 $0x10, s7;
	s22 =	sadd.s32 s9, s7  }
0xf: {  	[tilespmem:s11], [sflag:$0x1] =	stream.linear.gather [hbm4b:s22+s6], $0x80, $0x38;
	[tilespmem:$0x1C000] =	vst v63  }
0x10: {  	s13 =	sadd.s32 s8, s12;
	s10 =	simm.s32 $0x80  }
0x11: {  	[tilespmem:s10], [sflag:$0x2] =	stream.linear.gather [hbm4b:s13+s6], $0x80, $0x38;
	[tilespmem:$0x1C000] =	vst v63  }
0x12: {  	s23 =	sadd.s32 s9, s12;
	s12 =	simm.s32 $0x280;
	s13 =	simm.s32 $0x1  }
0x13: {  	[tilespmem:s12], [sflag:$0x2] =	stream.linear.gather [hbm4b:s23+s6], $0x80, $0x38;
	[tilespmem:$0x1C000] =	vst v63  }
0x14: {  	_ =	swait.ge [sflag:s13], $0x80  }
0x15: {  	[sflag:s13] =	ssyncset.done $0x0  }
0x16: {  	[sflag:s13] =	ssyncadd.s32 $0xFFFFFF80  }
0x17: {  	_ =	swait.ge [sflag:s13], $0x80  }
0x18: {  	s15 =	simm.s32 $0x400;
	[sflag:s13] =	ssyncset.done $0x0  }
0x19: {  	s14 =	sadd.s32 $0x2FE00, s25;
	s17 =	sor.u32 $0x20, s7;
	[sflag:s13] =	ssyncadd.s32 $0xFFFFFF80  }
0x1a: {  	[tilespmem:s15], [sflag:$0x3] =	stream.indirect.gather [hbm4b:s14+s10], $0x80, s6, s10, $0xb8;
	[tilespmem:$0x1C000] =	vst v63  }
0x1b: {  	s16 =	simm.s32 $0x100;
	s18 =	sadd.s32 s8, s17  }
0x1c: {  	[tilespmem:s16], [sflag:$0x1] =	stream.linear.gather [hbm4b:s18+s6], $0x80, $0x38;
	[tilespmem:$0x1C000] =	vst v63  }
0x1d: {  	s24 =	simm.s32 $0x300;
	s17 =	sadd.s32 s9, s17  }
0x1e: {  	[tilespmem:s24], [sflag:$0x1] =	stream.linear.gather [hbm4b:s17+s6], $0x80, $0x38;
	[tilespmem:$0x1C000] =	vst v63  }
0x1f: {  	s17 =	simm.s32 $0x2  }
0x20: {  	_ =	swait.ge [sflag:s17], $0x80  }
0x21: {  	[sflag:s17] =	ssyncset.done $0x0  }
0x22: {  	[sflag:s17] =	ssyncadd.s32 $0xFFFFFF80  }
0x23: {  	_ =	swait.ge [sflag:s17], $0x80  }
0x24: {  	p0 =	por $0x1, $0x1;
	[sflag:s17] =	ssyncset.done $0x0  }
0x25: {  	s19 =	simm.s32 @!p0 $0x6;
	s26 =	sadd.s32 $0x0, s7;
	[sflag:s17] =	ssyncadd.s32 $0xFFFFFF80  }
0x26: {  	s20 =	sand.u32 $0x40, s6;
	s18 =	sand.u32 $0x1FF80, s26;
	_ =	swait.ge @!p0 [sflag:s19], $0x4000  }
0x27: {  	s20 =	sor.u32 s18, s20;
	[sflag:s19] =	ssyncset.done @!p0 $0x0  }
0x28: {  	s18 =	simm.s32 $0x4400;
	s22 =	sor.u32 $0x30, s20;
	[sflag:s19] =	ssyncadd.s32 @!p0 $0xFFFFC000  }
0x29: {  	[tilespmem:s18], [sflag:$0x4] =	stream.indirect.gather [hbm4b:s14+s10], $0x80, s10, s10, $0xb8;
	[tilespmem:$0x1C000] =	vst v63  }
0x2a: {  	s20 =	simm.s32 $0x180;
	s30 =	sadd.s32 s8, s22  }
0x2b: {  	[tilespmem:s20], [sflag:$0x2] =	stream.linear.gather [hbm4b:s30+s6], $0x80, $0x38;
	[tilespmem:$0x1C000] =	vst v63  }
0x2c: {  	s21 =	simm.s32 $0x3;
	s22 =	sadd.s32 s9, s22;
	s19 =	simm.s32 $0x380  }
0x2d: {  	[tilespmem:s19], [sflag:$0x2] =	stream.linear.gather [hbm4b:s22+s6], $0x80, $0x38;
	[tilespmem:$0x1C000] =	vst v63  }
0x2e: {  	_ =	swait.ge [sflag:s21], $0x4000  }
0x2f: {  	[sflag:s21] =	ssyncset.done $0x0  }
0x30: {  	[sflag:s21] =	ssyncadd.s32 $0xFFFFC000  }
0x31: {  	[spmem:s3] =	stream.indirect.scatter.add.f32 [tilespmem:s15], [sflag:$0x5], $0x80, s11, s10, $0xb8;
	[tilespmem:$0x1C000] =	vst v63  }
0x32: {  	_ =	swait.ge [sflag:s13], $0x80  }
0x33: {  	[sflag:s13] =	ssyncset.done $0x0  }
0x34: {  	[sflag:s13] =	ssyncadd.s32 $0xFFFFFF80  }
0x35: {  	_ =	swait.ge [sflag:s13], $0x80  }
0x36: {  	p0 =	por $0x0, $0x0;
	[sflag:s13] =	ssyncset.done $0x0  }
0x37: {  	s28 =	sadd.s32 @!p0 $0x0, s7;
	s22 =	simm.s32 $0x5;
	[sflag:s13] =	ssyncadd.s32 $0xFFFFFF80  }
0x38: {  	s24 =	sxor.u32 @!p0 $0xFFFFFFFF, s6;
	s23 =	sadd.s32 @!p0 $0x40, s28;
	_ =	swait.ge [sflag:s22], $0x4000  }
0x39: {  	s24 =	sand.u32 @!p0 $0x40, s24;
	s23 =	sand.u32 @!p0 $0x1FF80, s23;
	[sflag:s22] =	ssyncset.done $0x0  }
0x3a: {  	s23 =	sor.u32 @!p0 s24, s23;
	[sflag:s22] =	ssyncadd.s32 $0xFFFFC000  }
0x3b: {  	[tilespmem:s15], [sflag:$0x3] =	stream.indirect.gather [hbm4b:s14+s10], $0x80, s16, s10, $0xb8;
	[tilespmem:$0x1C000] =	vst v63  }
0x3c: {  	s26 =	simm.s32 @!p0 $0x0;
	s24 =	sadd.s32 @!p0 s8, s23  }
0x3d: {  	[tilespmem:s26], [sflag:$0x1] =	stream.linear.gather @!p0 [hbm4b:s24+s26], $0x80, $0x38;
	[tilespmem:$0x1C000] =	vst v63  }
0x3e: {  	s23 =	sadd.s32 @!p0 s9, s23;
	s24 =	simm.s32 @!p0 $0x200  }
0x3f: {  	[tilespmem:s24], [sflag:$0x1] =	stream.linear.gather @!p0 [hbm4b:s23+s26], $0x80, $0x38;
	[tilespmem:$0x1C000] =	vst v63  }
0x40: {  	s23 =	simm.s32 $0x4  }
0x41: {  	_ =	swait.ge [sflag:s23], $0x4000  }
0x42: {  	[sflag:s23] =	ssyncset.done $0x0  }
0x43: {  	[sflag:s23] =	ssyncadd.s32 $0xFFFFC000  }
0x44: {  	[spmem:s3] =	stream.indirect.scatter.add.f32 [tilespmem:s18], [sflag:$0x6], $0x80, s12, s10, $0xb8;
	[tilespmem:$0x1C000] =	vst v63  }
0x45: {  	_ =	swait.ge [sflag:s17], $0x80  }
0x46: {  	[sflag:s17] =	ssyncset.done $0x0  }
0x47: {  	[sflag:s17] =	ssyncadd.s32 $0xFFFFFF80  }
0x48: {  	_ =	swait.ge [sflag:s17], $0x80  }
0x49: {  	[sflag:s17] =	ssyncset.done $0x0  }
0x4a: {  	s24 =	simm.s32 $0x6;
	[sflag:s17] =	ssyncadd.s32 $0xFFFFFF80  }
0x4b: {  	_ =	swait.ge [sflag:s24], $0x4000  }
0x4c: {  	[sflag:s24] =	ssyncset.done $0x0  }
0x4d: {  	s29 =	simm.s32 @p0 $0x3;
	[sflag:s24] =	ssyncadd.s32 $0xFFFFC000  }
0x4e: {  	[tilespmem:s18], [sflag:$0x4] =	stream.indirect.gather [hbm4b:s14+s10], $0x80, s20, s10, $0xb8;
	[tilespmem:$0x1C000] =	vst v63  }
0x4f: {  	_ =	swait.ge @p0 [sflag:s29], $0x4000  }
0x50: {  	s31 =	simm.s32 @p0 $0x300;
	[sflag:s29] =	ssyncset.done @p0 $0x0  }
0x51: {  	s30 =	simm.s32 @p0 $0x80;
	[sflag:s29] =	ssyncadd.s32 @p0 $0xFFFFC000;
	s29 =	simm.s32 @p0 $0x400  }
0x52: {  	[spmem:s3] =	stream.indirect.scatter.add.f32 @p0 [tilespmem:s29], [sflag:$0x5], $0x80, s31, s30, $0xb8;
	[tilespmem:$0x1C000] =	vst v63  }
0x53: {  	s29 =	sadd.s32 @!p0 $0x50, s28;
	s30 =	simm.s32 @!p0 $0x50  }
0x54: {  	s29 =	sand.u32 @!p0 $0x1FF80, s29;
	s30 =	sand.u32 @!p0 $0x50, s30  }
0x55: {  	s29 =	sor.u32 @!p0 s30, s29  }
0x56: {  	s0 =	simm.s32 @!p0 $0x80;
	s30 =	sadd.s32 @!p0 s8, s29  }
0x57: {  	[tilespmem:s0], [sflag:$0x2] =	stream.linear.gather @!p0 [hbm4b:s30+s26], $0x80, $0x38;
	[tilespmem:$0x1C000] =	vst v63  }
0x58: {  	s29 =	sadd.s32 @!p0 s9, s29;
	s30 =	simm.s32 @!p0 $0x280  }
0x59: {  	[tilespmem:s30], [sflag:$0x2] =	stream.linear.gather @!p0 [hbm4b:s29+s26], $0x80, $0x38;
	[tilespmem:$0x1C000] =	vst v63  }
0x5a: {  	s29 =	simm.s32 @!p0 $0x3  }
0x5b: {  	_ =	swait.ge @!p0 [sflag:s29], $0x4000  }
0x5c: {  	s31 =	simm.s32 @!p0 $0x300;
	[sflag:s29] =	ssyncset.done @!p0 $0x0  }
0x5d: {  	s30 =	simm.s32 @!p0 $0x1;
	[sflag:s29] =	ssyncadd.s32 @!p0 $0xFFFFC000;
	s29 =	simm.s32 @!p0 $0x400  }
0x5e: {  	[spmem:s3] =	stream.indirect.scatter.add.f32 @!p0 [tilespmem:s29], [sflag:$0x5], $0x80, s31, s0, $0xb8;
	[tilespmem:$0x1C000] =	vst v63  }
0x5f: {  	_ =	swait.ge @!p0 [sflag:s30], $0x80  }
0x60: {  	[sflag:s30] =	ssyncset.done @!p0 $0x0  }
0x61: {  	[sflag:s30] =	ssyncadd.s32 @!p0 $0xFFFFFF80  }
0x62: {  	_ =	swait.ge @!p0 [sflag:s30], $0x80  }
0x63: {  	[sflag:s30] =	ssyncset.done @!p0 $0x0  }
0x64: {  	[sflag:s30] =	ssyncadd.s32 @!p0 $0xFFFFFF80;
	s30 =	simm.s32 @!p0 $0x5  }
0x65: {  	_ =	swait.ge @!p0 [sflag:s30], $0x4000  }
0x66: {  	[sflag:s30] =	ssyncset.done @!p0 $0x0  }
0x67: {  	[sflag:s30] =	ssyncadd.s32 @!p0 $0xFFFFC000  }
0x68: {  	[tilespmem:s29], [sflag:$0x3] =	stream.indirect.gather @!p0 [hbm4b:s14+s0], $0x80, s26, s0, $0xb8;
	[tilespmem:$0x1C000] =	vst v63  }
0x69: {  	s0 =	sadd.s32 @!p0 $0x60, s28;
	s28 =	simm.s32 @!p0 $0x60  }
0x6a: {  	s28 =	sand.u32 @!p0 $0x60, s28;
	s0 =	sand.u32 @!p0 $0x1FF80, s0  }
0x6b: {  	s0 =	sor.u32 @!p0 s28, s0  }
0x6c: {  	s29 =	simm.s32 @!p0 $0x100;
	s28 =	sadd.s32 @!p0 s8, s0  }
0x6d: {  	[tilespmem:s29], [sflag:$0x1] =	stream.linear.gather @!p0 [hbm4b:s28+s26], $0x80, $0x38;
	[tilespmem:$0x1C000] =	vst v63  }
0x6e: {  	s25 =	sadd.s32 $0x7EE00, s25;
	s29 =	sadd.s32 @!p0 s9, s0;
	s28 =	simm.s32 $0x40  }
.LBB2_1:
0x6f: {  	[tilespmem:s31], [sflag:$0x1] =	stream.linear.gather @!p0 [hbm4b:s29+s26], $0x80, $0x38;
	[tilespmem:$0x1C000] =	vst v63  }
0x70: {  	s29 =	smov.u32 s28;
	s28 =	sadd.s32 $0x40, s28;
	_ =	swait.ge [sflag:s23], $0x4000  }
0x71: {  	p1 =	sne.s32 s28, $0xA00;
	[sflag:s23] =	ssyncset.done $0x0  }
0x72: {  	[sflag:s23] =	ssyncadd.s32 $0xFFFFC000  }
0x73: {  	[spmem:s3] =	stream.indirect.scatter.add.f32 [tilespmem:s18], [sflag:$0x6], $0x80, s19, s10, $0xb8;
	[tilespmem:$0x1C000] =	vst v63  }
0x74: {  	_ =	swait.ge [sflag:s17], $0x80  }
0x75: {  	p0 =	seq.s32 s29, $0x0;
	[sflag:s17] =	ssyncset.done $0x0  }
0x76: {  	s0 =	simm.s32 @!p0 $0x6;
	[sflag:s17] =	ssyncadd.s32 $0xFFFFFF80  }
0x77: {  	s26 =	sadd.s32 s29, s7;
	_ =	swait.ge [sflag:s17], $0x80  }
0x78: {  	s30 =	sand.u32 $0x40, s29;
	s26 =	sand.u32 $0x1FF80, s26;
	[sflag:s17] =	ssyncset.done $0x0  }
0x79: {  	s26 =	sor.u32 s26, s30;
	[sflag:s17] =	ssyncadd.s32 $0xFFFFFF80  }
0x7a: {  	s26 =	sor.u32 $0x30, s26;
	_ =	swait.ge @!p0 [sflag:s0], $0x4000  }
0x7b: {  	[sflag:s0] =	ssyncset.done @!p0 $0x0  }
0x7c: {  	[sflag:s0] =	ssyncadd.s32 @!p0 $0xFFFFC000;
	s0 =	sadd.s32 s8, s26;
	s26 =	sadd.s32 s9, s26  }
0x7d: {  	[tilespmem:s18], [sflag:$0x4] =	stream.indirect.gather [hbm4b:s14+s10], $0x80, s10, s10, $0xb8;
	[tilespmem:$0x1C000] =	vst v63  }
0x7e: {  	_ = 	snop  }
0x7f: {  	[tilespmem:s20], [sflag:$0x2] =	stream.linear.gather [hbm4b:s0+s6], $0x80, $0x38;
	[tilespmem:$0x1C000] =	vst v63  }
0x80: {  	_ = 	snop  }
0x81: {  	[tilespmem:s19], [sflag:$0x2] =	stream.linear.gather [hbm4b:s26+s6], $0x80, $0x38;
	[tilespmem:$0x1C000] =	vst v63  }
0x82: {  	_ =	swait.ge [sflag:s21], $0x4000  }
0x83: {  	[sflag:s21] =	ssyncset.done $0x0  }
0x84: {  	[sflag:s21] =	ssyncadd.s32 $0xFFFFC000  }
0x85: {  	[spmem:s3] =	stream.indirect.scatter.add.f32 [tilespmem:s15], [sflag:$0x5], $0x80, s11, s10, $0xb8;
	[tilespmem:$0x1C000] =	vst v63  }
0x86: {  	_ =	swait.ge [sflag:s13], $0x80  }
0x87: {  	[sflag:s13] =	ssyncset.done $0x0  }
0x88: {  	p0 =	seq.s32 s29, $0x9C0;
	[sflag:s13] =	ssyncadd.s32 $0xFFFFFF80  }
0x89: {  	s0 =	sadd.s32 @!p0 s29, s7;
	s26 =	simm.s32 @!p0 $0x0;
	_ =	swait.ge [sflag:s13], $0x80  }
0x8a: {  	s31 =	sxor.u32 @!p0 $0xFFFFFFFF, s29;
	s30 =	sadd.s32 @!p0 $0x40, s0;
	[sflag:s13] =	ssyncset.done $0x0  }
0x8b: {  	s1 =	sadd.s32 @!p0 $0x50, s0;
	s30 =	sand.u32 @!p0 $0x1FF80, s30;
	[sflag:s13] =	ssyncadd.s32 $0xFFFFFF80  }
0x8c: {  	s2 =	sadd.s32 @!p0 $0x60, s29;
	s31 =	sand.u32 @!p0 $0x40, s31;
	_ =	swait.ge [sflag:s22], $0x4000  }
0x8d: {  	s2 =	sand.u32 @!p0 $0x60, s2;
	s30 =	sor.u32 @!p0 s31, s30;
	[sflag:s22] =	ssyncset.done $0x0  }
0x8e: {  	s31 =	sadd.s32 @!p0 s8, s30;
	s30 =	sadd.s32 @!p0 s9, s30;
	[sflag:s22] =	ssyncadd.s32 $0xFFFFC000  }
0x8f: {  	[tilespmem:s15], [sflag:$0x3] =	stream.indirect.gather [hbm4b:s14+s10], $0x80, s16, s10, $0xb8;
	[tilespmem:$0x1C000] =	vst v63  }
0x90: {  	s29 =	sadd.s32 @!p0 $0x50, s29;
	s0 =	sadd.s32 @!p0 $0x60, s0;
	s1 =	sand.u32 @!p0 $0x1FF80, s1  }
0x91: {  	[tilespmem:s26], [sflag:$0x1] =	stream.linear.gather @!p0 [hbm4b:s31+s26], $0x80, $0x38;
	[tilespmem:$0x1C000] =	vst v63  }
0x92: {  	s29 =	sand.u32 @!p0 $0x50, s29;
	s0 =	sand.u32 @!p0 $0x1FF80, s0;
	s31 =	simm.s32 @!p0 $0x200  }
0x93: {  	s1 =	sor.u32 @!p0 s29, s1;
	s0 =	sor.u32 @!p0 s2, s0  }
0x94: {  	[tilespmem:s31], [sflag:$0x1] =	stream.linear.gather @!p0 [hbm4b:s30+s26], $0x80, $0x38;
	[tilespmem:$0x1C000] =	vst v63  }
0x95: {  	s2 =	sadd.s32 @!p0 s8, s1;
	s1 =	sadd.s32 @!p0 s9, s1;
	_ =	swait.ge [sflag:s23], $0x4000  }
0x96: {  	s29 =	sadd.s32 @!p0 s9, s0;
	s30 =	sadd.s32 @!p0 s8, s0;
	[sflag:s23] =	ssyncset.done $0x0  }
0x97: {  	[sflag:s23] =	ssyncadd.s32 $0xFFFFC000  }
0x98: {  	[spmem:s3] =	stream.indirect.scatter.add.f32 [tilespmem:s18], [sflag:$0x6], $0x80, s12, s10, $0xb8;
	[tilespmem:$0x1C000] =	vst v63  }
0x99: {  	_ =	swait.ge [sflag:s17], $0x80  }
0x9a: {  	[sflag:s17] =	ssyncset.done $0x0  }
0x9b: {  	[sflag:s17] =	ssyncadd.s32 $0xFFFFFF80  }
0x9c: {  	_ =	swait.ge [sflag:s17], $0x80  }
0x9d: {  	[sflag:s17] =	ssyncset.done $0x0  }
0x9e: {  	s0 =	simm.s32 @p0 $0x3;
	[sflag:s17] =	ssyncadd.s32 $0xFFFFFF80  }
0x9f: {  	_ =	swait.ge [sflag:s24], $0x4000  }
0xa0: {  	[sflag:s24] =	ssyncset.done $0x0  }
0xa1: {  	s31 =	simm.s32 @p0 $0x400;
	[sflag:s24] =	ssyncadd.s32 $0xFFFFC000  }
0xa2: {  	[tilespmem:s18], [sflag:$0x4] =	stream.indirect.gather [hbm4b:s14+s10], $0x80, s20, s10, $0xb8;
	[tilespmem:$0x1C000] =	vst v63  }
0xa3: {  	_ =	swait.ge @p0 [sflag:s0], $0x4000  }
0xa4: {  	s4 =	simm.s32 @!p0 $0x80;
	[sflag:s0] =	ssyncset.done @p0 $0x0  }
0xa5: {  	s5 =	simm.s32 @p0 $0x300;
	[sflag:s0] =	ssyncadd.s32 @p0 $0xFFFFC000;
	s0 =	simm.s32 @p0 $0x80  }
0xa6: {  	[spmem:s3] =	stream.indirect.scatter.add.f32 @p0 [tilespmem:s31], [sflag:$0x5], $0x80, s5, s0, $0xb8;
	[tilespmem:$0x1C000] =	vst v63  }
0xa7: {  	_ = 	snop  }
0xa8: {  	[tilespmem:s4], [sflag:$0x2] =	stream.linear.gather @!p0 [hbm4b:s2+s26], $0x80, $0x38;
	[tilespmem:$0x1C000] =	vst v63  }
0xa9: {  	s0 =	simm.s32 @!p0 $0x280;
	s5 =	simm.s32 @!p0 $0x1;
	s2 =	simm.s32 @!p0 $0x3  }
0xaa: {  	[tilespmem:s0], [sflag:$0x2] =	stream.linear.gather @!p0 [hbm4b:s1+s26], $0x80, $0x38;
	[tilespmem:$0x1C000] =	vst v63  }
0xab: {  	_ =	swait.ge @!p0 [sflag:s2], $0x4000  }
0xac: {  	[sflag:s2] =	ssyncset.done @!p0 $0x0  }
0xad: {  	s31 =	simm.s32 @!p0 $0x300;
	s0 =	simm.s32 @!p0 $0x400;
	[sflag:s2] =	ssyncadd.s32 @!p0 $0xFFFFC000  }
0xae: {  	[spmem:s3] =	stream.indirect.scatter.add.f32 @!p0 [tilespmem:s0], [sflag:$0x5], $0x80, s31, s4, $0xb8;
	[tilespmem:$0x1C000] =	vst v63  }
0xaf: {  	_ =	swait.ge @!p0 [sflag:s5], $0x80  }
0xb0: {  	[sflag:s5] =	ssyncset.done @!p0 $0x0  }
0xb1: {  	s1 =	simm.s32 @!p0 $0x5;
	[sflag:s5] =	ssyncadd.s32 @!p0 $0xFFFFFF80  }
0xb2: {  	_ =	swait.ge @!p0 [sflag:s5], $0x80  }
0xb3: {  	[sflag:s5] =	ssyncset.done @!p0 $0x0  }
0xb4: {  	[sflag:s5] =	ssyncadd.s32 @!p0 $0xFFFFFF80  }
0xb5: {  	_ =	swait.ge @!p0 [sflag:s1], $0x4000  }
.Ltmp0:
0xb6: {  	s2 =	simm.s32 @!p0 $0x100;
	[sflag:s1] =	ssyncset.done @!p0 $0x0;
	(pc) =	sbr.rel @p1 .LBB2_1-.Ltmp0, $4  }
0xb7: {  	[sflag:s1] =	ssyncadd.s32 @!p0 $0xFFFFC000  }
0xb8: {  	[tilespmem:s0], [sflag:$0x3] =	stream.indirect.gather @!p0 [hbm4b:s14+s4], $0x80, s26, s4, $0xb8;
	[tilespmem:$0x1C000] =	vst v63  }
0xb9: {  	_ = 	snop  }
0xba: {  	[tilespmem:s2], [sflag:$0x1] =	stream.linear.gather @!p0 [hbm4b:s30+s26], $0x80, $0x38;
	[tilespmem:$0x1C000] =	vst v63  }
0xbb: {  	[tilespmem:s31], [sflag:$0x1] =	stream.linear.gather @!p0 [hbm4b:s29+s26], $0x80, $0x38;
	[tilespmem:$0x1C000] =	vst v63  }
0xbc: {  	_ =	swait.ge [sflag:s23], $0x4000  }
0xbd: {  	[sflag:s23] =	ssyncset.done $0x0  }
0xbe: {  	s0 =	simm.s32 $0x5;
	[sflag:s23] =	ssyncadd.s32 $0xFFFFC000  }
0xbf: {  	[spmem:s3] =	stream.indirect.scatter.add.f32 [tilespmem:s18], [sflag:$0x6], $0x80, s19, s10, $0xb8;
	[tilespmem:$0x1C000] =	vst v63  }
0xc0: {  	_ =	swait.ge [sflag:s0], $0x4000  }
0xc1: {  	[sflag:s0] =	ssyncset.done $0x0  }
0xc2: {  	s28 =	simm.s32 $0x6;
	[sflag:s0] =	ssyncadd.s32 $0xFFFFC000  }
0xc3: {  	_ =	swait.ge [sflag:s28], $0x4000  }
0xc4: {  	[sflag:s28] =	ssyncset.done $0x0  }
0xc5: {  	[sflag:s28] =	ssyncadd.s32 $0xFFFFC000  }
0xc6: {  	s29 =	rddreg [dreg:$0x3];
	[bflag:$0x0] =	sbarrier.arrive $0xFFFF  }
0xc7: {  	s1 =	rddreg [dreg:$0x4]  }
0xc8: {  	s30 =	simm.s32 $0x7;
	s0 =	sadd.s32 s25, s29;
	s2 =	rddreg [dreg:$0x5]  }
0xc9: {  	[hbm:s0], [sflag:s1] =	dma.local [spmem:s2], $0x2780  }
0xca: {  	_ =	swait.ge [sflag:s30], $0x2780  }
0xcb: {  	[sflag:s30] =	ssyncset.done $0x0  }
0xcc: {  	[sflag:s30] =	ssyncadd.s32 $0xFFFFD880  }
0xcd: {  	_ =	sfence.sel $0x180000  }
0xce: {  	[bflag:$0x0] =	sbarrier.arrive $0xFFFF  }
0xcf: {  	_ =	strace $0x9000004D  }
0xd0: {  	s31 =	stileid.u32;
	[bflag:$0x2] =	sbarrier.arrive $0xFFFF  }
0xd1: {  	p0 =	sne.s32 s31, $0x0;
	s0 =	rddreg [dreg:$0x2]  }
0xd2: {  	s0 =	sadd.s32 @!p0 $0x100000, s0  }
0xd3: {  	[sflag:s0] =	ssyncadd.tile.s32 @!p0 $0x1;
	_ =	shalt  }
.Lfunc_end2:
_tile_overlayer_lowered:
.L_overlay_start_2:
0xd4: {  	(tag) =	ssettag $0x2  }
0xd5: {  	s0 =	rddreg [dreg:$0x0];
	s2 =	stileid.u32  }
0xd6: {  	s1 =	rddreg [dreg:$0x1];
	p0 =	sne.s32 s2, $0x0  }
0xd7: {  	s3 =	rddreg [dreg:$0x2];
	[bflag:$0x3] =	sbarrier.arrive $0xFFFF;
	s2 =	simm.s32 @!p0 $0x1C07  }
0xd8: {  	[timem:s3], [sflag:s2] =	dma.local @!p0 [hbm:s0], s1  }
0xd9: {  	s0 =	simm.s32 @!p0 $0x7  }
0xda: {  	_ =	swait.ge @!p0 [sflag:s0], s1  }
0xdb: {  	s1 =	ssub.s32 @!p0 $0x0, s1;
	[sflag:s0] =	ssyncset.done @!p0 $0x0  }
0xdc: {  	[sflag:s0] =	ssyncadd.s32 @!p0 s1  }
0xdd: {  	[bflag:$0x3] =	sbarrier.arrive $0xFFFF  }
0xde: {  	_ =	shalt  }

// kernel: kernel.8.cloned.1.call-start
scs
__scs_entry_jumppad:
0x0: {  	(pc) =	sbr.rel $0x88, $3  }
0x1: {  	(tag) =	ssettag $0x0;
	lr =	simm.s32 $0x1  }
0x2: {  	[smem:$0x3F93] =	sst lr;
	_ =	strace $0xD0000000  }
0x3: {  	_ = 	snop  }
0x4: {  	_ = 	snop  }
0x5: {  	_ = 	snop  }
0x6: {  	_ = 	snop  }
0x7: {  	_ = 	snop  }
__scs_overlays_trampoline_lowered:
0x8: {  	[smem:$0x3FA2] =	sst s0  }
0x9: {  	[smem:$0x3FA3] =	sst s1  }
0xa: {  	[smem:$0x3FA4] =	sst s2  }
0xb: {  	[smem:$0x3FA5] =	sst s3  }
0xc: {  	[smem:$0x3FA6] =	sst s4  }
0xd: {  	[smem:$0x3FA7] =	sst s5  }
0xe: {  	[smem:$0x3FA8] =	sst s6  }
0xf: {  	[smem:$0x3FA9] =	sst s7  }
0x10: {  	[smem:$0x3FAA] =	sst s8  }
0x11: {  	[smem:$0x3FAB] =	sst s9;
	s0 =	simm.s32 @!p0 $0x0  }
0x12: {  	s1 =	sld [smem:$0x3F91];
	s0 =	simm.s32 @p0 $0x1  }
0x13: {  	[smem:$0x3FAC] =	sst s0;
	s0 =	simm.s32 @!p1 $0x0  }
0x14: {  	s2 =	sld [smem:$0x3F90];
	s0 =	simm.s32 @p1 $0x1  }
0x15: {  	[smem:$0x3FAD] =	sst s0;
	s0 =	simm.s32 @!p2 $0x0  }
0x16: {  	s3 =	sld [smem:$0x3FDB];
	s0 =	simm.s32 @p2 $0x1  }
0x17: {  	s4 =	simm.s32 $0x1BF5;
	[smem:$0x3FAF] =	sst s0  }
0x18: {  	s0 =	sld [smem:$0x3F92];
	_ =	swait.ge [sflag:s4], $0x0  }
0x19: {  	s7 =	sld [smem:$0x3F93]  }
0x1a: {  	s8 =	sadd.s32 $0xFFFFE003, lr  }
0x1b: {  	s9 =	sadd.s32 $0xFFFFFEF7, lr;
	s5 =	simm.s32 $0xFFFFFFFF;
	p2 =	slt.u32 s8, $0xFFFFF086  }
0x1c: {  	p1 =	slt.u32 s9, $0xF7A;
	s5 =	simm.s32 @!p2 $0x0  }
0x1d: {  	s5 =	simm.s32 @p1 $0x1;
	p0 =	seq.s32 s7, s2  }
0x1e: {  	s7 =	smul.u32 @!p0 $0xF7A, s2;
	p2 =	seq.s32 @!p0 s5, $0x0  }
0x1f: {  	s9 =	smul.u32 $0xF7A, s1;
	s8 =	simm.s32 @!p0 $0x1BF5;
	p2 =	por !p2, p0  }
0x20: {  	[sflag:s8] =	ssyncset.s32 @!p0 $0xFFFFF086;
	s6 =	sadd.s32 @!p0 s3, s7;
	s7 =	simm.s32 @!p0 $0x108  }
0x21: {  	s3 =	sadd.s32 s3, s9;
	s6 =	sadd.s32 @!p0 $0x88, s6;
	s7 =	simm.s32 @p2 $0x1082  }
0x22: {  	[simem:s7], [sflag:s8] =	dma.local @!p0 [hbm:s6], $0xF7A  }
0x23: {  	s9 =	sor.u32 $0xD0000000, s2;
	s6 =	simm.s32 $0x108;
	_ =	swait.ge @!p0 [sflag:s8], $0x0  }
0x24: {  	s3 =	sadd.s32 $0x88, s3;
	s6 =	simm.s32 @!p1 $0x1082;
	[sflag:s4] =	ssyncset.s32 $0xFFFFF086  }
0x25: {  	[simem:s6], [sflag:s4] =	dma.local [hbm:s3], $0xF7A  }
0x26: {  	[smem:$0x3F93] =	sst s1;
	(tag) =	ssettag s2;
	_ =	strace s9  }
0x27: {  	s1 =	sld [smem:$0x3FA3]  }
0x28: {  	s2 =	sld [smem:$0x3FA4]  }
0x29: {  	s4 =	sld [smem:$0x3FA6]  }
0x2a: {  	p0 =	seq.s32 s5, $0x0;
	s5 =	sld [smem:$0x3FA7]  }
0x2b: {  	s6 =	sld [smem:$0x3FA8]  }
0x2c: {  	s7 =	sld [smem:$0x3FA9]  }
0x2d: {  	s3 =	simm.s32 $0x108;
	s8 =	sld [smem:$0x3FAA]  }
0x2e: {  	s3 =	simm.s32 @!p0 $0x1082;
	s9 =	sld [smem:$0x3FAB]  }
0x2f: {  	lr =	sadd.s32 s0, s3;
	s0 =	sld [smem:$0x3FA2]  }
0x30: {  	s3 =	sld [smem:$0x3FA5]  }
0x31: {  	[smem:$0x3FAE] =	sst s10  }
0x32: {  	s10 =	sld [smem:$0x3FAC];
	_ =	sdelay $0x3  }
0x33: {  	p0 =	seq.s32 s10, $0x1;
	s10 =	sld [smem:$0x3FAE];
	_ =	sdelay $0x3  }
0x34: {  	[smem:$0x3FAE] =	sst s10  }
0x35: {  	s10 =	sld [smem:$0x3FAD];
	_ =	sdelay $0x3  }
0x36: {  	p1 =	seq.s32 s10, $0x1;
	s10 =	sld [smem:$0x3FAE];
	_ =	sdelay $0x3  }
0x37: {  	[smem:$0x3FAE] =	sst s10  }
0x38: {  	s10 =	sld [smem:$0x3FAF]  }
0x39: {  	_ = 	snop;
	(pc) =	sbr.ind lr, $3  }
0x3a: {  	_ = 	snop  }
0x3b: {  	_ = 	snop  }
0x3c: {  	p2 =	seq.s32 s10, $0x1;
	s10 =	sld [smem:$0x3FAE]  }
0x3d: {  	_ =	shalt  }
0x3e: {  	_ =	shalt  }
0x3f: {  	_ =	shalt  }
0x40: {  	_ =	shalt  }
0x41: {  	_ =	shalt  }
0x42: {  	_ =	shalt  }
0x43: {  	_ =	shalt  }
0x44: {  	_ =	shalt  }
0x45: {  	_ =	shalt  }
0x46: {  	_ =	shalt  }
0x47: {  	_ =	shalt  }
0x48: {  	_ =	shalt  }
0x49: {  	_ =	shalt  }
0x4a: {  	_ =	shalt  }
0x4b: {  	_ =	shalt  }
0x4c: {  	_ =	shalt  }
0x4d: {  	_ =	shalt  }
0x4e: {  	_ =	shalt  }
0x4f: {  	_ =	shalt  }
0x50: {  	_ =	shalt  }
0x51: {  	_ =	shalt  }
0x52: {  	_ =	shalt  }
0x53: {  	_ =	shalt  }
0x54: {  	_ =	shalt  }
0x55: {  	_ =	shalt  }
0x56: {  	_ =	shalt  }
0x57: {  	_ =	shalt  }
0x58: {  	_ =	shalt  }
0x59: {  	_ =	shalt  }
0x5a: {  	_ =	shalt  }
0x5b: {  	_ =	shalt  }
0x5c: {  	_ =	shalt  }
0x5d: {  	_ =	shalt  }
0x5e: {  	_ =	shalt  }
0x5f: {  	_ =	shalt  }
0x60: {  	_ =	shalt  }
0x61: {  	_ =	shalt  }
0x62: {  	_ =	shalt  }
0x63: {  	_ =	shalt  }
0x64: {  	_ =	shalt  }
0x65: {  	_ =	shalt  }
0x66: {  	_ =	shalt  }
0x67: {  	_ =	shalt  }
0x68: {  	_ =	shalt  }
0x69: {  	_ =	shalt  }
0x6a: {  	_ =	shalt  }
0x6b: {  	_ =	shalt  }
0x6c: {  	_ =	shalt  }
0x6d: {  	_ =	shalt  }
0x6e: {  	_ =	shalt  }
0x6f: {  	_ =	shalt  }
0x70: {  	_ =	shalt  }
0x71: {  	_ =	shalt  }
0x72: {  	_ =	shalt  }
0x73: {  	_ =	shalt  }
0x74: {  	_ =	shalt  }
0x75: {  	_ =	shalt  }
0x76: {  	_ =	shalt  }
0x77: {  	_ =	shalt  }
0x78: {  	_ =	shalt  }
0x79: {  	_ =	shalt  }
0x7a: {  	_ =	shalt  }
0x7b: {  	_ =	shalt  }
0x7c: {  	_ =	shalt  }
0x7d: {  	_ =	shalt  }
0x7e: {  	_ =	shalt  }
0x7f: {  	_ =	shalt  }
0x80: {  	_ =	shalt  }
0x81: {  	_ =	shalt  }
0x82: {  	_ =	shalt  }
0x83: {  	_ =	shalt  }
0x84: {  	_ =	shalt  }
0x85: {  	_ =	shalt  }
0x86: {  	_ =	shalt  }
0x87: {  	_ =	shalt  }
.Lfunc_end0:
.L_simem_size_0:
called_computation_lowered:
.L_overlay_start_0:
0x88: {  	s2 =	sld [smem:$0x3FD9]  }
0x89: {  	s3 =	sld [smem:$0x3FFE];
	_ =	sdelay $0x1  }
0x8a: {  	s1 =	srdreg.scid  }
0x8b: {  	s0 =	sand.u32 $0x1, s1  }
0x8c: {  	s16 =	sshll.u32 s0, $0xA;
	s2 =	sadd.s32 s3, s2  }
0x8d: {  	s2 =	sadd.s32 s2, s16  }
0x8e: {  	[smem:$0x3FBA] =	sst s2  }
0x8f: {  	_ = 	snop  }
0x90: {  	(tm) =	ssettm $0x1  }
0x91: {  	s17 =	sld [smem:$0x3FFB];
	_ =	sdelay $0x3  }
0x92: {  	_ =	strace s17  }
0x93: {  	s2 =	sld [smem:$0x3FFC];
	_ =	sdelay $0x3  }
0x94: {  	_ =	strace s2  }
0x95: {  	s2 =	sld [smem:$0x3FFD];
	_ =	sdelay $0x3  }
0x96: {  	_ =	strace s2  }
0x97: {  	_ =	strace $0x8FFFFFFF  }
0x98: {  	s18 =	sld [smem:$0x3FDB];
	_ =	sdelay $0x1  }
0x99: {  	s19 =	simm.s32 $_scs_section_size  }
0x9a: {  	s4 =	simm.s32 $_size__tile_overlayer_lowered;
	s5 =	simm.s32 $_tile_overlayer_lowered  }
0x9b: {  	s22 =	simm.s32 $0x1BFF;
	s21 =	sshll.u32 s5, $0x1;
	s2 =	sadd.s32 s19, s18  }
0x9c: {  	s6 =	simm.s32 $0x0;
	s20 =	sshll.u32 s4, $0x1;
	s4 =	sadd.s32 s21, s2  }
0x9d: {  	[timem:s6], [sflag:s22] =	dma.local [hbm:s4], s20  }
0x9e: {  	_ =	swait.ge [sflag:s22], s20  }
0x9f: {  	s3 =	ssub.s32 $0x0, s20;
	[sflag:s22] =	ssyncset.done $0x0  }
0xa0: {  	[sflag:s22] =	ssyncadd.s32 s3;
	_ =	sdelay $0x1  }
0xa1: {  	s23 =	simm.s32 $0x1B8B  }
0xa2: {  	_ =	swait.ge [sflag:s23], $0x1  }
0xa3: {  	[sflag:s23] =	ssyncset.done $0x0  }
0xa4: {  	s25 =	simm.s32 $0x1B8E;
	s24 =	sld [smem:$0x3FFE];
	[sflag:s23] =	ssyncadd.s32 $0xFFFFFFFF  }
0xa5: {  	s26 =	simm.s32 $execute0_lowered;
	[smem:$0x3FD2] =	sst s25  }
0xa6: {  	s4 =	sshll.u32 s26, $0x1;
	_ =	strace $0x80000046;
	[dreg:$0x1] =	wrdreg $0xFFFFFFFF  }
0xa7: {  	s28 =	simm.s32 $_size_execute0_lowered;
	s2 =	sadd.s32 s2, s4;
	[dreg:$0x0] =	wrdreg $0x0  }
0xa8: {  	s4 =	sshll.u32 s28, $0x1;
	[dreg:$0x2] =	wrdreg s2  }
0xa9: {  	[dreg:$0x3] =	wrdreg s4  }
0xaa: {  	[dreg:$0x4] =	wrdreg $0xC0  }
0xab: {  	_ =	task [dreg:s6], $0x5FFFF  }
0xac: {  	[dreg:$0x1] =	wrdreg $0xFFFFFFFF  }
0xad: {  	[dreg:$0x0] =	wrdreg $0x60  }
0xae: {  	[dreg:$0x2] =	wrdreg s24  }
0xaf: {  	[dreg:$0x3] =	wrdreg $0x30000  }
0xb0: {  	[dreg:$0x4] =	wrdreg $0x9  }
0xb1: {  	_ =	task.clear_ibuf [dreg:s6], $0x5FFFF;
	_ =	strace $0x90000046  }
0xb2: {  	s29 =	simm.s32 $0x9;
	_ =	strace $0x80000048  }
0xb3: {  	_ =	swait.ge [sflag:s29], $0x1  }
0xb4: {  	[sflag:s29] =	ssyncadd.s32 $0xFFFFFFFF  }
0xb5: {  	_ =	strace $0x90000048  }
0xb6: {  	_ =	sfence  }
0xb7: {  	s30 =	sld [smem:$0x0];
	_ =	sdelay $0x2  }
0xb8: {  	s31 =	sshll.u32 s1, $0xD;
	s1 =	sshrl.u32 s1, $0x2  }
0xb9: {  	s3 =	sand.u32 $0x4000, s31;
	s1 =	sadd.s32 s1, s30  }
0xba: {  	s0 =	sor.u32 s3, s0;
	s1 =	sshll.u32 s1, $0x11  }
0xbb: {  	s0 =	sor.u32 s1, s0  }
0xbc: {  	s0 =	sadd.s32 $0x8F2B, s0  }
0xbd: {  	[sflag:s0] =	ssyncadd.remote.s32 $0x1  }
0xbe: {  	_ =	sfence.sel $0xFFFF  }
0xbf: {  	[dreg:$0x0] =	wrdreg $0xFFFFFFFF;
	(pc) =	sbr.abs _section_cstart, $3  }
0xc0: {  	[dreg:$0x1] =	wrdreg $0xFFFFFFFF  }
0xc1: {  	_ =	task.clear_ibuf [dreg:s6], $0x2FFFF;
	_ =	strace $0x9FFFFFFF  }
0xc2: {  	(tm) =	ssettm $0x7FFFFFFF  }
0xc3: {  	_ =	shalt  }
tec
execute0_lowered:
.L_overlay_start_1:
0x0: {  	(tag) =	ssettag $0x1  }
0x1: {  	s1 =	srdreg.scid  }
0x2: {  	s0 =	stileid.u32;
	s5 =	rddreg [dreg:$0x0]  }
0x3: {  	s2 =	rddreg [dreg:$0x1];
	s3 =	simm.s32 $0x0;
	s12 =	simm.s32 $0x2800  }
0x4: {  	s13 =	simm.s32 $0x80;
	s14 =	simm.s32 $0x0;
	s4 =	sand.u32 $0x1, s1  }
0x5: {  	s28 =	sshll.u32 s0, $0x1;
	s7 =	smul.u32 $0x2780, s0;
	[smem:$0x7FF] =	sst s3  }
0x6: {  	s31 =	sshll.u32 s0, $0x6;
	s1 =	sor.u32 s4, s28;
	s8 =	smul.u32 $0x27800, s4  }
0x7: {  	s10 =	ssub.s32 $0x2, s4;
	s4 =	sadd.s32 $0x16E00, s5;
	s6 =	smul.u32 $0x500, s1  }
0x8: {  	s1 =	rddreg [dreg:$0x2];
	_ =	strace $0x80000047;
	s29 =	sshrl.u32 s7, $0x3  }
0x9: {  	s11 =	sshrl.u32 s10, $0x1;
	s30 =	sadd.s32 s7, s2;
	s8 =	sadd.s32 s7, s8  }
0xa: {  	s10 =	ssub.s32 s10, s11;
	s11 =	simm.s32 $0x1;
	s8 =	sshrl.u32 s8, $0x3  }
0xb: {  	s9 =	sadd.s32 s6, s5;
	s6 =	sadd.s32 s29, s5;
	s8 =	sadd.s32 s8, s5  }
0xc: {  	s5 =	sadd.s32 $0x17000, s6;
	s6 =	sor.u32 $0x1C01, s31;
	s7 =	sadd.s32 $0x2E00, s9  }
0xd: {  	s9 =	smax.u32 s10, $0x1;
	s10 =	sshrl.u32 s30, $0x3;
	s8 =	sadd.s32 $0x1C000, s8  }
.LBB2_1:
0xe: {  	[spmem:s10], [sflag:s6] =	dma.local [hbm:s5], $0x4F0  }
0xf: {  	_ =	swait.ge [sflag:s11], $0x4F0  }
0x10: {  	[sflag:s11] =	ssyncset.done $0x0  }
0x11: {  	[sflag:s11] =	ssyncadd.s32 $0xFFFFFB10  }
0x12: {  	[tilespmem:s3], [sflag:$0x1] =	stream.linear.gather [hbm4b:s7+s3], $0x2800, $0x38;
	[tilespmem:$0x5780] =	vst v63  }
0x13: {  	_ =	swait.ge [sflag:s11], $0x2800  }
0x14: {  	[sflag:s11] =	ssyncset.done $0x0  }
0x15: {  	[sflag:s11] =	ssyncadd.s32 $0xFFFFD800  }
0x16: {  	[tilespmem:s12], [sflag:$0x1] =	stream.linear.gather [hbm4b:s4+s3], $0x800, $0x38;
	[tilespmem:$0x5780] =	vst v63  }
0x17: {  	_ =	swait.ge [sflag:s11], $0x800  }
0x18: {  	[sflag:s11] =	ssyncset.done $0x0  }
0x19: {  	[sflag:s11] =	ssyncadd.s32 $0xFFFFF800  }
0x1a: {  	s15 =	simm.s32 $0x0;
	[bflag:$0x0] =	sbarrier.arrive $0xFFFF  }
0x1b: {  	[spmem:s2] =	stream.indirect.scatter.add.f32 [tilespmem:s12], [sflag:$0x1], $0x10, s15, s13, $0xb8;
	[tilespmem:$0x5780] =	vst v63  }
0x1c: {  	_ =	swait.ge [sflag:s11], $0x800  }
0x1d: {  	s15 =	simm.s32 $0x200;
	[sflag:s11] =	ssyncset.done $0x0  }
.LBB2_2:
0x1e: {  	s16 =	sshra.s32 s15, $0x2;
	[sflag:s11] =	ssyncadd.s32 $0xFFFFF800;
	p0 =	sne.s32 s15, $0x9E00  }
0x1f: {  	[spmem:s2] =	stream.indirect.scatter.add.f32 [tilespmem:s12], [sflag:$0x1], $0x10, s16, s13, $0xb8;
	[tilespmem:$0x5780] =	vst v63  }
.Ltmp0:
0x20: {  	_ = 	snop;
	(pc) =	sbr.rel @p0 .LBB2_2-.Ltmp0, $4  }
0x21: {  	_ = 	snop  }
0x22: {  	s15 =	sadd.s32 $0x200, s15  }
0x23: {  	_ =	swait.ge [sflag:s11], $0x800  }
0x24: {  	[sflag:s11] =	ssyncset.done $0x0  }
0x25: {  	s14 =	sadd.s32 $0x1, s14  }
0x26: {  	[sflag:s11] =	ssyncadd.s32 $0xFFFFF800;
	p0 =	sne.s32 s14, s9  }
.Ltmp1:
0x27: {  	[bflag:$0x0] =	sbarrier.arrive $0xFFFF;
	(pc) =	sbr.rel @p0 .LBB2_1-.Ltmp1, $4  }
0x28: {  	[hbm:s8], [sflag:s6] =	dma.local [spmem:s10], $0x4F0  }
0x29: {  	_ =	swait.ge [sflag:s11], $0x4F0  }
0x2a: {  	[sflag:s11] =	ssyncset.done $0x0  }
0x2b: {  	[sflag:s11] =	ssyncadd.s32 $0xFFFFFB10  }
0x2c: {  	_ =	sfence.sel $0x180000  }
0x2d: {  	[bflag:$0x0] =	sbarrier.arrive $0xFFFF  }
0x2e: {  	p0 =	sne.s32 s0, $0x0;
	_ =	strace $0x90000047  }
0x2f: {  	s0 =	sadd.s32 @!p0 $0x100000, s1;
	[bflag:$0x2] =	sbarrier.arrive $0xFFFF  }
0x30: {  	[sflag:s0] =	ssyncadd.tile.s32 @!p0 $0x1;
	_ =	shalt  }
.Lfunc_end2:
_tile_overlayer_lowered:
.L_overlay_start_2:
0x31: {  	(tag) =	ssettag $0x2  }
0x32: {  	s0 =	rddreg [dreg:$0x0];
	s2 =	stileid.u32  }
0x33: {  	s1 =	rddreg [dreg:$0x1];
	p0 =	sne.s32 s2, $0x0  }
0x34: {  	s3 =	rddreg [dreg:$0x2];
	[bflag:$0x3] =	sbarrier.arrive $0xFFFF;
	s2 =	simm.s32 @!p0 $0x1C01  }
0x35: {  	[timem:s3], [sflag:s2] =	dma.local @!p0 [hbm:s0], s1  }
0x36: {  	s0 =	simm.s32 @!p0 $0x1  }
0x37: {  	_ =	swait.ge @!p0 [sflag:s0], s1  }
0x38: {  	s1 =	ssub.s32 @!p0 $0x0, s1;
	[sflag:s0] =	ssyncset.done @!p0 $0x0  }
0x39: {  	[sflag:s0] =	ssyncadd.s32 @!p0 s1  }
0x3a: {  	[bflag:$0x3] =	sbarrier.arrive $0xFFFF  }
0x3b: {  	_ =	shalt  }

</sc_bundles>
